<compile_context>
chip_gen: v7x
topology: tpu7x:2x2x1
jax: 0.10.2.dev20260603
libtpu: 0.0.44.dev20260713+nightly
codegen_flags: <defaults>
</compile_context>

<pallas_src>
import functools

import jax
import jax.numpy as jnp
from jax import lax
from jax.experimental import pallas as pl
from jax.experimental.pallas import tpu as pltpu
from jax.experimental.pallas import tpu_sc as plsc

N = 10000
D = 128
E = 320000
ETOT = E + N
EPS = 1e-5

NC, NS, L = 2, 16, 16
NW = NC * NS
K = 128
NBUF = 2
BLOCKS = 82
C = K * BLOCKS
EPAD = C * NW
NPAD = 10240
RPT = NPAD // NS
ZR = 64

@functools.cache
def _mesh():
    return plsc.VectorSubcoreMesh(
        core_axis_name="c", subcore_axis_name="s",
        num_cores=NC, num_subcores=NS)



def _degree_body(dstr, out, didx, ones, buf, acc):
    c = lax.axis_index("c")
    s = lax.axis_index("s")
    wid = c * NS + s
    row0 = s * RPT

    def zloop(i, carry):
        buf[pl.ds(i * L, L)] = jnp.zeros((L,), jnp.float32)
        return carry
    lax.fori_loop(0, RPT // L, zloop, 0)

    def oloop(i, carry):
        ones[pl.ds(i * L, L)] = jnp.ones((L,), jnp.float32)
        return carry
    lax.fori_loop(0, K // L, oloop, 0)

    pltpu.sync_copy(buf, acc.at[pl.ds(row0, RPT)])
    plsc.subcore_barrier()

    def body(j, carry):
        eoff = wid * C + j * K
        pltpu.sync_copy(dstr.at[pl.ds(eoff, K)], didx)
        pltpu.sync_copy(ones, acc.at[didx], add=True)
        return carry
    lax.fori_loop(0, BLOCKS, body, 0)
    plsc.subcore_barrier()

    pltpu.sync_copy(acc.at[pl.ds(row0, RPT)], buf)
    pltpu.sync_copy(buf, out.at[c, pl.ds(row0, RPT)])


@functools.cache
def _sc_degree():
    return pl.kernel(
        _degree_body,
        out_type=jax.ShapeDtypeStruct((NC, NPAD), jnp.float32),
        mesh=_mesh(),
        scratch_types=[
            pltpu.VMEM((K,), jnp.int32),
            pltpu.VMEM((K,), jnp.float32),
            pltpu.VMEM((RPT,), jnp.float32),
            pltpu.VMEM_SHARED((NPAD,), jnp.float32),
        ],
    )


def _scatter_body(hp, srcr, dstr, out,
                  sidx0, sidx1, didx0, didx1, rows0, rows1, zbuf, acc,
                  gsem0, gsem1):
    sidx = (sidx0, sidx1)
    didx = (didx0, didx1)
    rows = (rows0, rows1)
    gsem = (gsem0, gsem1)
    c = lax.axis_index("c")
    s = lax.axis_index("s")
    wid = c * NS + s
    row0 = s * RPT

    def zloop(i, carry):
        zbuf[i // 8, pl.ds((i % 8) * L, L)] = jnp.zeros((L,), jnp.float32)
        return carry
    lax.fori_loop(0, ZR * (D // L), zloop, 0)

    def zcopy(j, carry):
        pltpu.sync_copy(zbuf, acc.at[pl.ds(row0 + j * ZR, ZR)])
        return carry
    lax.fori_loop(0, RPT // ZR, zcopy, 0)
    plsc.subcore_barrier()

    def load_and_gather(j, b):
        eoff = wid * C + j * K
        pltpu.sync_copy(srcr.at[pl.ds(eoff, K)], sidx[b])
        pltpu.sync_copy(dstr.at[pl.ds(eoff, K)], didx[b])
        pltpu.async_copy(hp.at[sidx[b]], rows[b], gsem[b])

    def wait_gather(b):
        pltpu.make_async_copy(hp.at[sidx[b]], rows[b], gsem[b]).wait()

    for b in range(NBUF):
        load_and_gather(b, b)

    def body(sb, carry):
        j0 = sb * NBUF
        for b in range(NBUF):
            wait_gather(b)
            pltpu.sync_copy(rows[b], acc.at[didx[b]], add=True)
            load_and_gather(j0 + NBUF + b, b)
        return carry
    lax.fori_loop(0, BLOCKS // NBUF - 1, body, 0)

    for b in range(NBUF):
        wait_gather(b)
        pltpu.sync_copy(rows[b], acc.at[didx[b]], add=True)
    plsc.subcore_barrier()

    def ocopy(j, carry):
        r = row0 + j * ZR
        pltpu.sync_copy(acc.at[pl.ds(r, ZR)], zbuf)
        pltpu.sync_copy(zbuf, out.at[c, pl.ds(r, ZR)])
        return carry
    lax.fori_loop(0, RPT // ZR, ocopy, 0)


@functools.cache
def _sc_scatter():
    return pl.kernel(
        _scatter_body,
        out_type=jax.ShapeDtypeStruct((NC, NPAD, D), jnp.float32),
        mesh=_mesh(),
        scratch_types=[
            pltpu.VMEM((K,), jnp.int32),
            pltpu.VMEM((K,), jnp.int32),
            pltpu.VMEM((K,), jnp.int32),
            pltpu.VMEM((K,), jnp.int32),
            pltpu.VMEM((K, D), jnp.float32),
            pltpu.VMEM((K, D), jnp.float32),
            pltpu.VMEM((ZR, D), jnp.float32),
            pltpu.VMEM_SHARED((NPAD, D), jnp.float32),
            pltpu.SemaphoreType.DMA,
            pltpu.SemaphoreType.DMA,
        ],
    )



def _pre_body(deg_ref, x_ref, w_ref, hp_ref, dinv_ref):
    deg = deg_ref[0] + deg_ref[1]
    rows = lax.broadcasted_iota(jnp.int32, (NPAD, 1), 0)
    dinv = jnp.where(rows < N, lax.rsqrt(jnp.maximum(deg, 1.0)), 0.0)
    hp = jnp.dot(x_ref[...], w_ref[...], preferred_element_type=jnp.float32)
    hp_ref[...] = hp * dinv
    dinv_ref[...] = dinv


def _mid_body(s_ref, dinv_ref, b_ref, g_ref, bt_ref, w_ref, hp_ref):
    sacc = s_ref[0] + s_ref[1]
    dinv = dinv_ref[...]
    cfull = sacc * dinv + b_ref[...]
    cn = cfull[:N]
    mean = jnp.mean(cn, axis=0, keepdims=True)
    xc = cn - mean
    var = jnp.mean(xc * xc, axis=0, keepdims=True)
    scale = g_ref[...] * lax.rsqrt(var + EPS)
    zfull = (cfull - mean) * scale + bt_ref[...]
    hp = jnp.dot(zfull, w_ref[...], preferred_element_type=jnp.float32)
    hp_ref[...] = hp * dinv


def _post_body(s_ref, dinv_ref, b_ref, out_ref):
    sacc = s_ref[0] + s_ref[1]
    out_ref[...] = (sacc * dinv_ref[...] + b_ref[...])[:N]


def _tc_pre(deg2, x_pad, w1):
    return pl.pallas_call(
        _pre_body,
        out_shape=[jax.ShapeDtypeStruct((NPAD, D), jnp.float32),
                   jax.ShapeDtypeStruct((NPAD, 1), jnp.float32)],
    )(deg2, x_pad, w1)


def _tc_mid(s2, dinv, b, g, bt, w):
    return pl.pallas_call(
        _mid_body,
        out_shape=jax.ShapeDtypeStruct((NPAD, D), jnp.float32),
    )(s2, dinv, b, g, bt, w)


def _tc_post(s2, dinv, b):
    return pl.pallas_call(
        _post_body,
        out_shape=jax.ShapeDtypeStruct((N, D), jnp.float32),
    )(s2, dinv, b)



def kernel(x, edge_index, W1, b1, g2, bt2, Wm, bm, g3, bt3, W2, b2):
    loops = jnp.arange(N, dtype=jnp.int32)
    pad_src = N + jnp.arange(EPAD - ETOT, dtype=jnp.int32) % (NPAD - N)
    pad_dst = N + jnp.arange(EPAD - ETOT, dtype=jnp.int32) % (NPAD - N)
    src = jnp.concatenate([edge_index[0], loops, pad_src])
    dst = jnp.concatenate([edge_index[1], loops, pad_dst])
    x_pad = jnp.pad(x, ((0, NPAD - N), (0, 0)))

    deg2 = _sc_degree()(dst)
    hp1, dinv = _tc_pre(deg2[:, :, None], x_pad, W1)
    scat = _sc_scatter()
    s1 = scat(hp1, src, dst)
    hp2 = _tc_mid(s1, dinv, b1[None, :], g2[None, :], bt2[None, :], Wm)
    s2 = scat(hp2, src, dst)
    hp3 = _tc_mid(s2, dinv, bm[None, :], g3[None, :], bt3[None, :], W2)
    s3 = scat(hp3, src, dst)
    return _tc_post(s3, dinv, b2[None, :])

# --- scband reference (transcript-rebuilt; emitter-appended) ---
"""Pipeline reference for scband-gcn-13675175871111 (READ-ONLY COPY).

The authoritative reference and input builder live on the scoring server;
editing this copy changes nothing except your own understanding.
"""

import jax, jax.numpy as jnp
import numpy as np

N = 10000
E = 320000
D_IN = 128
H = 128
D_OUT = 128
EPS = 1e-5


def setup_inputs(seed: int = 0) -> dict:
    key = jax.random.key(seed)
    ks = jax.random.split(key, 12)
    x = jax.random.normal(ks[0], (N, D_IN), dtype=jnp.float32)
    edge_index = jax.random.randint(ks[1], (2, E), 0, N, dtype=jnp.int32)
    s1 = 1.0 / np.sqrt(D_IN)
    sm = 1.0 / np.sqrt(H)
    W1 = jax.random.uniform(ks[2], (D_IN, H), dtype=jnp.float32, minval=-s1, maxval=s1)
    b1 = jnp.zeros((H,), dtype=jnp.float32)
    g2 = jnp.ones((H,), dtype=jnp.float32)
    bt2 = jnp.zeros((H,), dtype=jnp.float32)
    Wm = jax.random.uniform(ks[3], (H, H), dtype=jnp.float32, minval=-sm, maxval=sm)
    bm = jnp.zeros((H,), dtype=jnp.float32)
    g3 = jnp.ones((H,), dtype=jnp.float32)
    bt3 = jnp.zeros((H,), dtype=jnp.float32)
    W2 = jax.random.uniform(ks[4], (H, D_OUT), dtype=jnp.float32, minval=-sm, maxval=sm)
    b2 = jnp.zeros((D_OUT,), dtype=jnp.float32)
    return {"x": x, "edge_index": edge_index, "W1": W1, "b1": b1, "g2": g2, "bt2": bt2,
            "Wm": Wm, "bm": bm, "g3": g3, "bt3": bt3, "W2": W2, "b2": b2}


def _gcn_conv(x, src, dst, W, b):
    # GCNConv: D^-1/2 (A+I) D^-1/2 X W + b (self-loops already appended to src/dst)
    h = x @ W
    deg = jnp.zeros((N,), dtype=x.dtype).at[dst].add(1.0)
    dinv = jnp.where(deg > 0, jax.lax.rsqrt(jnp.maximum(deg, 1e-12)), 0.0)
    norm = dinv[src] * dinv[dst]
    msg = h[src] * norm[:, None]
    out = jnp.zeros((N, h.shape[1]), dtype=x.dtype).at[dst].add(msg)
    return out + b


def _batch_norm(x, gamma, beta):
    # BatchNorm1d in training mode: batch statistics (biased variance)
    mean = jnp.mean(x, axis=0)
    var = jnp.mean(jnp.square(x - mean), axis=0)
    return gamma * (x - mean) * jax.lax.rsqrt(var + EPS) + beta


def reference(x, edge_index, W1, b1, g2, bt2, Wm, bm, g3, bt3, W2, b2):
    loops = jnp.arange(N, dtype=edge_index.dtype)
    src = jnp.concatenate([edge_index[0], loops])
    dst = jnp.concatenate([edge_index[1], loops])
    h = _gcn_conv(x, src, dst, W1, b1)
    h = _batch_norm(h, g2, bt2)
    h = _gcn_conv(h, src, dst, Wm, bm)
    h = _batch_norm(h, g3, bt3)
    h = _gcn_conv(h, src, dst, W2, b2)
    return h

if __name__ == "__main__":
    import jax
    _d = setup_inputs()
    print(jax.jit(kernel)(*tuple(_d.values())))

</pallas_src>

<mosaic_0001>
#map = affine_map<(d0, d1) -> (0, 0)>
#map1 = affine_map<(d0, d1) -> (0)>
#map2 = affine_map<(d0, d1) -> (0, 0, 0)>
module attributes {stable_mosaic.version = 14 : i64} {
  func.func @_scatter_body(%arg0: i32, %arg1: i32, %arg2: memref<10240x128xf32, #tpu.memory_space<hbm>>, %arg3: memref<335872xi32, #tpu.memory_space<hbm>>, %arg4: memref<335872xi32, #tpu.memory_space<hbm>>, %arg5: memref<2x10240x128xf32, #tpu.memory_space<hbm>>, %arg6: memref<128xi32, #tpu.memory_space<vmem>>, %arg7: memref<128xi32, #tpu.memory_space<vmem>>, %arg8: memref<128xi32, #tpu.memory_space<vmem>>, %arg9: memref<128xi32, #tpu.memory_space<vmem>>, %arg10: memref<128x128xf32, #tpu.memory_space<vmem>>, %arg11: memref<128x128xf32, #tpu.memory_space<vmem>>, %arg12: memref<64x128xf32, #tpu.memory_space<vmem>>, %arg13: memref<10240x128xf32, #tpu.memory_space<vmem_shared>>, %arg14: memref<!tpu.dma_semaphore, #tpu.memory_space<semaphore_mem>>, %arg15: memref<!tpu.dma_semaphore, #tpu.memory_space<semaphore_mem>>) attributes {dimension_semantics = [#tpu.dimension_semantics<core_parallel>, #tpu.dimension_semantics<subcore_parallel>], iteration_bounds = array<i64: 2, 16>, scalar_prefetch = 0 : i64, scratch_operands = 10 : i64, tpu.core_type = #tpu.core_type<sc_vector_subcore>, window_params = [{transform_indices = #map}, {transform_indices = #map1}, {transform_indices = #map1}, {transform_indices = #map2}]} {
    %mul3A = arith.constant 16 : i32
    %mul3A_0 = arith.muli %arg0, %mul3A : i32
    %add3A = arith.addi %mul3A_0, %arg1 : i32
    %mul3A_1 = arith.constant 640 : i32
    %mul3A_2 = arith.muli %arg1, %mul3A_1 : i32
    %scan3A = arith.constant 0 : i32
    %scan3A_3 = arith.constant 0 : i32
    %scan3A_4 = arith.constant 512 : i32
    %scan3A_5 = arith.addi %scan3A_3, %scan3A_4 : i32
    %scan3A_6 = arith.constant 1 : i32
    scf.for %scan3A_45 = %scan3A_3 to %scan3A_5 step %scan3A_6  : i32 {
      %broadcast_in_dim3A = arith.constant 0.000000e+00 : f32
      %broadcast_in_dim3A_46 = vector.broadcast %broadcast_in_dim3A : f32 to vector<16xf32>
      %jit3A = arith.constant 8 : i32
      %div3A = arith.divsi %scan3A_45, %jit3A : i32
      %sign3A = arith.constant 0 : i32
      %sign3A_47 = arith.cmpi sgt, %scan3A_45, %sign3A : i32
      %sign3A_48 = arith.extui %sign3A_47 : i1 to i32
      %sign3A_49 = arith.constant 0 : i32
      %sign3A_50 = arith.cmpi slt, %scan3A_45, %sign3A_49 : i32
      %sign3A_51 = arith.extui %sign3A_50 : i1 to i32
      %sign3A_52 = arith.subi %sign3A_48, %sign3A_51 : i32
      %sign3A_53 = arith.constant 0 : i32
      %sign3A_54 = arith.cmpi sgt, %jit3A, %sign3A_53 : i32
      %sign3A_55 = arith.extui %sign3A_54 : i1 to i32
      %sign3A_56 = arith.constant 0 : i32
      %sign3A_57 = arith.cmpi slt, %jit3A, %sign3A_56 : i32
      %sign3A_58 = arith.extui %sign3A_57 : i1 to i32
      %sign3A_59 = arith.subi %sign3A_55, %sign3A_58 : i32
      %ne3A = arith.cmpi ne, %sign3A_52, %sign3A_59 : i32
      %rem3A = arith.remsi %scan3A_45, %jit3A : i32
      %ne3A_60 = arith.constant 0 : i32
      %ne3A_61 = arith.cmpi ne, %rem3A, %ne3A_60 : i32
      %and3A = arith.andi %ne3A, %ne3A_61 : i1
      %sub3A = arith.constant 1 : i32
      %sub3A_62 = arith.subi %div3A, %sub3A : i32
      %select_n3A = arith.select %and3A, %sub3A_62, %div3A : i32
      %jit3A_63 = arith.constant 8 : i32
      %eq3A = arith.constant 0 : i32
      %eq3A_64 = arith.cmpi eq, %jit3A_63, %eq3A : i32
      %jit3A_65 = arith.constant 1 : i32
      %select_n3A_66 = arith.select %eq3A_64, %jit3A_65, %jit3A_63 : i32
      %rem3A_67 = arith.remsi %scan3A_45, %select_n3A_66 : i32
      %ne3A_68 = arith.constant 0 : i32
      %ne3A_69 = arith.cmpi ne, %rem3A_67, %ne3A_68 : i32
      %lt3A = arith.constant 0 : i32
      %lt3A_70 = arith.cmpi slt, %rem3A_67, %lt3A : i32
      %lt3A_71 = arith.constant 0 : i32
      %lt3A_72 = arith.cmpi slt, %select_n3A_66, %lt3A_71 : i32
      %ne3A_73 = arith.xori %lt3A_70, %lt3A_72 : i1
      %and3A_74 = arith.andi %ne3A_73, %ne3A_69 : i1
      %add3A_75 = arith.addi %rem3A_67, %select_n3A_66 : i32
      %select_n3A_76 = arith.select %and3A_74, %add3A_75, %rem3A_67 : i32
      %mul3A_77 = arith.constant 16 : i32
      %mul3A_78 = arith.muli %select_n3A_76, %mul3A_77 : i32
      %swap3A = arith.index_cast %select_n3A : i32 to index
      %swap3A_79 = arith.index_cast %mul3A_78 : i32 to index
      %swap3A_80 = tpu.vector_load %arg12[%swap3A, %swap3A_79] {strides = array<i32>} : memref<64x128xf32, #tpu.memory_space<vmem>>, vector<1x16xf32>,
      %swap3A_81 = vector.shape_cast %swap3A_80 : vector<1x16xf32> to vector<16xf32>
      %swap3A_82 = vector.shape_cast %broadcast_in_dim3A_46 : vector<16xf32> to vector<1x16xf32>
      tpu.vector_store %arg12[%swap3A, %swap3A_79], %swap3A_82 {strides = array<i32>} : memref<64x128xf32, #tpu.memory_space<vmem>>, vector<1x16xf32>,
    }
    %scan3A_7 = arith.constant 512 : i32
    %scan3A_8 = arith.constant 0 : i32
    %scan3A_9 = arith.constant 0 : i32
    %scan3A_10 = arith.constant 10 : i32
    %scan3A_11 = arith.addi %scan3A_9, %scan3A_10 : i32
    %scan3A_12 = arith.constant 1 : i32
    scf.for %scan3A_45 = %scan3A_9 to %scan3A_11 step %scan3A_12  : i32 {
      %mul3A_46 = arith.constant 64 : i32
      %mul3A_47 = arith.muli %scan3A_45, %mul3A_46 : i32
      %add3A_48 = arith.addi %mul3A_2, %mul3A_47 : i32
      "tpu.region"() ({
        %run_scoped3A = tpu.sem_alloc : memref<!tpu.dma_semaphore, #tpu.memory_space<semaphore_mem>>
        %dma_start3A_49 = arith.constant 0 : i32
        %dma_start3A_50 = tpu.memref_slice %arg13[%add3A_48, %dma_start3A_49] : memref<10240x128xf32, #tpu.memory_space<vmem_shared>> -> memref<64x128xf32, #tpu.memory_space<vmem_shared>>
        %dma_start3A_51 = arith.constant 0 : i32
        %dma_start3A_52 = tpu.memref_slice %arg13[%add3A_48, %dma_start3A_51] : memref<10240x128xf32, #tpu.memory_space<vmem_shared>> -> memref<64x128xf32, #tpu.memory_space<vmem_shared>>
        tpu.enqueue_dma source(%arg12 : memref<64x128xf32, #tpu.memory_space<vmem>>) target(%dma_start3A_52 : memref<64x128xf32, #tpu.memory_space<vmem_shared>>) target_semaphore(%run_scoped3A : memref<!tpu.dma_semaphore, #tpu.memory_space<semaphore_mem>>)
        %dma_wait3A_53 = arith.constant 0 : i32
        %dma_wait3A_54 = tpu.memref_slice %arg13[%add3A_48, %dma_wait3A_53] : memref<10240x128xf32, #tpu.memory_space<vmem_shared>> -> memref<64x128xf32, #tpu.memory_space<vmem_shared>>
        %dma_wait3A_55 = arith.constant 0 : i32
        %dma_wait3A_56 = tpu.memref_slice %arg13[%add3A_48, %dma_wait3A_55] : memref<10240x128xf32, #tpu.memory_space<vmem_shared>> -> memref<64x128xf32, #tpu.memory_space<vmem_shared>>
        tpu.wait_dma2 semaphore(%run_scoped3A : memref<!tpu.dma_semaphore, #tpu.memory_space<semaphore_mem>>) src(%arg12 : memref<64x128xf32, #tpu.memory_space<vmem>>) dst(%dma_wait3A_56 : memref<64x128xf32, #tpu.memory_space<vmem_shared>>)
        tpu.yield
      }) : () -> ()
    }
    %scan3A_13 = arith.constant 10 : i32
    %barrier3A = arith.constant 0 : index
    tpu.barrier barrier_id(%barrier3A)
    %mul3A_14 = arith.constant 10496 : i32
    %mul3A_15 = arith.muli %add3A, %mul3A_14 : i32
    %add3A_16 = arith.constant 0 : i32
    %add3A_17 = arith.addi %mul3A_15, %add3A_16 : i32
    "tpu.region"() ({
      %run_scoped3A = tpu.sem_alloc : memref<!tpu.dma_semaphore, #tpu.memory_space<semaphore_mem>>
      %dma_start3A_45 = tpu.memref_slice %arg3[%add3A_17] : memref<335872xi32, #tpu.memory_space<hbm>> -> memref<128xi32, #tpu.memory_space<hbm>>
      %dma_start3A_46 = tpu.memref_slice %arg3[%add3A_17] : memref<335872xi32, #tpu.memory_space<hbm>> -> memref<128xi32, #tpu.memory_space<hbm>>
      tpu.enqueue_dma source(%dma_start3A_46 : memref<128xi32, #tpu.memory_space<hbm>>) target(%arg6 : memref<128xi32, #tpu.memory_space<vmem>>) target_semaphore(%run_scoped3A : memref<!tpu.dma_semaphore, #tpu.memory_space<semaphore_mem>>)
      %dma_wait3A_47 = tpu.memref_slice %arg3[%add3A_17] : memref<335872xi32, #tpu.memory_space<hbm>> -> memref<128xi32, #tpu.memory_space<hbm>>
      %dma_wait3A_48 = tpu.memref_slice %arg3[%add3A_17] : memref<335872xi32, #tpu.memory_space<hbm>> -> memref<128xi32, #tpu.memory_space<hbm>>
      tpu.wait_dma2 semaphore(%run_scoped3A : memref<!tpu.dma_semaphore, #tpu.memory_space<semaphore_mem>>) src(%dma_wait3A_48 : memref<128xi32, #tpu.memory_space<hbm>>) dst(%arg6 : memref<128xi32, #tpu.memory_space<vmem>>)
      tpu.yield
    }) : () -> ()
    "tpu.region"() ({
      %run_scoped3A = tpu.sem_alloc : memref<!tpu.dma_semaphore, #tpu.memory_space<semaphore_mem>>
      %dma_start3A_45 = tpu.memref_slice %arg4[%add3A_17] : memref<335872xi32, #tpu.memory_space<hbm>> -> memref<128xi32, #tpu.memory_space<hbm>>
      %dma_start3A_46 = tpu.memref_slice %arg4[%add3A_17] : memref<335872xi32, #tpu.memory_space<hbm>> -> memref<128xi32, #tpu.memory_space<hbm>>
      tpu.enqueue_dma source(%dma_start3A_46 : memref<128xi32, #tpu.memory_space<hbm>>) target(%arg8 : memref<128xi32, #tpu.memory_space<vmem>>) target_semaphore(%run_scoped3A : memref<!tpu.dma_semaphore, #tpu.memory_space<semaphore_mem>>)
      %dma_wait3A_47 = tpu.memref_slice %arg4[%add3A_17] : memref<335872xi32, #tpu.memory_space<hbm>> -> memref<128xi32, #tpu.memory_space<hbm>>
      %dma_wait3A_48 = tpu.memref_slice %arg4[%add3A_17] : memref<335872xi32, #tpu.memory_space<hbm>> -> memref<128xi32, #tpu.memory_space<hbm>>
      tpu.wait_dma2 semaphore(%run_scoped3A : memref<!tpu.dma_semaphore, #tpu.memory_space<semaphore_mem>>) src(%dma_wait3A_48 : memref<128xi32, #tpu.memory_space<hbm>>) dst(%arg8 : memref<128xi32, #tpu.memory_space<vmem>>)
      tpu.yield
    }) : () -> ()
    %dma_start3A = arith.constant 0 : i32
    %dma_start3A_18 = arith.constant 0 : i32
    %dma_start3A_19 = tpu.memref_slice %arg2[%dma_start3A, %dma_start3A_18] : memref<10240x128xf32, #tpu.memory_space<hbm>> -> memref<10240x128xf32, #tpu.memory_space<hbm>>
    tpu.enqueue_indirect_dma source(%dma_start3A_19 : memref<10240x128xf32, #tpu.memory_space<hbm>>) target(%arg10 : memref<128x128xf32, #tpu.memory_space<vmem>>) offsets(%arg6 : memref<128xi32, #tpu.memory_space<vmem>>) semaphore(%arg14 : memref<!tpu.dma_semaphore, #tpu.memory_space<semaphore_mem>>)
    %mul3A_20 = arith.constant 10496 : i32
    %mul3A_21 = arith.muli %add3A, %mul3A_20 : i32
    %add3A_22 = arith.constant 128 : i32
    %add3A_23 = arith.addi %mul3A_21, %add3A_22 : i32
    "tpu.region"() ({
      %run_scoped3A = tpu.sem_alloc : memref<!tpu.dma_semaphore, #tpu.memory_space<semaphore_mem>>
      %dma_start3A_45 = tpu.memref_slice %arg3[%add3A_23] : memref<335872xi32, #tpu.memory_space<hbm>> -> memref<128xi32, #tpu.memory_space<hbm>>
      %dma_start3A_46 = tpu.memref_slice %arg3[%add3A_23] : memref<335872xi32, #tpu.memory_space<hbm>> -> memref<128xi32, #tpu.memory_space<hbm>>
      tpu.enqueue_dma source(%dma_start3A_46 : memref<128xi32, #tpu.memory_space<hbm>>) target(%arg7 : memref<128xi32, #tpu.memory_space<vmem>>) target_semaphore(%run_scoped3A : memref<!tpu.dma_semaphore, #tpu.memory_space<semaphore_mem>>)
      %dma_wait3A_47 = tpu.memref_slice %arg3[%add3A_23] : memref<335872xi32, #tpu.memory_space<hbm>> -> memref<128xi32, #tpu.memory_space<hbm>>
      %dma_wait3A_48 = tpu.memref_slice %arg3[%add3A_23] : memref<335872xi32, #tpu.memory_space<hbm>> -> memref<128xi32, #tpu.memory_space<hbm>>
      tpu.wait_dma2 semaphore(%run_scoped3A : memref<!tpu.dma_semaphore, #tpu.memory_space<semaphore_mem>>) src(%dma_wait3A_48 : memref<128xi32, #tpu.memory_space<hbm>>) dst(%arg7 : memref<128xi32, #tpu.memory_space<vmem>>)
      tpu.yield
    }) : () -> ()
    "tpu.region"() ({
      %run_scoped3A = tpu.sem_alloc : memref<!tpu.dma_semaphore, #tpu.memory_space<semaphore_mem>>
      %dma_start3A_45 = tpu.memref_slice %arg4[%add3A_23] : memref<335872xi32, #tpu.memory_space<hbm>> -> memref<128xi32, #tpu.memory_space<hbm>>
      %dma_start3A_46 = tpu.memref_slice %arg4[%add3A_23] : memref<335872xi32, #tpu.memory_space<hbm>> -> memref<128xi32, #tpu.memory_space<hbm>>
      tpu.enqueue_dma source(%dma_start3A_46 : memref<128xi32, #tpu.memory_space<hbm>>) target(%arg9 : memref<128xi32, #tpu.memory_space<vmem>>) target_semaphore(%run_scoped3A : memref<!tpu.dma_semaphore, #tpu.memory_space<semaphore_mem>>)
      %dma_wait3A_47 = tpu.memref_slice %arg4[%add3A_23] : memref<335872xi32, #tpu.memory_space<hbm>> -> memref<128xi32, #tpu.memory_space<hbm>>
      %dma_wait3A_48 = tpu.memref_slice %arg4[%add3A_23] : memref<335872xi32, #tpu.memory_space<hbm>> -> memref<128xi32, #tpu.memory_space<hbm>>
      tpu.wait_dma2 semaphore(%run_scoped3A : memref<!tpu.dma_semaphore, #tpu.memory_space<semaphore_mem>>) src(%dma_wait3A_48 : memref<128xi32, #tpu.memory_space<hbm>>) dst(%arg9 : memref<128xi32, #tpu.memory_space<vmem>>)
      tpu.yield
    }) : () -> ()
    %dma_start3A_24 = arith.constant 0 : i32
    %dma_start3A_25 = arith.constant 0 : i32
    %dma_start3A_26 = tpu.memref_slice %arg2[%dma_start3A_24, %dma_start3A_25] : memref<10240x128xf32, #tpu.memory_space<hbm>> -> memref<10240x128xf32, #tpu.memory_space<hbm>>
    tpu.enqueue_indirect_dma source(%dma_start3A_26 : memref<10240x128xf32, #tpu.memory_space<hbm>>) target(%arg11 : memref<128x128xf32, #tpu.memory_space<vmem>>) offsets(%arg7 : memref<128xi32, #tpu.memory_space<vmem>>) semaphore(%arg15 : memref<!tpu.dma_semaphore, #tpu.memory_space<semaphore_mem>>)
    %scan3A_27 = arith.constant 0 : i32
    %scan3A_28 = arith.constant 0 : i32
    %scan3A_29 = arith.constant 40 : i32
    %scan3A_30 = arith.addi %scan3A_28, %scan3A_29 : i32
    %scan3A_31 = arith.constant 1 : i32
    scf.for %scan3A_45 = %scan3A_28 to %scan3A_30 step %scan3A_31  : i32 {
      %mul3A_46 = arith.constant 2 : i32
      %mul3A_47 = arith.muli %scan3A_45, %mul3A_46 : i32
      %dma_wait3A_48 = arith.constant 0 : i32
      %dma_wait3A_49 = arith.constant 0 : i32
      %dma_wait3A_50 = tpu.memref_slice %arg2[%dma_wait3A_48, %dma_wait3A_49] : memref<10240x128xf32, #tpu.memory_space<hbm>> -> memref<10240x128xf32, #tpu.memory_space<hbm>>
      tpu.wait_indirect_dma semaphore(%arg14 : memref<!tpu.dma_semaphore, #tpu.memory_space<semaphore_mem>>) src(%dma_wait3A_50 : memref<10240x128xf32, #tpu.memory_space<hbm>>) dst(%arg10 : memref<128x128xf32, #tpu.memory_space<vmem>>)
      "tpu.region"() ({
        %run_scoped3A = tpu.sem_alloc : memref<!tpu.dma_semaphore, #tpu.memory_space<semaphore_mem>>
        %dma_start3A_78 = arith.constant 0 : i32
        %dma_start3A_79 = arith.constant 0 : i32
        %dma_start3A_80 = tpu.memref_slice %arg13[%dma_start3A_78, %dma_start3A_79] : memref<10240x128xf32, #tpu.memory_space<vmem_shared>> -> memref<10240x128xf32, #tpu.memory_space<vmem_shared>>
        tpu.enqueue_indirect_dma source(%arg10 : memref<128x128xf32, #tpu.memory_space<vmem>>) target(%dma_start3A_80 : memref<10240x128xf32, #tpu.memory_space<vmem_shared>>) offsets(%arg8 : memref<128xi32, #tpu.memory_space<vmem>>) semaphore(%run_scoped3A : memref<!tpu.dma_semaphore, #tpu.memory_space<semaphore_mem>>) {add = true}
        %dma_wait3A_81 = arith.constant 0 : i32
        %dma_wait3A_82 = arith.constant 0 : i32
        %dma_wait3A_83 = tpu.memref_slice %arg13[%dma_wait3A_81, %dma_wait3A_82] : memref<10240x128xf32, #tpu.memory_space<vmem_shared>> -> memref<10240x128xf32, #tpu.memory_space<vmem_shared>>
        tpu.wait_indirect_dma semaphore(%run_scoped3A : memref<!tpu.dma_semaphore, #tpu.memory_space<semaphore_mem>>) src(%arg10 : memref<128x128xf32, #tpu.memory_space<vmem>>) dst(%dma_wait3A_83 : memref<10240x128xf32, #tpu.memory_space<vmem_shared>>)
        tpu.yield
      }) : () -> ()
      %add3A_51 = arith.constant 2 : i32
      %add3A_52 = arith.addi %mul3A_47, %add3A_51 : i32
      %add3A_53 = arith.constant 0 : i32
      %add3A_54 = arith.addi %add3A_52, %add3A_53 : i32
      %mul3A_55 = arith.constant 10496 : i32
      %mul3A_56 = arith.muli %add3A, %mul3A_55 : i32
      %mul3A_57 = arith.constant 128 : i32
      %mul3A_58 = arith.muli %add3A_54, %mul3A_57 : i32
      %add3A_59 = arith.addi %mul3A_56, %mul3A_58 : i32
      "tpu.region"() ({
        %run_scoped3A = tpu.sem_alloc : memref<!tpu.dma_semaphore, #tpu.memory_space<semaphore_mem>>
        %dma_start3A_78 = tpu.memref_slice %arg3[%add3A_59] : memref<335872xi32, #tpu.memory_space<hbm>> -> memref<128xi32, #tpu.memory_space<hbm>>
        %dma_start3A_79 = tpu.memref_slice %arg3[%add3A_59] : memref<335872xi32, #tpu.memory_space<hbm>> -> memref<128xi32, #tpu.memory_space<hbm>>
        tpu.enqueue_dma source(%dma_start3A_79 : memref<128xi32, #tpu.memory_space<hbm>>) target(%arg6 : memref<128xi32, #tpu.memory_space<vmem>>) target_semaphore(%run_scoped3A : memref<!tpu.dma_semaphore, #tpu.memory_space<semaphore_mem>>)
        %dma_wait3A_80 = tpu.memref_slice %arg3[%add3A_59] : memref<335872xi32, #tpu.memory_space<hbm>> -> memref<128xi32, #tpu.memory_space<hbm>>
        %dma_wait3A_81 = tpu.memref_slice %arg3[%add3A_59] : memref<335872xi32, #tpu.memory_space<hbm>> -> memref<128xi32, #tpu.memory_space<hbm>>
        tpu.wait_dma2 semaphore(%run_scoped3A : memref<!tpu.dma_semaphore, #tpu.memory_space<semaphore_mem>>) src(%dma_wait3A_81 : memref<128xi32, #tpu.memory_space<hbm>>) dst(%arg6 : memref<128xi32, #tpu.memory_space<vmem>>)
        tpu.yield
      }) : () -> ()
      "tpu.region"() ({
        %run_scoped3A = tpu.sem_alloc : memref<!tpu.dma_semaphore, #tpu.memory_space<semaphore_mem>>
        %dma_start3A_78 = tpu.memref_slice %arg4[%add3A_59] : memref<335872xi32, #tpu.memory_space<hbm>> -> memref<128xi32, #tpu.memory_space<hbm>>
        %dma_start3A_79 = tpu.memref_slice %arg4[%add3A_59] : memref<335872xi32, #tpu.memory_space<hbm>> -> memref<128xi32, #tpu.memory_space<hbm>>
        tpu.enqueue_dma source(%dma_start3A_79 : memref<128xi32, #tpu.memory_space<hbm>>) target(%arg8 : memref<128xi32, #tpu.memory_space<vmem>>) target_semaphore(%run_scoped3A : memref<!tpu.dma_semaphore, #tpu.memory_space<semaphore_mem>>)
        %dma_wait3A_80 = tpu.memref_slice %arg4[%add3A_59] : memref<335872xi32, #tpu.memory_space<hbm>> -> memref<128xi32, #tpu.memory_space<hbm>>
        %dma_wait3A_81 = tpu.memref_slice %arg4[%add3A_59] : memref<335872xi32, #tpu.memory_space<hbm>> -> memref<128xi32, #tpu.memory_space<hbm>>
        tpu.wait_dma2 semaphore(%run_scoped3A : memref<!tpu.dma_semaphore, #tpu.memory_space<semaphore_mem>>) src(%dma_wait3A_81 : memref<128xi32, #tpu.memory_space<hbm>>) dst(%arg8 : memref<128xi32, #tpu.memory_space<vmem>>)
        tpu.yield
      }) : () -> ()
      %dma_start3A_60 = arith.constant 0 : i32
      %dma_start3A_61 = arith.constant 0 : i32
      %dma_start3A_62 = tpu.memref_slice %arg2[%dma_start3A_60, %dma_start3A_61] : memref<10240x128xf32, #tpu.memory_space<hbm>> -> memref<10240x128xf32, #tpu.memory_space<hbm>>
      tpu.enqueue_indirect_dma source(%dma_start3A_62 : memref<10240x128xf32, #tpu.memory_space<hbm>>) target(%arg10 : memref<128x128xf32, #tpu.memory_space<vmem>>) offsets(%arg6 : memref<128xi32, #tpu.memory_space<vmem>>) semaphore(%arg14 : memref<!tpu.dma_semaphore, #tpu.memory_space<semaphore_mem>>)
      %dma_wait3A_63 = arith.constant 0 : i32
      %dma_wait3A_64 = arith.constant 0 : i32
      %dma_wait3A_65 = tpu.memref_slice %arg2[%dma_wait3A_63, %dma_wait3A_64] : memref<10240x128xf32, #tpu.memory_space<hbm>> -> memref<10240x128xf32, #tpu.memory_space<hbm>>
      tpu.wait_indirect_dma semaphore(%arg15 : memref<!tpu.dma_semaphore, #tpu.memory_space<semaphore_mem>>) src(%dma_wait3A_65 : memref<10240x128xf32, #tpu.memory_space<hbm>>) dst(%arg11 : memref<128x128xf32, #tpu.memory_space<vmem>>)
      "tpu.region"() ({
        %run_scoped3A = tpu.sem_alloc : memref<!tpu.dma_semaphore, #tpu.memory_space<semaphore_mem>>
        %dma_start3A_78 = arith.constant 0 : i32
        %dma_start3A_79 = arith.constant 0 : i32
        %dma_start3A_80 = tpu.memref_slice %arg13[%dma_start3A_78, %dma_start3A_79] : memref<10240x128xf32, #tpu.memory_space<vmem_shared>> -> memref<10240x128xf32, #tpu.memory_space<vmem_shared>>
        tpu.enqueue_indirect_dma source(%arg11 : memref<128x128xf32, #tpu.memory_space<vmem>>) target(%dma_start3A_80 : memref<10240x128xf32, #tpu.memory_space<vmem_shared>>) offsets(%arg9 : memref<128xi32, #tpu.memory_space<vmem>>) semaphore(%run_scoped3A : memref<!tpu.dma_semaphore, #tpu.memory_space<semaphore_mem>>) {add = true}
        %dma_wait3A_81 = arith.constant 0 : i32
        %dma_wait3A_82 = arith.constant 0 : i32
        %dma_wait3A_83 = tpu.memref_slice %arg13[%dma_wait3A_81, %dma_wait3A_82] : memref<10240x128xf32, #tpu.memory_space<vmem_shared>> -> memref<10240x128xf32, #tpu.memory_space<vmem_shared>>
        tpu.wait_indirect_dma semaphore(%run_scoped3A : memref<!tpu.dma_semaphore, #tpu.memory_space<semaphore_mem>>) src(%arg11 : memref<128x128xf32, #tpu.memory_space<vmem>>) dst(%dma_wait3A_83 : memref<10240x128xf32, #tpu.memory_space<vmem_shared>>)
        tpu.yield
      }) : () -> ()
      %add3A_66 = arith.constant 2 : i32
      %add3A_67 = arith.addi %mul3A_47, %add3A_66 : i32
      %add3A_68 = arith.constant 1 : i32
      %add3A_69 = arith.addi %add3A_67, %add3A_68 : i32
      %mul3A_70 = arith.constant 10496 : i32
      %mul3A_71 = arith.muli %add3A, %mul3A_70 : i32
      %mul3A_72 = arith.constant 128 : i32
      %mul3A_73 = arith.muli %add3A_69, %mul3A_72 : i32
      %add3A_74 = arith.addi %mul3A_71, %mul3A_73 : i32
      "tpu.region"() ({
        %run_scoped3A = tpu.sem_alloc : memref<!tpu.dma_semaphore, #tpu.memory_space<semaphore_mem>>
        %dma_start3A_78 = tpu.memref_slice %arg3[%add3A_74] : memref<335872xi32, #tpu.memory_space<hbm>> -> memref<128xi32, #tpu.memory_space<hbm>>
        %dma_start3A_79 = tpu.memref_slice %arg3[%add3A_74] : memref<335872xi32, #tpu.memory_space<hbm>> -> memref<128xi32, #tpu.memory_space<hbm>>
        tpu.enqueue_dma source(%dma_start3A_79 : memref<128xi32, #tpu.memory_space<hbm>>) target(%arg7 : memref<128xi32, #tpu.memory_space<vmem>>) target_semaphore(%run_scoped3A : memref<!tpu.dma_semaphore, #tpu.memory_space<semaphore_mem>>)
        %dma_wait3A_80 = tpu.memref_slice %arg3[%add3A_74] : memref<335872xi32, #tpu.memory_space<hbm>> -> memref<128xi32, #tpu.memory_space<hbm>>
        %dma_wait3A_81 = tpu.memref_slice %arg3[%add3A_74] : memref<335872xi32, #tpu.memory_space<hbm>> -> memref<128xi32, #tpu.memory_space<hbm>>
        tpu.wait_dma2 semaphore(%run_scoped3A : memref<!tpu.dma_semaphore, #tpu.memory_space<semaphore_mem>>) src(%dma_wait3A_81 : memref<128xi32, #tpu.memory_space<hbm>>) dst(%arg7 : memref<128xi32, #tpu.memory_space<vmem>>)
        tpu.yield
      }) : () -> ()
      "tpu.region"() ({
        %run_scoped3A = tpu.sem_alloc : memref<!tpu.dma_semaphore, #tpu.memory_space<semaphore_mem>>
        %dma_start3A_78 = tpu.memref_slice %arg4[%add3A_74] : memref<335872xi32, #tpu.memory_space<hbm>> -> memref<128xi32, #tpu.memory_space<hbm>>
        %dma_start3A_79 = tpu.memref_slice %arg4[%add3A_74] : memref<335872xi32, #tpu.memory_space<hbm>> -> memref<128xi32, #tpu.memory_space<hbm>>
        tpu.enqueue_dma source(%dma_start3A_79 : memref<128xi32, #tpu.memory_space<hbm>>) target(%arg9 : memref<128xi32, #tpu.memory_space<vmem>>) target_semaphore(%run_scoped3A : memref<!tpu.dma_semaphore, #tpu.memory_space<semaphore_mem>>)
        %dma_wait3A_80 = tpu.memref_slice %arg4[%add3A_74] : memref<335872xi32, #tpu.memory_space<hbm>> -> memref<128xi32, #tpu.memory_space<hbm>>
        %dma_wait3A_81 = tpu.memref_slice %arg4[%add3A_74] : memref<335872xi32, #tpu.memory_space<hbm>> -> memref<128xi32, #tpu.memory_space<hbm>>
        tpu.wait_dma2 semaphore(%run_scoped3A : memref<!tpu.dma_semaphore, #tpu.memory_space<semaphore_mem>>) src(%dma_wait3A_81 : memref<128xi32, #tpu.memory_space<hbm>>) dst(%arg9 : memref<128xi32, #tpu.memory_space<vmem>>)
        tpu.yield
      }) : () -> ()
      %dma_start3A_75 = arith.constant 0 : i32
      %dma_start3A_76 = arith.constant 0 : i32
      %dma_start3A_77 = tpu.memref_slice %arg2[%dma_start3A_75, %dma_start3A_76] : memref<10240x128xf32, #tpu.memory_space<hbm>> -> memref<10240x128xf32, #tpu.memory_space<hbm>>
      tpu.enqueue_indirect_dma source(%dma_start3A_77 : memref<10240x128xf32, #tpu.memory_space<hbm>>) target(%arg11 : memref<128x128xf32, #tpu.memory_space<vmem>>) offsets(%arg7 : memref<128xi32, #tpu.memory_space<vmem>>) semaphore(%arg15 : memref<!tpu.dma_semaphore, #tpu.memory_space<semaphore_mem>>)
    }
    %scan3A_32 = arith.constant 40 : i32
    %dma_wait3A = arith.constant 0 : i32
    %dma_wait3A_33 = arith.constant 0 : i32
    %dma_wait3A_34 = tpu.memref_slice %arg2[%dma_wait3A, %dma_wait3A_33] : memref<10240x128xf32, #tpu.memory_space<hbm>> -> memref<10240x128xf32, #tpu.memory_space<hbm>>
    tpu.wait_indirect_dma semaphore(%arg14 : memref<!tpu.dma_semaphore, #tpu.memory_space<semaphore_mem>>) src(%dma_wait3A_34 : memref<10240x128xf32, #tpu.memory_space<hbm>>) dst(%arg10 : memref<128x128xf32, #tpu.memory_space<vmem>>)
    "tpu.region"() ({
      %run_scoped3A = tpu.sem_alloc : memref<!tpu.dma_semaphore, #tpu.memory_space<semaphore_mem>>
      %dma_start3A_45 = arith.constant 0 : i32
      %dma_start3A_46 = arith.constant 0 : i32
      %dma_start3A_47 = tpu.memref_slice %arg13[%dma_start3A_45, %dma_start3A_46] : memref<10240x128xf32, #tpu.memory_space<vmem_shared>> -> memref<10240x128xf32, #tpu.memory_space<vmem_shared>>
      tpu.enqueue_indirect_dma source(%arg10 : memref<128x128xf32, #tpu.memory_space<vmem>>) target(%dma_start3A_47 : memref<10240x128xf32, #tpu.memory_space<vmem_shared>>) offsets(%arg8 : memref<128xi32, #tpu.memory_space<vmem>>) semaphore(%run_scoped3A : memref<!tpu.dma_semaphore, #tpu.memory_space<semaphore_mem>>) {add = true}
      %dma_wait3A_48 = arith.constant 0 : i32
      %dma_wait3A_49 = arith.constant 0 : i32
      %dma_wait3A_50 = tpu.memref_slice %arg13[%dma_wait3A_48, %dma_wait3A_49] : memref<10240x128xf32, #tpu.memory_space<vmem_shared>> -> memref<10240x128xf32, #tpu.memory_space<vmem_shared>>
      tpu.wait_indirect_dma semaphore(%run_scoped3A : memref<!tpu.dma_semaphore, #tpu.memory_space<semaphore_mem>>) src(%arg10 : memref<128x128xf32, #tpu.memory_space<vmem>>) dst(%dma_wait3A_50 : memref<10240x128xf32, #tpu.memory_space<vmem_shared>>)
      tpu.yield
    }) : () -> ()
    %dma_wait3A_35 = arith.constant 0 : i32
    %dma_wait3A_36 = arith.constant 0 : i32
    %dma_wait3A_37 = tpu.memref_slice %arg2[%dma_wait3A_35, %dma_wait3A_36] : memref<10240x128xf32, #tpu.memory_space<hbm>> -> memref<10240x128xf32, #tpu.memory_space<hbm>>
    tpu.wait_indirect_dma semaphore(%arg15 : memref<!tpu.dma_semaphore, #tpu.memory_space<semaphore_mem>>) src(%dma_wait3A_37 : memref<10240x128xf32, #tpu.memory_space<hbm>>) dst(%arg11 : memref<128x128xf32, #tpu.memory_space<vmem>>)
    "tpu.region"() ({
      %run_scoped3A = tpu.sem_alloc : memref<!tpu.dma_semaphore, #tpu.memory_space<semaphore_mem>>
      %dma_start3A_45 = arith.constant 0 : i32
      %dma_start3A_46 = arith.constant 0 : i32
      %dma_start3A_47 = tpu.memref_slice %arg13[%dma_start3A_45, %dma_start3A_46] : memref<10240x128xf32, #tpu.memory_space<vmem_shared>> -> memref<10240x128xf32, #tpu.memory_space<vmem_shared>>
      tpu.enqueue_indirect_dma source(%arg11 : memref<128x128xf32, #tpu.memory_space<vmem>>) target(%dma_start3A_47 : memref<10240x128xf32, #tpu.memory_space<vmem_shared>>) offsets(%arg9 : memref<128xi32, #tpu.memory_space<vmem>>) semaphore(%run_scoped3A : memref<!tpu.dma_semaphore, #tpu.memory_space<semaphore_mem>>) {add = true}
      %dma_wait3A_48 = arith.constant 0 : i32
      %dma_wait3A_49 = arith.constant 0 : i32
      %dma_wait3A_50 = tpu.memref_slice %arg13[%dma_wait3A_48, %dma_wait3A_49] : memref<10240x128xf32, #tpu.memory_space<vmem_shared>> -> memref<10240x128xf32, #tpu.memory_space<vmem_shared>>
      tpu.wait_indirect_dma semaphore(%run_scoped3A : memref<!tpu.dma_semaphore, #tpu.memory_space<semaphore_mem>>) src(%arg11 : memref<128x128xf32, #tpu.memory_space<vmem>>) dst(%dma_wait3A_50 : memref<10240x128xf32, #tpu.memory_space<vmem_shared>>)
      tpu.yield
    }) : () -> ()
    %barrier3A_38 = arith.constant 0 : index
    tpu.barrier barrier_id(%barrier3A_38)
    %scan3A_39 = arith.constant 0 : i32
    %scan3A_40 = arith.constant 0 : i32
    %scan3A_41 = arith.constant 10 : i32
    %scan3A_42 = arith.addi %scan3A_40, %scan3A_41 : i32
    %scan3A_43 = arith.constant 1 : i32
    scf.for %scan3A_45 = %scan3A_40 to %scan3A_42 step %scan3A_43  : i32 {
      %mul3A_46 = arith.constant 64 : i32
      %mul3A_47 = arith.muli %scan3A_45, %mul3A_46 : i32
      %add3A_48 = arith.addi %mul3A_2, %mul3A_47 : i32
      "tpu.region"() ({
        %run_scoped3A = tpu.sem_alloc : memref<!tpu.dma_semaphore, #tpu.memory_space<semaphore_mem>>
        %dma_start3A_49 = arith.constant 0 : i32
        %dma_start3A_50 = tpu.memref_slice %arg13[%add3A_48, %dma_start3A_49] : memref<10240x128xf32, #tpu.memory_space<vmem_shared>> -> memref<64x128xf32, #tpu.memory_space<vmem_shared>>
        %dma_start3A_51 = arith.constant 0 : i32
        %dma_start3A_52 = tpu.memref_slice %arg13[%add3A_48, %dma_start3A_51] : memref<10240x128xf32, #tpu.memory_space<vmem_shared>> -> memref<64x128xf32, #tpu.memory_space<vmem_shared>>
        tpu.enqueue_dma source(%dma_start3A_52 : memref<64x128xf32, #tpu.memory_space<vmem_shared>>) target(%arg12 : memref<64x128xf32, #tpu.memory_space<vmem>>) target_semaphore(%run_scoped3A : memref<!tpu.dma_semaphore, #tpu.memory_space<semaphore_mem>>)
        %dma_wait3A_53 = arith.constant 0 : i32
        %dma_wait3A_54 = tpu.memref_slice %arg13[%add3A_48, %dma_wait3A_53] : memref<10240x128xf32, #tpu.memory_space<vmem_shared>> -> memref<64x128xf32, #tpu.memory_space<vmem_shared>>
        %dma_wait3A_55 = arith.constant 0 : i32
        %dma_wait3A_56 = tpu.memref_slice %arg13[%add3A_48, %dma_wait3A_55] : memref<10240x128xf32, #tpu.memory_space<vmem_shared>> -> memref<64x128xf32, #tpu.memory_space<vmem_shared>>
        tpu.wait_dma2 semaphore(%run_scoped3A : memref<!tpu.dma_semaphore, #tpu.memory_space<semaphore_mem>>) src(%dma_wait3A_56 : memref<64x128xf32, #tpu.memory_space<vmem_shared>>) dst(%arg12 : memref<64x128xf32, #tpu.memory_space<vmem>>)
        tpu.yield
      }) : () -> ()
      "tpu.region"() ({
        %run_scoped3A = tpu.sem_alloc : memref<!tpu.dma_semaphore, #tpu.memory_space<semaphore_mem>>
        %dma_start3A_49 = arith.constant 0 : i32
        %dma_start3A_50 = tpu.memref_slice %arg5[%arg0, %add3A_48, %dma_start3A_49] : memref<2x10240x128xf32, #tpu.memory_space<hbm>> -> memref<1x64x128xf32, #tpu.memory_space<hbm>>
        %dma_start3A_51 = tpu.memref_squeeze %dma_start3A_50 : memref<1x64x128xf32, #tpu.memory_space<hbm>> -> memref<64x128xf32, #tpu.memory_space<hbm>>
        %dma_start3A_52 = arith.constant 0 : i32
        %dma_start3A_53 = tpu.memref_slice %arg5[%arg0, %add3A_48, %dma_start3A_52] : memref<2x10240x128xf32, #tpu.memory_space<hbm>> -> memref<1x64x128xf32, #tpu.memory_space<hbm>>
        %dma_start3A_54 = tpu.memref_squeeze %dma_start3A_53 : memref<1x64x128xf32, #tpu.memory_space<hbm>> -> memref<64x128xf32, #tpu.memory_space<hbm>>
        tpu.enqueue_dma source(%arg12 : memref<64x128xf32, #tpu.memory_space<vmem>>) target(%dma_start3A_54 : memref<64x128xf32, #tpu.memory_space<hbm>>) target_semaphore(%run_scoped3A : memref<!tpu.dma_semaphore, #tpu.memory_space<semaphore_mem>>)
        %dma_wait3A_55 = arith.constant 0 : i32
        %dma_wait3A_56 = tpu.memref_slice %arg5[%arg0, %add3A_48, %dma_wait3A_55] : memref<2x10240x128xf32, #tpu.memory_space<hbm>> -> memref<1x64x128xf32, #tpu.memory_space<hbm>>
        %dma_wait3A_57 = tpu.memref_squeeze %dma_wait3A_56 : memref<1x64x128xf32, #tpu.memory_space<hbm>> -> memref<64x128xf32, #tpu.memory_space<hbm>>
        %dma_wait3A_58 = arith.constant 0 : i32
        %dma_wait3A_59 = tpu.memref_slice %arg5[%arg0, %add3A_48, %dma_wait3A_58] : memref<2x10240x128xf32, #tpu.memory_space<hbm>> -> memref<1x64x128xf32, #tpu.memory_space<hbm>>
        %dma_wait3A_60 = tpu.memref_squeeze %dma_wait3A_59 : memref<1x64x128xf32, #tpu.memory_space<hbm>> -> memref<64x128xf32, #tpu.memory_space<hbm>>
        tpu.wait_dma2 semaphore(%run_scoped3A : memref<!tpu.dma_semaphore, #tpu.memory_space<semaphore_mem>>) src(%arg12 : memref<64x128xf32, #tpu.memory_space<vmem>>) dst(%dma_wait3A_60 : memref<64x128xf32, #tpu.memory_space<hbm>>)
        tpu.yield
      }) : () -> ()
    }
    %scan3A_44 = arith.constant 10 : i32
    return
  }
}

#map = affine_map<(d0, d1) -> (0, 0)>
#map1 = affine_map<(d0, d1) -> (0)>
#map2 = affine_map<(d0, d1) -> (0, 0, 0)>
module attributes {stable_mosaic.version = 14 : i64} {
  func.func @_scatter_body(%arg0: i32, %arg1: i32, %arg2: memref<10240x128xf32, #tpu.memory_space<hbm>>, %arg3: memref<335872xi32, #tpu.memory_space<hbm>>, %arg4: memref<335872xi32, #tpu.memory_space<hbm>>, %arg5: memref<2x10240x128xf32, #tpu.memory_space<hbm>>, %arg6: memref<128xi32, #tpu.memory_space<vmem>>, %arg7: memref<128xi32, #tpu.memory_space<vmem>>, %arg8: memref<128xi32, #tpu.memory_space<vmem>>, %arg9: memref<128xi32, #tpu.memory_space<vmem>>, %arg10: memref<128x128xf32, #tpu.memory_space<vmem>>, %arg11: memref<128x128xf32, #tpu.memory_space<vmem>>, %arg12: memref<64x128xf32, #tpu.memory_space<vmem>>, %arg13: memref<10240x128xf32, #tpu.memory_space<vmem_shared>>, %arg14: memref<!tpu.dma_semaphore, #tpu.memory_space<semaphore_mem>>, %arg15: memref<!tpu.dma_semaphore, #tpu.memory_space<semaphore_mem>>) attributes {dimension_semantics = [#tpu.dimension_semantics<core_parallel>, #tpu.dimension_semantics<subcore_parallel>], iteration_bounds = array<i64: 2, 16>, scalar_prefetch = 0 : i64, scratch_operands = 10 : i64, tpu.core_type = #tpu.core_type<sc_vector_subcore>, window_params = [{transform_indices = #map}, {transform_indices = #map1}, {transform_indices = #map1}, {transform_indices = #map2}]} {
    %mul3A = arith.constant 16 : i32
    %mul3A_0 = arith.muli %arg0, %mul3A : i32
    %add3A = arith.addi %mul3A_0, %arg1 : i32
    %mul3A_1 = arith.constant 640 : i32
    %mul3A_2 = arith.muli %arg1, %mul3A_1 : i32
    %scan3A = arith.constant 0 : i32
    %scan3A_3 = arith.constant 0 : i32
    %scan3A_4 = arith.constant 512 : i32
    %scan3A_5 = arith.addi %scan3A_3, %scan3A_4 : i32
    %scan3A_6 = arith.constant 1 : i32
    scf.for %scan3A_45 = %scan3A_3 to %scan3A_5 step %scan3A_6  : i32 {
      %broadcast_in_dim3A = arith.constant 0.000000e+00 : f32
      %broadcast_in_dim3A_46 = vector.broadcast %broadcast_in_dim3A : f32 to vector<16xf32>
      %jit3A = arith.constant 8 : i32
      %div3A = arith.divsi %scan3A_45, %jit3A : i32
      %sign3A = arith.constant 0 : i32
      %sign3A_47 = arith.cmpi sgt, %scan3A_45, %sign3A : i32
      %sign3A_48 = arith.extui %sign3A_47 : i1 to i32
      %sign3A_49 = arith.constant 0 : i32
      %sign3A_50 = arith.cmpi slt, %scan3A_45, %sign3A_49 : i32
      %sign3A_51 = arith.extui %sign3A_50 : i1 to i32
      %sign3A_52 = arith.subi %sign3A_48, %sign3A_51 : i32
      %sign3A_53 = arith.constant 0 : i32
      %sign3A_54 = arith.cmpi sgt, %jit3A, %sign3A_53 : i32
      %sign3A_55 = arith.extui %sign3A_54 : i1 to i32
      %sign3A_56 = arith.constant 0 : i32
      %sign3A_57 = arith.cmpi slt, %jit3A, %sign3A_56 : i32
      %sign3A_58 = arith.extui %sign3A_57 : i1 to i32
      %sign3A_59 = arith.subi %sign3A_55, %sign3A_58 : i32
      %ne3A = arith.cmpi ne, %sign3A_52, %sign3A_59 : i32
      %rem3A = arith.remsi %scan3A_45, %jit3A : i32
      %ne3A_60 = arith.constant 0 : i32
      %ne3A_61 = arith.cmpi ne, %rem3A, %ne3A_60 : i32
      %and3A = arith.andi %ne3A, %ne3A_61 : i1
      %sub3A = arith.constant 1 : i32
      %sub3A_62 = arith.subi %div3A, %sub3A : i32
      %select_n3A = arith.select %and3A, %sub3A_62, %div3A : i32
      %jit3A_63 = arith.constant 8 : i32
      %eq3A = arith.constant 0 : i32
      %eq3A_64 = arith.cmpi eq, %jit3A_63, %eq3A : i32
      %jit3A_65 = arith.constant 1 : i32
      %select_n3A_66 = arith.select %eq3A_64, %jit3A_65, %jit3A_63 : i32
      %rem3A_67 = arith.remsi %scan3A_45, %select_n3A_66 : i32
      %ne3A_68 = arith.constant 0 : i32
      %ne3A_69 = arith.cmpi ne, %rem3A_67, %ne3A_68 : i32
      %lt3A = arith.constant 0 : i32
      %lt3A_70 = arith.cmpi slt, %rem3A_67, %lt3A : i32
      %lt3A_71 = arith.constant 0 : i32
      %lt3A_72 = arith.cmpi slt, %select_n3A_66, %lt3A_71 : i32
      %ne3A_73 = arith.xori %lt3A_70, %lt3A_72 : i1
      %and3A_74 = arith.andi %ne3A_73, %ne3A_69 : i1
      %add3A_75 = arith.addi %rem3A_67, %select_n3A_66 : i32
      %select_n3A_76 = arith.select %and3A_74, %add3A_75, %rem3A_67 : i32
      %mul3A_77 = arith.constant 16 : i32
      %mul3A_78 = arith.muli %select_n3A_76, %mul3A_77 : i32
      %swap3A = arith.index_cast %select_n3A : i32 to index
      %swap3A_79 = arith.index_cast %mul3A_78 : i32 to index
      %swap3A_80 = tpu.vector_load %arg12[%swap3A, %swap3A_79] {strides = array<i32>} : memref<64x128xf32, #tpu.memory_space<vmem>>, vector<1x16xf32>,
      %swap3A_81 = vector.shape_cast %swap3A_80 : vector<1x16xf32> to vector<16xf32>
      %swap3A_82 = vector.shape_cast %broadcast_in_dim3A_46 : vector<16xf32> to vector<1x16xf32>
      tpu.vector_store %arg12[%swap3A, %swap3A_79], %swap3A_82 {strides = array<i32>} : memref<64x128xf32, #tpu.memory_space<vmem>>, vector<1x16xf32>,
    }
    %scan3A_7 = arith.constant 512 : i32
    %scan3A_8 = arith.constant 0 : i32
    %scan3A_9 = arith.constant 0 : i32
    %scan3A_10 = arith.constant 10 : i32
    %scan3A_11 = arith.addi %scan3A_9, %scan3A_10 : i32
    %scan3A_12 = arith.constant 1 : i32
    scf.for %scan3A_45 = %scan3A_9 to %scan3A_11 step %scan3A_12  : i32 {
      %mul3A_46 = arith.constant 64 : i32
      %mul3A_47 = arith.muli %scan3A_45, %mul3A_46 : i32
      %add3A_48 = arith.addi %mul3A_2, %mul3A_47 : i32
      "tpu.region"() ({
        %run_scoped3A = tpu.sem_alloc : memref<!tpu.dma_semaphore, #tpu.memory_space<semaphore_mem>>
        %dma_start3A_49 = arith.constant 0 : i32
        %dma_start3A_50 = tpu.memref_slice %arg13[%add3A_48, %dma_start3A_49] : memref<10240x128xf32, #tpu.memory_space<vmem_shared>> -> memref<64x128xf32, #tpu.memory_space<vmem_shared>>
        %dma_start3A_51 = arith.constant 0 : i32
        %dma_start3A_52 = tpu.memref_slice %arg13[%add3A_48, %dma_start3A_51] : memref<10240x128xf32, #tpu.memory_space<vmem_shared>> -> memref<64x128xf32, #tpu.memory_space<vmem_shared>>
        tpu.enqueue_dma source(%arg12 : memref<64x128xf32, #tpu.memory_space<vmem>>) target(%dma_start3A_52 : memref<64x128xf32, #tpu.memory_space<vmem_shared>>) target_semaphore(%run_scoped3A : memref<!tpu.dma_semaphore, #tpu.memory_space<semaphore_mem>>)
        %dma_wait3A_53 = arith.constant 0 : i32
        %dma_wait3A_54 = tpu.memref_slice %arg13[%add3A_48, %dma_wait3A_53] : memref<10240x128xf32, #tpu.memory_space<vmem_shared>> -> memref<64x128xf32, #tpu.memory_space<vmem_shared>>
        %dma_wait3A_55 = arith.constant 0 : i32
        %dma_wait3A_56 = tpu.memref_slice %arg13[%add3A_48, %dma_wait3A_55] : memref<10240x128xf32, #tpu.memory_space<vmem_shared>> -> memref<64x128xf32, #tpu.memory_space<vmem_shared>>
        tpu.wait_dma2 semaphore(%run_scoped3A : memref<!tpu.dma_semaphore, #tpu.memory_space<semaphore_mem>>) src(%arg12 : memref<64x128xf32, #tpu.memory_space<vmem>>) dst(%dma_wait3A_56 : memref<64x128xf32, #tpu.memory_space<vmem_shared>>)
        tpu.yield
      }) : () -> ()
    }
    %scan3A_13 = arith.constant 10 : i32
    %barrier3A = arith.constant 0 : index
    tpu.barrier barrier_id(%barrier3A)
    %mul3A_14 = arith.constant 10496 : i32
    %mul3A_15 = arith.muli %add3A, %mul3A_14 : i32
    %add3A_16 = arith.constant 0 : i32
    %add3A_17 = arith.addi %mul3A_15, %add3A_16 : i32
    "tpu.region"() ({
      %run_scoped3A = tpu.sem_alloc : memref<!tpu.dma_semaphore, #tpu.memory_space<semaphore_mem>>
      %dma_start3A_45 = tpu.memref_slice %arg3[%add3A_17] : memref<335872xi32, #tpu.memory_space<hbm>> -> memref<128xi32, #tpu.memory_space<hbm>>
      %dma_start3A_46 = tpu.memref_slice %arg3[%add3A_17] : memref<335872xi32, #tpu.memory_space<hbm>> -> memref<128xi32, #tpu.memory_space<hbm>>
      tpu.enqueue_dma source(%dma_start3A_46 : memref<128xi32, #tpu.memory_space<hbm>>) target(%arg6 : memref<128xi32, #tpu.memory_space<vmem>>) target_semaphore(%run_scoped3A : memref<!tpu.dma_semaphore, #tpu.memory_space<semaphore_mem>>)
      %dma_wait3A_47 = tpu.memref_slice %arg3[%add3A_17] : memref<335872xi32, #tpu.memory_space<hbm>> -> memref<128xi32, #tpu.memory_space<hbm>>
      %dma_wait3A_48 = tpu.memref_slice %arg3[%add3A_17] : memref<335872xi32, #tpu.memory_space<hbm>> -> memref<128xi32, #tpu.memory_space<hbm>>
      tpu.wait_dma2 semaphore(%run_scoped3A : memref<!tpu.dma_semaphore, #tpu.memory_space<semaphore_mem>>) src(%dma_wait3A_48 : memref<128xi32, #tpu.memory_space<hbm>>) dst(%arg6 : memref<128xi32, #tpu.memory_space<vmem>>)
      tpu.yield
    }) : () -> ()
    "tpu.region"() ({
      %run_scoped3A = tpu.sem_alloc : memref<!tpu.dma_semaphore, #tpu.memory_space<semaphore_mem>>
      %dma_start3A_45 = tpu.memref_slice %arg4[%add3A_17] : memref<335872xi32, #tpu.memory_space<hbm>> -> memref<128xi32, #tpu.memory_space<hbm>>
      %dma_start3A_46 = tpu.memref_slice %arg4[%add3A_17] : memref<335872xi32, #tpu.memory_space<hbm>> -> memref<128xi32, #tpu.memory_space<hbm>>
      tpu.enqueue_dma source(%dma_start3A_46 : memref<128xi32, #tpu.memory_space<hbm>>) target(%arg8 : memref<128xi32, #tpu.memory_space<vmem>>) target_semaphore(%run_scoped3A : memref<!tpu.dma_semaphore, #tpu.memory_space<semaphore_mem>>)
      %dma_wait3A_47 = tpu.memref_slice %arg4[%add3A_17] : memref<335872xi32, #tpu.memory_space<hbm>> -> memref<128xi32, #tpu.memory_space<hbm>>
      %dma_wait3A_48 = tpu.memref_slice %arg4[%add3A_17] : memref<335872xi32, #tpu.memory_space<hbm>> -> memref<128xi32, #tpu.memory_space<hbm>>
      tpu.wait_dma2 semaphore(%run_scoped3A : memref<!tpu.dma_semaphore, #tpu.memory_space<semaphore_mem>>) src(%dma_wait3A_48 : memref<128xi32, #tpu.memory_space<hbm>>) dst(%arg8 : memref<128xi32, #tpu.memory_space<vmem>>)
      tpu.yield
    }) : () -> ()
    %dma_start3A = arith.constant 0 : i32
    %dma_start3A_18 = arith.constant 0 : i32
    %dma_start3A_19 = tpu.memref_slice %arg2[%dma_start3A, %dma_start3A_18] : memref<10240x128xf32, #tpu.memory_space<hbm>> -> memref<10240x128xf32, #tpu.memory_space<hbm>>
    tpu.enqueue_indirect_dma source(%dma_start3A_19 : memref<10240x128xf32, #tpu.memory_space<hbm>>) target(%arg10 : memref<128x128xf32, #tpu.memory_space<vmem>>) offsets(%arg6 : memref<128xi32, #tpu.memory_space<vmem>>) semaphore(%arg14 : memref<!tpu.dma_semaphore, #tpu.memory_space<semaphore_mem>>)
    %mul3A_20 = arith.constant 10496 : i32
    %mul3A_21 = arith.muli %add3A, %mul3A_20 : i32
    %add3A_22 = arith.constant 128 : i32
    %add3A_23 = arith.addi %mul3A_21, %add3A_22 : i32
    "tpu.region"() ({
      %run_scoped3A = tpu.sem_alloc : memref<!tpu.dma_semaphore, #tpu.memory_space<semaphore_mem>>
      %dma_start3A_45 = tpu.memref_slice %arg3[%add3A_23] : memref<335872xi32, #tpu.memory_space<hbm>> -> memref<128xi32, #tpu.memory_space<hbm>>
      %dma_start3A_46 = tpu.memref_slice %arg3[%add3A_23] : memref<335872xi32, #tpu.memory_space<hbm>> -> memref<128xi32, #tpu.memory_space<hbm>>
      tpu.enqueue_dma source(%dma_start3A_46 : memref<128xi32, #tpu.memory_space<hbm>>) target(%arg7 : memref<128xi32, #tpu.memory_space<vmem>>) target_semaphore(%run_scoped3A : memref<!tpu.dma_semaphore, #tpu.memory_space<semaphore_mem>>)
      %dma_wait3A_47 = tpu.memref_slice %arg3[%add3A_23] : memref<335872xi32, #tpu.memory_space<hbm>> -> memref<128xi32, #tpu.memory_space<hbm>>
      %dma_wait3A_48 = tpu.memref_slice %arg3[%add3A_23] : memref<335872xi32, #tpu.memory_space<hbm>> -> memref<128xi32, #tpu.memory_space<hbm>>
      tpu.wait_dma2 semaphore(%run_scoped3A : memref<!tpu.dma_semaphore, #tpu.memory_space<semaphore_mem>>) src(%dma_wait3A_48 : memref<128xi32, #tpu.memory_space<hbm>>) dst(%arg7 : memref<128xi32, #tpu.memory_space<vmem>>)
      tpu.yield
    }) : () -> ()
    "tpu.region"() ({
      %run_scoped3A = tpu.sem_alloc : memref<!tpu.dma_semaphore, #tpu.memory_space<semaphore_mem>>
      %dma_start3A_45 = tpu.memref_slice %arg4[%add3A_23] : memref<335872xi32, #tpu.memory_space<hbm>> -> memref<128xi32, #tpu.memory_space<hbm>>
      %dma_start3A_46 = tpu.memref_slice %arg4[%add3A_23] : memref<335872xi32, #tpu.memory_space<hbm>> -> memref<128xi32, #tpu.memory_space<hbm>>
      tpu.enqueue_dma source(%dma_start3A_46 : memref<128xi32, #tpu.memory_space<hbm>>) target(%arg9 : memref<128xi32, #tpu.memory_space<vmem>>) target_semaphore(%run_scoped3A : memref<!tpu.dma_semaphore, #tpu.memory_space<semaphore_mem>>)
      %dma_wait3A_47 = tpu.memref_slice %arg4[%add3A_23] : memref<335872xi32, #tpu.memory_space<hbm>> -> memref<128xi32, #tpu.memory_space<hbm>>
      %dma_wait3A_48 = tpu.memref_slice %arg4[%add3A_23] : memref<335872xi32, #tpu.memory_space<hbm>> -> memref<128xi32, #tpu.memory_space<hbm>>
      tpu.wait_dma2 semaphore(%run_scoped3A : memref<!tpu.dma_semaphore, #tpu.memory_space<semaphore_mem>>) src(%dma_wait3A_48 : memref<128xi32, #tpu.memory_space<hbm>>) dst(%arg9 : memref<128xi32, #tpu.memory_space<vmem>>)
      tpu.yield
    }) : () -> ()
    %dma_start3A_24 = arith.constant 0 : i32
    %dma_start3A_25 = arith.constant 0 : i32
    %dma_start3A_26 = tpu.memref_slice %arg2[%dma_start3A_24, %dma_start3A_25] : memref<10240x128xf32, #tpu.memory_space<hbm>> -> memref<10240x128xf32, #tpu.memory_space<hbm>>
    tpu.enqueue_indirect_dma source(%dma_start3A_26 : memref<10240x128xf32, #tpu.memory_space<hbm>>) target(%arg11 : memref<128x128xf32, #tpu.memory_space<vmem>>) offsets(%arg7 : memref<128xi32, #tpu.memory_space<vmem>>) semaphore(%arg15 : memref<!tpu.dma_semaphore, #tpu.memory_space<semaphore_mem>>)
    %scan3A_27 = arith.constant 0 : i32
    %scan3A_28 = arith.constant 0 : i32
    %scan3A_29 = arith.constant 40 : i32
    %scan3A_30 = arith.addi %scan3A_28, %scan3A_29 : i32
    %scan3A_31 = arith.constant 1 : i32
    scf.for %scan3A_45 = %scan3A_28 to %scan3A_30 step %scan3A_31  : i32 {
      %mul3A_46 = arith.constant 2 : i32
      %mul3A_47 = arith.muli %scan3A_45, %mul3A_46 : i32
      %dma_wait3A_48 = arith.constant 0 : i32
      %dma_wait3A_49 = arith.constant 0 : i32
      %dma_wait3A_50 = tpu.memref_slice %arg2[%dma_wait3A_48, %dma_wait3A_49] : memref<10240x128xf32, #tpu.memory_space<hbm>> -> memref<10240x128xf32, #tpu.memory_space<hbm>>
      tpu.wait_indirect_dma semaphore(%arg14 : memref<!tpu.dma_semaphore, #tpu.memory_space<semaphore_mem>>) src(%dma_wait3A_50 : memref<10240x128xf32, #tpu.memory_space<hbm>>) dst(%arg10 : memref<128x128xf32, #tpu.memory_space<vmem>>)
      "tpu.region"() ({
        %run_scoped3A = tpu.sem_alloc : memref<!tpu.dma_semaphore, #tpu.memory_space<semaphore_mem>>
        %dma_start3A_78 = arith.constant 0 : i32
        %dma_start3A_79 = arith.constant 0 : i32
        %dma_start3A_80 = tpu.memref_slice %arg13[%dma_start3A_78, %dma_start3A_79] : memref<10240x128xf32, #tpu.memory_space<vmem_shared>> -> memref<10240x128xf32, #tpu.memory_space<vmem_shared>>
        tpu.enqueue_indirect_dma source(%arg10 : memref<128x128xf32, #tpu.memory_space<vmem>>) target(%dma_start3A_80 : memref<10240x128xf32, #tpu.memory_space<vmem_shared>>) offsets(%arg8 : memref<128xi32, #tpu.memory_space<vmem>>) semaphore(%run_scoped3A : memref<!tpu.dma_semaphore, #tpu.memory_space<semaphore_mem>>) {add = true}
        %dma_wait3A_81 = arith.constant 0 : i32
        %dma_wait3A_82 = arith.constant 0 : i32
        %dma_wait3A_83 = tpu.memref_slice %arg13[%dma_wait3A_81, %dma_wait3A_82] : memref<10240x128xf32, #tpu.memory_space<vmem_shared>> -> memref<10240x128xf32, #tpu.memory_space<vmem_shared>>
        tpu.wait_indirect_dma semaphore(%run_scoped3A : memref<!tpu.dma_semaphore, #tpu.memory_space<semaphore_mem>>) src(%arg10 : memref<128x128xf32, #tpu.memory_space<vmem>>) dst(%dma_wait3A_83 : memref<10240x128xf32, #tpu.memory_space<vmem_shared>>)
        tpu.yield
      }) : () -> ()
      %add3A_51 = arith.constant 2 : i32
      %add3A_52 = arith.addi %mul3A_47, %add3A_51 : i32
      %add3A_53 = arith.constant 0 : i32
      %add3A_54 = arith.addi %add3A_52, %add3A_53 : i32
      %mul3A_55 = arith.constant 10496 : i32
      %mul3A_56 = arith.muli %add3A, %mul3A_55 : i32
      %mul3A_57 = arith.constant 128 : i32
      %mul3A_58 = arith.muli %add3A_54, %mul3A_57 : i32
      %add3A_59 = arith.addi %mul3A_56, %mul3A_58 : i32
      "tpu.region"() ({
        %run_scoped3A = tpu.sem_alloc : memref<!tpu.dma_semaphore, #tpu.memory_space<semaphore_mem>>
        %dma_start3A_78 = tpu.memref_slice %arg3[%add3A_59] : memref<335872xi32, #tpu.memory_space<hbm>> -> memref<128xi32, #tpu.memory_space<hbm>>
        %dma_start3A_79 = tpu.memref_slice %arg3[%add3A_59] : memref<335872xi32, #tpu.memory_space<hbm>> -> memref<128xi32, #tpu.memory_space<hbm>>
        tpu.enqueue_dma source(%dma_start3A_79 : memref<128xi32, #tpu.memory_space<hbm>>) target(%arg6 : memref<128xi32, #tpu.memory_space<vmem>>) target_semaphore(%run_scoped3A : memref<!tpu.dma_semaphore, #tpu.memory_space<semaphore_mem>>)
        %dma_wait3A_80 = tpu.memref_slice %arg3[%add3A_59] : memref<335872xi32, #tpu.memory_space<hbm>> -> memref<128xi32, #tpu.memory_space<hbm>>
        %dma_wait3A_81 = tpu.memref_slice %arg3[%add3A_59] : memref<335872xi32, #tpu.memory_space<hbm>> -> memref<128xi32, #tpu.memory_space<hbm>>
        tpu.wait_dma2 semaphore(%run_scoped3A : memref<!tpu.dma_semaphore, #tpu.memory_space<semaphore_mem>>) src(%dma_wait3A_81 : memref<128xi32, #tpu.memory_space<hbm>>) dst(%arg6 : memref<128xi32, #tpu.memory_space<vmem>>)
        tpu.yield
      }) : () -> ()
      "tpu.region"() ({
        %run_scoped3A = tpu.sem_alloc : memref<!tpu.dma_semaphore, #tpu.memory_space<semaphore_mem>>
        %dma_start3A_78 = tpu.memref_slice %arg4[%add3A_59] : memref<335872xi32, #tpu.memory_space<hbm>> -> memref<128xi32, #tpu.memory_space<hbm>>
        %dma_start3A_79 = tpu.memref_slice %arg4[%add3A_59] : memref<335872xi32, #tpu.memory_space<hbm>> -> memref<128xi32, #tpu.memory_space<hbm>>
        tpu.enqueue_dma source(%dma_start3A_79 : memref<128xi32, #tpu.memory_space<hbm>>) target(%arg8 : memref<128xi32, #tpu.memory_space<vmem>>) target_semaphore(%run_scoped3A : memref<!tpu.dma_semaphore, #tpu.memory_space<semaphore_mem>>)
        %dma_wait3A_80 = tpu.memref_slice %arg4[%add3A_59] : memref<335872xi32, #tpu.memory_space<hbm>> -> memref<128xi32, #tpu.memory_space<hbm>>
        %dma_wait3A_81 = tpu.memref_slice %arg4[%add3A_59] : memref<335872xi32, #tpu.memory_space<hbm>> -> memref<128xi32, #tpu.memory_space<hbm>>
        tpu.wait_dma2 semaphore(%run_scoped3A : memref<!tpu.dma_semaphore, #tpu.memory_space<semaphore_mem>>) src(%dma_wait3A_81 : memref<128xi32, #tpu.memory_space<hbm>>) dst(%arg8 : memref<128xi32, #tpu.memory_space<vmem>>)
        tpu.yield
      }) : () -> ()
      %dma_start3A_60 = arith.constant 0 : i32
      %dma_start3A_61 = arith.constant 0 : i32
      %dma_start3A_62 = tpu.memref_slice %arg2[%dma_start3A_60, %dma_start3A_61] : memref<10240x128xf32, #tpu.memory_space<hbm>> -> memref<10240x128xf32, #tpu.memory_space<hbm>>
      tpu.enqueue_indirect_dma source(%dma_start3A_62 : memref<10240x128xf32, #tpu.memory_space<hbm>>) target(%arg10 : memref<128x128xf32, #tpu.memory_space<vmem>>) offsets(%arg6 : memref<128xi32, #tpu.memory_space<vmem>>) semaphore(%arg14 : memref<!tpu.dma_semaphore, #tpu.memory_space<semaphore_mem>>)
      %dma_wait3A_63 = arith.constant 0 : i32
      %dma_wait3A_64 = arith.constant 0 : i32
      %dma_wait3A_65 = tpu.memref_slice %arg2[%dma_wait3A_63, %dma_wait3A_64] : memref<10240x128xf32, #tpu.memory_space<hbm>> -> memref<10240x128xf32, #tpu.memory_space<hbm>>
      tpu.wait_indirect_dma semaphore(%arg15 : memref<!tpu.dma_semaphore, #tpu.memory_space<semaphore_mem>>) src(%dma_wait3A_65 : memref<10240x128xf32, #tpu.memory_space<hbm>>) dst(%arg11 : memref<128x128xf32, #tpu.memory_space<vmem>>)
      "tpu.region"() ({
        %run_scoped3A = tpu.sem_alloc : memref<!tpu.dma_semaphore, #tpu.memory_space<semaphore_mem>>
        %dma_start3A_78 = arith.constant 0 : i32
        %dma_start3A_79 = arith.constant 0 : i32
        %dma_start3A_80 = tpu.memref_slice %arg13[%dma_start3A_78, %dma_start3A_79] : memref<10240x128xf32, #tpu.memory_space<vmem_shared>> -> memref<10240x128xf32, #tpu.memory_space<vmem_shared>>
        tpu.enqueue_indirect_dma source(%arg11 : memref<128x128xf32, #tpu.memory_space<vmem>>) target(%dma_start3A_80 : memref<10240x128xf32, #tpu.memory_space<vmem_shared>>) offsets(%arg9 : memref<128xi32, #tpu.memory_space<vmem>>) semaphore(%run_scoped3A : memref<!tpu.dma_semaphore, #tpu.memory_space<semaphore_mem>>) {add = true}
        %dma_wait3A_81 = arith.constant 0 : i32
        %dma_wait3A_82 = arith.constant 0 : i32
        %dma_wait3A_83 = tpu.memref_slice %arg13[%dma_wait3A_81, %dma_wait3A_82] : memref<10240x128xf32, #tpu.memory_space<vmem_shared>> -> memref<10240x128xf32, #tpu.memory_space<vmem_shared>>
        tpu.wait_indirect_dma semaphore(%run_scoped3A : memref<!tpu.dma_semaphore, #tpu.memory_space<semaphore_mem>>) src(%arg11 : memref<128x128xf32, #tpu.memory_space<vmem>>) dst(%dma_wait3A_83 : memref<10240x128xf32, #tpu.memory_space<vmem_shared>>)
        tpu.yield
      }) : () -> ()
      %add3A_66 = arith.constant 2 : i32
      %add3A_67 = arith.addi %mul3A_47, %add3A_66 : i32
      %add3A_68 = arith.constant 1 : i32
      %add3A_69 = arith.addi %add3A_67, %add3A_68 : i32
      %mul3A_70 = arith.constant 10496 : i32
      %mul3A_71 = arith.muli %add3A, %mul3A_70 : i32
      %mul3A_72 = arith.constant 128 : i32
      %mul3A_73 = arith.muli %add3A_69, %mul3A_72 : i32
      %add3A_74 = arith.addi %mul3A_71, %mul3A_73 : i32
      "tpu.region"() ({
        %run_scoped3A = tpu.sem_alloc : memref<!tpu.dma_semaphore, #tpu.memory_space<semaphore_mem>>
        %dma_start3A_78 = tpu.memref_slice %arg3[%add3A_74] : memref<335872xi32, #tpu.memory_space<hbm>> -> memref<128xi32, #tpu.memory_space<hbm>>
        %dma_start3A_79 = tpu.memref_slice %arg3[%add3A_74] : memref<335872xi32, #tpu.memory_space<hbm>> -> memref<128xi32, #tpu.memory_space<hbm>>
        tpu.enqueue_dma source(%dma_start3A_79 : memref<128xi32, #tpu.memory_space<hbm>>) target(%arg7 : memref<128xi32, #tpu.memory_space<vmem>>) target_semaphore(%run_scoped3A : memref<!tpu.dma_semaphore, #tpu.memory_space<semaphore_mem>>)
        %dma_wait3A_80 = tpu.memref_slice %arg3[%add3A_74] : memref<335872xi32, #tpu.memory_space<hbm>> -> memref<128xi32, #tpu.memory_space<hbm>>
        %dma_wait3A_81 = tpu.memref_slice %arg3[%add3A_74] : memref<335872xi32, #tpu.memory_space<hbm>> -> memref<128xi32, #tpu.memory_space<hbm>>
        tpu.wait_dma2 semaphore(%run_scoped3A : memref<!tpu.dma_semaphore, #tpu.memory_space<semaphore_mem>>) src(%dma_wait3A_81 : memref<128xi32, #tpu.memory_space<hbm>>) dst(%arg7 : memref<128xi32, #tpu.memory_space<vmem>>)
        tpu.yield
      }) : () -> ()
      "tpu.region"() ({
        %run_scoped3A = tpu.sem_alloc : memref<!tpu.dma_semaphore, #tpu.memory_space<semaphore_mem>>
        %dma_start3A_78 = tpu.memref_slice %arg4[%add3A_74] : memref<335872xi32, #tpu.memory_space<hbm>> -> memref<128xi32, #tpu.memory_space<hbm>>
        %dma_start3A_79 = tpu.memref_slice %arg4[%add3A_74] : memref<335872xi32, #tpu.memory_space<hbm>> -> memref<128xi32, #tpu.memory_space<hbm>>
        tpu.enqueue_dma source(%dma_start3A_79 : memref<128xi32, #tpu.memory_space<hbm>>) target(%arg9 : memref<128xi32, #tpu.memory_space<vmem>>) target_semaphore(%run_scoped3A : memref<!tpu.dma_semaphore, #tpu.memory_space<semaphore_mem>>)
        %dma_wait3A_80 = tpu.memref_slice %arg4[%add3A_74] : memref<335872xi32, #tpu.memory_space<hbm>> -> memref<128xi32, #tpu.memory_space<hbm>>
        %dma_wait3A_81 = tpu.memref_slice %arg4[%add3A_74] : memref<335872xi32, #tpu.memory_space<hbm>> -> memref<128xi32, #tpu.memory_space<hbm>>
        tpu.wait_dma2 semaphore(%run_scoped3A : memref<!tpu.dma_semaphore, #tpu.memory_space<semaphore_mem>>) src(%dma_wait3A_81 : memref<128xi32, #tpu.memory_space<hbm>>) dst(%arg9 : memref<128xi32, #tpu.memory_space<vmem>>)
        tpu.yield
      }) : () -> ()
      %dma_start3A_75 = arith.constant 0 : i32
      %dma_start3A_76 = arith.constant 0 : i32
      %dma_start3A_77 = tpu.memref_slice %arg2[%dma_start3A_75, %dma_start3A_76] : memref<10240x128xf32, #tpu.memory_space<hbm>> -> memref<10240x128xf32, #tpu.memory_space<hbm>>
      tpu.enqueue_indirect_dma source(%dma_start3A_77 : memref<10240x128xf32, #tpu.memory_space<hbm>>) target(%arg11 : memref<128x128xf32, #tpu.memory_space<vmem>>) offsets(%arg7 : memref<128xi32, #tpu.memory_space<vmem>>) semaphore(%arg15 : memref<!tpu.dma_semaphore, #tpu.memory_space<semaphore_mem>>)
    }
    %scan3A_32 = arith.constant 40 : i32
    %dma_wait3A = arith.constant 0 : i32
    %dma_wait3A_33 = arith.constant 0 : i32
    %dma_wait3A_34 = tpu.memref_slice %arg2[%dma_wait3A, %dma_wait3A_33] : memref<10240x128xf32, #tpu.memory_space<hbm>> -> memref<10240x128xf32, #tpu.memory_space<hbm>>
    tpu.wait_indirect_dma semaphore(%arg14 : memref<!tpu.dma_semaphore, #tpu.memory_space<semaphore_mem>>) src(%dma_wait3A_34 : memref<10240x128xf32, #tpu.memory_space<hbm>>) dst(%arg10 : memref<128x128xf32, #tpu.memory_space<vmem>>)
    "tpu.region"() ({
      %run_scoped3A = tpu.sem_alloc : memref<!tpu.dma_semaphore, #tpu.memory_space<semaphore_mem>>
      %dma_start3A_45 = arith.constant 0 : i32
      %dma_start3A_46 = arith.constant 0 : i32
      %dma_start3A_47 = tpu.memref_slice %arg13[%dma_start3A_45, %dma_start3A_46] : memref<10240x128xf32, #tpu.memory_space<vmem_shared>> -> memref<10240x128xf32, #tpu.memory_space<vmem_shared>>
      tpu.enqueue_indirect_dma source(%arg10 : memref<128x128xf32, #tpu.memory_space<vmem>>) target(%dma_start3A_47 : memref<10240x128xf32, #tpu.memory_space<vmem_shared>>) offsets(%arg8 : memref<128xi32, #tpu.memory_space<vmem>>) semaphore(%run_scoped3A : memref<!tpu.dma_semaphore, #tpu.memory_space<semaphore_mem>>) {add = true}
      %dma_wait3A_48 = arith.constant 0 : i32
      %dma_wait3A_49 = arith.constant 0 : i32
      %dma_wait3A_50 = tpu.memref_slice %arg13[%dma_wait3A_48, %dma_wait3A_49] : memref<10240x128xf32, #tpu.memory_space<vmem_shared>> -> memref<10240x128xf32, #tpu.memory_space<vmem_shared>>
      tpu.wait_indirect_dma semaphore(%run_scoped3A : memref<!tpu.dma_semaphore, #tpu.memory_space<semaphore_mem>>) src(%arg10 : memref<128x128xf32, #tpu.memory_space<vmem>>) dst(%dma_wait3A_50 : memref<10240x128xf32, #tpu.memory_space<vmem_shared>>)
      tpu.yield
    }) : () -> ()
    %dma_wait3A_35 = arith.constant 0 : i32
    %dma_wait3A_36 = arith.constant 0 : i32
    %dma_wait3A_37 = tpu.memref_slice %arg2[%dma_wait3A_35, %dma_wait3A_36] : memref<10240x128xf32, #tpu.memory_space<hbm>> -> memref<10240x128xf32, #tpu.memory_space<hbm>>
    tpu.wait_indirect_dma semaphore(%arg15 : memref<!tpu.dma_semaphore, #tpu.memory_space<semaphore_mem>>) src(%dma_wait3A_37 : memref<10240x128xf32, #tpu.memory_space<hbm>>) dst(%arg11 : memref<128x128xf32, #tpu.memory_space<vmem>>)
    "tpu.region"() ({
      %run_scoped3A = tpu.sem_alloc : memref<!tpu.dma_semaphore, #tpu.memory_space<semaphore_mem>>
      %dma_start3A_45 = arith.constant 0 : i32
      %dma_start3A_46 = arith.constant 0 : i32
      %dma_start3A_47 = tpu.memref_slice %arg13[%dma_start3A_45, %dma_start3A_46] : memref<10240x128xf32, #tpu.memory_space<vmem_shared>> -> memref<10240x128xf32, #tpu.memory_space<vmem_shared>>
      tpu.enqueue_indirect_dma source(%arg11 : memref<128x128xf32, #tpu.memory_space<vmem>>) target(%dma_start3A_47 : memref<10240x128xf32, #tpu.memory_space<vmem_shared>>) offsets(%arg9 : memref<128xi32, #tpu.memory_space<vmem>>) semaphore(%run_scoped3A : memref<!tpu.dma_semaphore, #tpu.memory_space<semaphore_mem>>) {add = true}
      %dma_wait3A_48 = arith.constant 0 : i32
      %dma_wait3A_49 = arith.constant 0 : i32
      %dma_wait3A_50 = tpu.memref_slice %arg13[%dma_wait3A_48, %dma_wait3A_49] : memref<10240x128xf32, #tpu.memory_space<vmem_shared>> -> memref<10240x128xf32, #tpu.memory_space<vmem_shared>>
      tpu.wait_indirect_dma semaphore(%run_scoped3A : memref<!tpu.dma_semaphore, #tpu.memory_space<semaphore_mem>>) src(%arg11 : memref<128x128xf32, #tpu.memory_space<vmem>>) dst(%dma_wait3A_50 : memref<10240x128xf32, #tpu.memory_space<vmem_shared>>)
      tpu.yield
    }) : () -> ()
    %barrier3A_38 = arith.constant 0 : index
    tpu.barrier barrier_id(%barrier3A_38)
    %scan3A_39 = arith.constant 0 : i32
    %scan3A_40 = arith.constant 0 : i32
    %scan3A_41 = arith.constant 10 : i32
    %scan3A_42 = arith.addi %scan3A_40, %scan3A_41 : i32
    %scan3A_43 = arith.constant 1 : i32
    scf.for %scan3A_45 = %scan3A_40 to %scan3A_42 step %scan3A_43  : i32 {
      %mul3A_46 = arith.constant 64 : i32
      %mul3A_47 = arith.muli %scan3A_45, %mul3A_46 : i32
      %add3A_48 = arith.addi %mul3A_2, %mul3A_47 : i32
      "tpu.region"() ({
        %run_scoped3A = tpu.sem_alloc : memref<!tpu.dma_semaphore, #tpu.memory_space<semaphore_mem>>
        %dma_start3A_49 = arith.constant 0 : i32
        %dma_start3A_50 = tpu.memref_slice %arg13[%add3A_48, %dma_start3A_49] : memref<10240x128xf32, #tpu.memory_space<vmem_shared>> -> memref<64x128xf32, #tpu.memory_space<vmem_shared>>
        %dma_start3A_51 = arith.constant 0 : i32
        %dma_start3A_52 = tpu.memref_slice %arg13[%add3A_48, %dma_start3A_51] : memref<10240x128xf32, #tpu.memory_space<vmem_shared>> -> memref<64x128xf32, #tpu.memory_space<vmem_shared>>
        tpu.enqueue_dma source(%dma_start3A_52 : memref<64x128xf32, #tpu.memory_space<vmem_shared>>) target(%arg12 : memref<64x128xf32, #tpu.memory_space<vmem>>) target_semaphore(%run_scoped3A : memref<!tpu.dma_semaphore, #tpu.memory_space<semaphore_mem>>)
        %dma_wait3A_53 = arith.constant 0 : i32
        %dma_wait3A_54 = tpu.memref_slice %arg13[%add3A_48, %dma_wait3A_53] : memref<10240x128xf32, #tpu.memory_space<vmem_shared>> -> memref<64x128xf32, #tpu.memory_space<vmem_shared>>
        %dma_wait3A_55 = arith.constant 0 : i32
        %dma_wait3A_56 = tpu.memref_slice %arg13[%add3A_48, %dma_wait3A_55] : memref<10240x128xf32, #tpu.memory_space<vmem_shared>> -> memref<64x128xf32, #tpu.memory_space<vmem_shared>>
        tpu.wait_dma2 semaphore(%run_scoped3A : memref<!tpu.dma_semaphore, #tpu.memory_space<semaphore_mem>>) src(%dma_wait3A_56 : memref<64x128xf32, #tpu.memory_space<vmem_shared>>) dst(%arg12 : memref<64x128xf32, #tpu.memory_space<vmem>>)
        tpu.yield
      }) : () -> ()
      "tpu.region"() ({
        %run_scoped3A = tpu.sem_alloc : memref<!tpu.dma_semaphore, #tpu.memory_space<semaphore_mem>>
        %dma_start3A_49 = arith.constant 0 : i32
        %dma_start3A_50 = tpu.memref_slice %arg5[%arg0, %add3A_48, %dma_start3A_49] : memref<2x10240x128xf32, #tpu.memory_space<hbm>> -> memref<1x64x128xf32, #tpu.memory_space<hbm>>
        %dma_start3A_51 = tpu.memref_squeeze %dma_start3A_50 : memref<1x64x128xf32, #tpu.memory_space<hbm>> -> memref<64x128xf32, #tpu.memory_space<hbm>>
        %dma_start3A_52 = arith.constant 0 : i32
        %dma_start3A_53 = tpu.memref_slice %arg5[%arg0, %add3A_48, %dma_start3A_52] : memref<2x10240x128xf32, #tpu.memory_space<hbm>> -> memref<1x64x128xf32, #tpu.memory_space<hbm>>
        %dma_start3A_54 = tpu.memref_squeeze %dma_start3A_53 : memref<1x64x128xf32, #tpu.memory_space<hbm>> -> memref<64x128xf32, #tpu.memory_space<hbm>>
        tpu.enqueue_dma source(%arg12 : memref<64x128xf32, #tpu.memory_space<vmem>>) target(%dma_start3A_54 : memref<64x128xf32, #tpu.memory_space<hbm>>) target_semaphore(%run_scoped3A : memref<!tpu.dma_semaphore, #tpu.memory_space<semaphore_mem>>)
        %dma_wait3A_55 = arith.constant 0 : i32
        %dma_wait3A_56 = tpu.memref_slice %arg5[%arg0, %add3A_48, %dma_wait3A_55] : memref<2x10240x128xf32, #tpu.memory_space<hbm>> -> memref<1x64x128xf32, #tpu.memory_space<hbm>>
        %dma_wait3A_57 = tpu.memref_squeeze %dma_wait3A_56 : memref<1x64x128xf32, #tpu.memory_space<hbm>> -> memref<64x128xf32, #tpu.memory_space<hbm>>
        %dma_wait3A_58 = arith.constant 0 : i32
        %dma_wait3A_59 = tpu.memref_slice %arg5[%arg0, %add3A_48, %dma_wait3A_58] : memref<2x10240x128xf32, #tpu.memory_space<hbm>> -> memref<1x64x128xf32, #tpu.memory_space<hbm>>
        %dma_wait3A_60 = tpu.memref_squeeze %dma_wait3A_59 : memref<1x64x128xf32, #tpu.memory_space<hbm>> -> memref<64x128xf32, #tpu.memory_space<hbm>>
        tpu.wait_dma2 semaphore(%run_scoped3A : memref<!tpu.dma_semaphore, #tpu.memory_space<semaphore_mem>>) src(%arg12 : memref<64x128xf32, #tpu.memory_space<vmem>>) dst(%dma_wait3A_60 : memref<64x128xf32, #tpu.memory_space<hbm>>)
        tpu.yield
      }) : () -> ()
    }
    %scan3A_44 = arith.constant 10 : i32
    return
  }
}

#map = affine_map<(d0, d1) -> (0)>
#map1 = affine_map<(d0, d1) -> (0, 0)>
module attributes {stable_mosaic.version = 14 : i64} {
  func.func @_degree_body(%arg0: i32, %arg1: i32, %arg2: memref<335872xi32, #tpu.memory_space<hbm>>, %arg3: memref<2x10240xf32, #tpu.memory_space<hbm>>, %arg4: memref<128xi32, #tpu.memory_space<vmem>>, %arg5: memref<128xf32, #tpu.memory_space<vmem>>, %arg6: memref<640xf32, #tpu.memory_space<vmem>>, %arg7: memref<10240xf32, #tpu.memory_space<vmem_shared>>) attributes {dimension_semantics = [#tpu.dimension_semantics<core_parallel>, #tpu.dimension_semantics<subcore_parallel>], iteration_bounds = array<i64: 2, 16>, scalar_prefetch = 0 : i64, scratch_operands = 4 : i64, tpu.core_type = #tpu.core_type<sc_vector_subcore>, window_params = [{transform_indices = #map}, {transform_indices = #map1}]} {
    %mul3A = arith.constant 16 : i32
    %mul3A_0 = arith.muli %arg0, %mul3A : i32
    %add3A = arith.addi %mul3A_0, %arg1 : i32
    %mul3A_1 = arith.constant 640 : i32
    %mul3A_2 = arith.muli %arg1, %mul3A_1 : i32
    %scan3A = arith.constant 0 : i32
    %scan3A_3 = arith.constant 0 : i32
    %scan3A_4 = arith.constant 40 : i32
    %scan3A_5 = arith.addi %scan3A_3, %scan3A_4 : i32
    %scan3A_6 = arith.constant 1 : i32
    scf.for %scan3A_21 = %scan3A_3 to %scan3A_5 step %scan3A_6  : i32 {
      %broadcast_in_dim3A = arith.constant 0.000000e+00 : f32
      %broadcast_in_dim3A_22 = vector.broadcast %broadcast_in_dim3A : f32 to vector<16xf32>
      %mul3A_23 = arith.constant 16 : i32
      %mul3A_24 = arith.muli %scan3A_21, %mul3A_23 : i32
      %swap3A = arith.index_cast %mul3A_24 : i32 to index
      %swap3A_25 = tpu.vector_load %arg6[%swap3A] {strides = array<i32>} : memref<640xf32, #tpu.memory_space<vmem>>, vector<16xf32>,
      %swap3A_26 = vector.shape_cast %swap3A_25 : vector<16xf32> to vector<16xf32>
      %swap3A_27 = vector.shape_cast %broadcast_in_dim3A_22 : vector<16xf32> to vector<16xf32>
      tpu.vector_store %arg6[%swap3A], %swap3A_27 {strides = array<i32>} : memref<640xf32, #tpu.memory_space<vmem>>, vector<16xf32>,
    }
    %scan3A_7 = arith.constant 40 : i32
    %scan3A_8 = arith.constant 0 : i32
    %scan3A_9 = arith.constant 0 : i32
    %scan3A_10 = arith.constant 8 : i32
    %scan3A_11 = arith.addi %scan3A_9, %scan3A_10 : i32
    %scan3A_12 = arith.constant 1 : i32
    scf.for %scan3A_21 = %scan3A_9 to %scan3A_11 step %scan3A_12  : i32 {
      %broadcast_in_dim3A = arith.constant 1.000000e+00 : f32
      %broadcast_in_dim3A_22 = vector.broadcast %broadcast_in_dim3A : f32 to vector<16xf32>
      %mul3A_23 = arith.constant 16 : i32
      %mul3A_24 = arith.muli %scan3A_21, %mul3A_23 : i32
      %swap3A = arith.index_cast %mul3A_24 : i32 to index
      %swap3A_25 = tpu.vector_load %arg5[%swap3A] {strides = array<i32>} : memref<128xf32, #tpu.memory_space<vmem>>, vector<16xf32>,
      %swap3A_26 = vector.shape_cast %swap3A_25 : vector<16xf32> to vector<16xf32>
      %swap3A_27 = vector.shape_cast %broadcast_in_dim3A_22 : vector<16xf32> to vector<16xf32>
      tpu.vector_store %arg5[%swap3A], %swap3A_27 {strides = array<i32>} : memref<128xf32, #tpu.memory_space<vmem>>, vector<16xf32>,
    }
    %scan3A_13 = arith.constant 8 : i32
    "tpu.region"() ({
      %run_scoped3A = tpu.sem_alloc : memref<!tpu.dma_semaphore, #tpu.memory_space<semaphore_mem>>
      %dma_start3A = tpu.memref_slice %arg7[%mul3A_2] : memref<10240xf32, #tpu.memory_space<vmem_shared>> -> memref<640xf32, #tpu.memory_space<vmem_shared>>
      %dma_start3A_21 = tpu.memref_slice %arg7[%mul3A_2] : memref<10240xf32, #tpu.memory_space<vmem_shared>> -> memref<640xf32, #tpu.memory_space<vmem_shared>>
      tpu.enqueue_dma source(%arg6 : memref<640xf32, #tpu.memory_space<vmem>>) target(%dma_start3A_21 : memref<640xf32, #tpu.memory_space<vmem_shared>>) target_semaphore(%run_scoped3A : memref<!tpu.dma_semaphore, #tpu.memory_space<semaphore_mem>>)
      %dma_wait3A = tpu.memref_slice %arg7[%mul3A_2] : memref<10240xf32, #tpu.memory_space<vmem_shared>> -> memref<640xf32, #tpu.memory_space<vmem_shared>>
      %dma_wait3A_22 = tpu.memref_slice %arg7[%mul3A_2] : memref<10240xf32, #tpu.memory_space<vmem_shared>> -> memref<640xf32, #tpu.memory_space<vmem_shared>>
      tpu.wait_dma2 semaphore(%run_scoped3A : memref<!tpu.dma_semaphore, #tpu.memory_space<semaphore_mem>>) src(%arg6 : memref<640xf32, #tpu.memory_space<vmem>>) dst(%dma_wait3A_22 : memref<640xf32, #tpu.memory_space<vmem_shared>>)
      tpu.yield
    }) : () -> ()
    %barrier3A = arith.constant 0 : index
    tpu.barrier barrier_id(%barrier3A)
    %scan3A_14 = arith.constant 0 : i32
    %scan3A_15 = arith.constant 0 : i32
    %scan3A_16 = arith.constant 82 : i32
    %scan3A_17 = arith.addi %scan3A_15, %scan3A_16 : i32
    %scan3A_18 = arith.constant 1 : i32
    scf.for %scan3A_21 = %scan3A_15 to %scan3A_17 step %scan3A_18  : i32 {
      %mul3A_22 = arith.constant 10496 : i32
      %mul3A_23 = arith.muli %add3A, %mul3A_22 : i32
      %mul3A_24 = arith.constant 128 : i32
      %mul3A_25 = arith.muli %scan3A_21, %mul3A_24 : i32
      %add3A_26 = arith.addi %mul3A_23, %mul3A_25 : i32
      "tpu.region"() ({
        %run_scoped3A = tpu.sem_alloc : memref<!tpu.dma_semaphore, #tpu.memory_space<semaphore_mem>>
        %dma_start3A = tpu.memref_slice %arg2[%add3A_26] : memref<335872xi32, #tpu.memory_space<hbm>> -> memref<128xi32, #tpu.memory_space<hbm>>
        %dma_start3A_27 = tpu.memref_slice %arg2[%add3A_26] : memref<335872xi32, #tpu.memory_space<hbm>> -> memref<128xi32, #tpu.memory_space<hbm>>
        tpu.enqueue_dma source(%dma_start3A_27 : memref<128xi32, #tpu.memory_space<hbm>>) target(%arg4 : memref<128xi32, #tpu.memory_space<vmem>>) target_semaphore(%run_scoped3A : memref<!tpu.dma_semaphore, #tpu.memory_space<semaphore_mem>>)
        %dma_wait3A = tpu.memref_slice %arg2[%add3A_26] : memref<335872xi32, #tpu.memory_space<hbm>> -> memref<128xi32, #tpu.memory_space<hbm>>
        %dma_wait3A_28 = tpu.memref_slice %arg2[%add3A_26] : memref<335872xi32, #tpu.memory_space<hbm>> -> memref<128xi32, #tpu.memory_space<hbm>>
        tpu.wait_dma2 semaphore(%run_scoped3A : memref<!tpu.dma_semaphore, #tpu.memory_space<semaphore_mem>>) src(%dma_wait3A_28 : memref<128xi32, #tpu.memory_space<hbm>>) dst(%arg4 : memref<128xi32, #tpu.memory_space<vmem>>)
        tpu.yield
      }) : () -> ()
      "tpu.region"() ({
        %run_scoped3A = tpu.sem_alloc : memref<!tpu.dma_semaphore, #tpu.memory_space<semaphore_mem>>
        %dma_start3A = arith.constant 0 : i32
        %dma_start3A_27 = tpu.memref_slice %arg7[%dma_start3A] : memref<10240xf32, #tpu.memory_space<vmem_shared>> -> memref<10240xf32, #tpu.memory_space<vmem_shared>>
        tpu.enqueue_indirect_dma source(%arg5 : memref<128xf32, #tpu.memory_space<vmem>>) target(%dma_start3A_27 : memref<10240xf32, #tpu.memory_space<vmem_shared>>) offsets(%arg4 : memref<128xi32, #tpu.memory_space<vmem>>) semaphore(%run_scoped3A : memref<!tpu.dma_semaphore, #tpu.memory_space<semaphore_mem>>) {add = true}
        %dma_wait3A = arith.constant 0 : i32
        %dma_wait3A_28 = tpu.memref_slice %arg7[%dma_wait3A] : memref<10240xf32, #tpu.memory_space<vmem_shared>> -> memref<10240xf32, #tpu.memory_space<vmem_shared>>
        tpu.wait_indirect_dma semaphore(%run_scoped3A : memref<!tpu.dma_semaphore, #tpu.memory_space<semaphore_mem>>) src(%arg5 : memref<128xf32, #tpu.memory_space<vmem>>) dst(%dma_wait3A_28 : memref<10240xf32, #tpu.memory_space<vmem_shared>>)
        tpu.yield
      }) : () -> ()
    }
    %scan3A_19 = arith.constant 82 : i32
    %barrier3A_20 = arith.constant 0 : index
    tpu.barrier barrier_id(%barrier3A_20)
    "tpu.region"() ({
      %run_scoped3A = tpu.sem_alloc : memref<!tpu.dma_semaphore, #tpu.memory_space<semaphore_mem>>
      %dma_start3A = tpu.memref_slice %arg7[%mul3A_2] : memref<10240xf32, #tpu.memory_space<vmem_shared>> -> memref<640xf32, #tpu.memory_space<vmem_shared>>
      %dma_start3A_21 = tpu.memref_slice %arg7[%mul3A_2] : memref<10240xf32, #tpu.memory_space<vmem_shared>> -> memref<640xf32, #tpu.memory_space<vmem_shared>>
      tpu.enqueue_dma source(%dma_start3A_21 : memref<640xf32, #tpu.memory_space<vmem_shared>>) target(%arg6 : memref<640xf32, #tpu.memory_space<vmem>>) target_semaphore(%run_scoped3A : memref<!tpu.dma_semaphore, #tpu.memory_space<semaphore_mem>>)
      %dma_wait3A = tpu.memref_slice %arg7[%mul3A_2] : memref<10240xf32, #tpu.memory_space<vmem_shared>> -> memref<640xf32, #tpu.memory_space<vmem_shared>>
      %dma_wait3A_22 = tpu.memref_slice %arg7[%mul3A_2] : memref<10240xf32, #tpu.memory_space<vmem_shared>> -> memref<640xf32, #tpu.memory_space<vmem_shared>>
      tpu.wait_dma2 semaphore(%run_scoped3A : memref<!tpu.dma_semaphore, #tpu.memory_space<semaphore_mem>>) src(%dma_wait3A_22 : memref<640xf32, #tpu.memory_space<vmem_shared>>) dst(%arg6 : memref<640xf32, #tpu.memory_space<vmem>>)
      tpu.yield
    }) : () -> ()
    "tpu.region"() ({
      %run_scoped3A = tpu.sem_alloc : memref<!tpu.dma_semaphore, #tpu.memory_space<semaphore_mem>>
      %dma_start3A = tpu.memref_slice %arg3[%arg0, %mul3A_2] : memref<2x10240xf32, #tpu.memory_space<hbm>> -> memref<1x640xf32, #tpu.memory_space<hbm>>
      %dma_start3A_21 = tpu.memref_squeeze %dma_start3A : memref<1x640xf32, #tpu.memory_space<hbm>> -> memref<640xf32, #tpu.memory_space<hbm>>
      %dma_start3A_22 = tpu.memref_slice %arg3[%arg0, %mul3A_2] : memref<2x10240xf32, #tpu.memory_space<hbm>> -> memref<1x640xf32, #tpu.memory_space<hbm>>
      %dma_start3A_23 = tpu.memref_squeeze %dma_start3A_22 : memref<1x640xf32, #tpu.memory_space<hbm>> -> memref<640xf32, #tpu.memory_space<hbm>>
      tpu.enqueue_dma source(%arg6 : memref<640xf32, #tpu.memory_space<vmem>>) target(%dma_start3A_23 : memref<640xf32, #tpu.memory_space<hbm>>) target_semaphore(%run_scoped3A : memref<!tpu.dma_semaphore, #tpu.memory_space<semaphore_mem>>)
      %dma_wait3A = tpu.memref_slice %arg3[%arg0, %mul3A_2] : memref<2x10240xf32, #tpu.memory_space<hbm>> -> memref<1x640xf32, #tpu.memory_space<hbm>>
      %dma_wait3A_24 = tpu.memref_squeeze %dma_wait3A : memref<1x640xf32, #tpu.memory_space<hbm>> -> memref<640xf32, #tpu.memory_space<hbm>>
      %dma_wait3A_25 = tpu.memref_slice %arg3[%arg0, %mul3A_2] : memref<2x10240xf32, #tpu.memory_space<hbm>> -> memref<1x640xf32, #tpu.memory_space<hbm>>
      %dma_wait3A_26 = tpu.memref_squeeze %dma_wait3A_25 : memref<1x640xf32, #tpu.memory_space<hbm>> -> memref<640xf32, #tpu.memory_space<hbm>>
      tpu.wait_dma2 semaphore(%run_scoped3A : memref<!tpu.dma_semaphore, #tpu.memory_space<semaphore_mem>>) src(%arg6 : memref<640xf32, #tpu.memory_space<vmem>>) dst(%dma_wait3A_26 : memref<640xf32, #tpu.memory_space<hbm>>)
      tpu.yield
    }) : () -> ()
    return
  }
}

#map = affine_map<(d0, d1) -> (0, 0)>
#map1 = affine_map<(d0, d1) -> (0)>
#map2 = affine_map<(d0, d1) -> (0, 0, 0)>
module attributes {stable_mosaic.version = 14 : i64} {
  func.func @_scatter_body(%arg0: i32, %arg1: i32, %arg2: memref<10240x128xf32, #tpu.memory_space<hbm>>, %arg3: memref<335872xi32, #tpu.memory_space<hbm>>, %arg4: memref<335872xi32, #tpu.memory_space<hbm>>, %arg5: memref<2x10240x128xf32, #tpu.memory_space<hbm>>, %arg6: memref<128xi32, #tpu.memory_space<vmem>>, %arg7: memref<128xi32, #tpu.memory_space<vmem>>, %arg8: memref<128xi32, #tpu.memory_space<vmem>>, %arg9: memref<128xi32, #tpu.memory_space<vmem>>, %arg10: memref<128x128xf32, #tpu.memory_space<vmem>>, %arg11: memref<128x128xf32, #tpu.memory_space<vmem>>, %arg12: memref<64x128xf32, #tpu.memory_space<vmem>>, %arg13: memref<10240x128xf32, #tpu.memory_space<vmem_shared>>, %arg14: memref<!tpu.dma_semaphore, #tpu.memory_space<semaphore_mem>>, %arg15: memref<!tpu.dma_semaphore, #tpu.memory_space<semaphore_mem>>) attributes {dimension_semantics = [#tpu.dimension_semantics<core_parallel>, #tpu.dimension_semantics<subcore_parallel>], iteration_bounds = array<i64: 2, 16>, scalar_prefetch = 0 : i64, scratch_operands = 10 : i64, tpu.core_type = #tpu.core_type<sc_vector_subcore>, window_params = [{transform_indices = #map}, {transform_indices = #map1}, {transform_indices = #map1}, {transform_indices = #map2}]} {
    %mul3A = arith.constant 16 : i32
    %mul3A_0 = arith.muli %arg0, %mul3A : i32
    %add3A = arith.addi %mul3A_0, %arg1 : i32
    %mul3A_1 = arith.constant 640 : i32
    %mul3A_2 = arith.muli %arg1, %mul3A_1 : i32
    %scan3A = arith.constant 0 : i32
    %scan3A_3 = arith.constant 0 : i32
    %scan3A_4 = arith.constant 512 : i32
    %scan3A_5 = arith.addi %scan3A_3, %scan3A_4 : i32
    %scan3A_6 = arith.constant 1 : i32
    scf.for %scan3A_45 = %scan3A_3 to %scan3A_5 step %scan3A_6  : i32 {
      %broadcast_in_dim3A = arith.constant 0.000000e+00 : f32
      %broadcast_in_dim3A_46 = vector.broadcast %broadcast_in_dim3A : f32 to vector<16xf32>
      %jit3A = arith.constant 8 : i32
      %div3A = arith.divsi %scan3A_45, %jit3A : i32
      %sign3A = arith.constant 0 : i32
      %sign3A_47 = arith.cmpi sgt, %scan3A_45, %sign3A : i32
      %sign3A_48 = arith.extui %sign3A_47 : i1 to i32
      %sign3A_49 = arith.constant 0 : i32
      %sign3A_50 = arith.cmpi slt, %scan3A_45, %sign3A_49 : i32
      %sign3A_51 = arith.extui %sign3A_50 : i1 to i32
      %sign3A_52 = arith.subi %sign3A_48, %sign3A_51 : i32
      %sign3A_53 = arith.constant 0 : i32
      %sign3A_54 = arith.cmpi sgt, %jit3A, %sign3A_53 : i32
      %sign3A_55 = arith.extui %sign3A_54 : i1 to i32
      %sign3A_56 = arith.constant 0 : i32
      %sign3A_57 = arith.cmpi slt, %jit3A, %sign3A_56 : i32
      %sign3A_58 = arith.extui %sign3A_57 : i1 to i32
      %sign3A_59 = arith.subi %sign3A_55, %sign3A_58 : i32
      %ne3A = arith.cmpi ne, %sign3A_52, %sign3A_59 : i32
      %rem3A = arith.remsi %scan3A_45, %jit3A : i32
      %ne3A_60 = arith.constant 0 : i32
      %ne3A_61 = arith.cmpi ne, %rem3A, %ne3A_60 : i32
      %and3A = arith.andi %ne3A, %ne3A_61 : i1
      %sub3A = arith.constant 1 : i32
      %sub3A_62 = arith.subi %div3A, %sub3A : i32
      %select_n3A = arith.select %and3A, %sub3A_62, %div3A : i32
      %jit3A_63 = arith.constant 8 : i32
      %eq3A = arith.constant 0 : i32
      %eq3A_64 = arith.cmpi eq, %jit3A_63, %eq3A : i32
      %jit3A_65 = arith.constant 1 : i32
      %select_n3A_66 = arith.select %eq3A_64, %jit3A_65, %jit3A_63 : i32
      %rem3A_67 = arith.remsi %scan3A_45, %select_n3A_66 : i32
      %ne3A_68 = arith.constant 0 : i32
      %ne3A_69 = arith.cmpi ne, %rem3A_67, %ne3A_68 : i32
      %lt3A = arith.constant 0 : i32
      %lt3A_70 = arith.cmpi slt, %rem3A_67, %lt3A : i32
      %lt3A_71 = arith.constant 0 : i32
      %lt3A_72 = arith.cmpi slt, %select_n3A_66, %lt3A_71 : i32
      %ne3A_73 = arith.xori %lt3A_70, %lt3A_72 : i1
      %and3A_74 = arith.andi %ne3A_73, %ne3A_69 : i1
      %add3A_75 = arith.addi %rem3A_67, %select_n3A_66 : i32
      %select_n3A_76 = arith.select %and3A_74, %add3A_75, %rem3A_67 : i32
      %mul3A_77 = arith.constant 16 : i32
      %mul3A_78 = arith.muli %select_n3A_76, %mul3A_77 : i32
      %swap3A = arith.index_cast %select_n3A : i32 to index
      %swap3A_79 = arith.index_cast %mul3A_78 : i32 to index
      %swap3A_80 = tpu.vector_load %arg12[%swap3A, %swap3A_79] {strides = array<i32>} : memref<64x128xf32, #tpu.memory_space<vmem>>, vector<1x16xf32>,
      %swap3A_81 = vector.shape_cast %swap3A_80 : vector<1x16xf32> to vector<16xf32>
      %swap3A_82 = vector.shape_cast %broadcast_in_dim3A_46 : vector<16xf32> to vector<1x16xf32>
      tpu.vector_store %arg12[%swap3A, %swap3A_79], %swap3A_82 {strides = array<i32>} : memref<64x128xf32, #tpu.memory_space<vmem>>, vector<1x16xf32>,
    }
    %scan3A_7 = arith.constant 512 : i32
    %scan3A_8 = arith.constant 0 : i32
    %scan3A_9 = arith.constant 0 : i32
    %scan3A_10 = arith.constant 10 : i32
    %scan3A_11 = arith.addi %scan3A_9, %scan3A_10 : i32
    %scan3A_12 = arith.constant 1 : i32
    scf.for %scan3A_45 = %scan3A_9 to %scan3A_11 step %scan3A_12  : i32 {
      %mul3A_46 = arith.constant 64 : i32
      %mul3A_47 = arith.muli %scan3A_45, %mul3A_46 : i32
      %add3A_48 = arith.addi %mul3A_2, %mul3A_47 : i32
      "tpu.region"() ({
        %run_scoped3A = tpu.sem_alloc : memref<!tpu.dma_semaphore, #tpu.memory_space<semaphore_mem>>
        %dma_start3A_49 = arith.constant 0 : i32
        %dma_start3A_50 = tpu.memref_slice %arg13[%add3A_48, %dma_start3A_49] : memref<10240x128xf32, #tpu.memory_space<vmem_shared>> -> memref<64x128xf32, #tpu.memory_space<vmem_shared>>
        %dma_start3A_51 = arith.constant 0 : i32
        %dma_start3A_52 = tpu.memref_slice %arg13[%add3A_48, %dma_start3A_51] : memref<10240x128xf32, #tpu.memory_space<vmem_shared>> -> memref<64x128xf32, #tpu.memory_space<vmem_shared>>
        tpu.enqueue_dma source(%arg12 : memref<64x128xf32, #tpu.memory_space<vmem>>) target(%dma_start3A_52 : memref<64x128xf32, #tpu.memory_space<vmem_shared>>) target_semaphore(%run_scoped3A : memref<!tpu.dma_semaphore, #tpu.memory_space<semaphore_mem>>)
        %dma_wait3A_53 = arith.constant 0 : i32
        %dma_wait3A_54 = tpu.memref_slice %arg13[%add3A_48, %dma_wait3A_53] : memref<10240x128xf32, #tpu.memory_space<vmem_shared>> -> memref<64x128xf32, #tpu.memory_space<vmem_shared>>
        %dma_wait3A_55 = arith.constant 0 : i32
        %dma_wait3A_56 = tpu.memref_slice %arg13[%add3A_48, %dma_wait3A_55] : memref<10240x128xf32, #tpu.memory_space<vmem_shared>> -> memref<64x128xf32, #tpu.memory_space<vmem_shared>>
        tpu.wait_dma2 semaphore(%run_scoped3A : memref<!tpu.dma_semaphore, #tpu.memory_space<semaphore_mem>>) src(%arg12 : memref<64x128xf32, #tpu.memory_space<vmem>>) dst(%dma_wait3A_56 : memref<64x128xf32, #tpu.memory_space<vmem_shared>>)
        tpu.yield
      }) : () -> ()
    }
    %scan3A_13 = arith.constant 10 : i32
    %barrier3A = arith.constant 0 : index
    tpu.barrier barrier_id(%barrier3A)
    %mul3A_14 = arith.constant 10496 : i32
    %mul3A_15 = arith.muli %add3A, %mul3A_14 : i32
    %add3A_16 = arith.constant 0 : i32
    %add3A_17 = arith.addi %mul3A_15, %add3A_16 : i32
    "tpu.region"() ({
      %run_scoped3A = tpu.sem_alloc : memref<!tpu.dma_semaphore, #tpu.memory_space<semaphore_mem>>
      %dma_start3A_45 = tpu.memref_slice %arg3[%add3A_17] : memref<335872xi32, #tpu.memory_space<hbm>> -> memref<128xi32, #tpu.memory_space<hbm>>
      %dma_start3A_46 = tpu.memref_slice %arg3[%add3A_17] : memref<335872xi32, #tpu.memory_space<hbm>> -> memref<128xi32, #tpu.memory_space<hbm>>
      tpu.enqueue_dma source(%dma_start3A_46 : memref<128xi32, #tpu.memory_space<hbm>>) target(%arg6 : memref<128xi32, #tpu.memory_space<vmem>>) target_semaphore(%run_scoped3A : memref<!tpu.dma_semaphore, #tpu.memory_space<semaphore_mem>>)
      %dma_wait3A_47 = tpu.memref_slice %arg3[%add3A_17] : memref<335872xi32, #tpu.memory_space<hbm>> -> memref<128xi32, #tpu.memory_space<hbm>>
      %dma_wait3A_48 = tpu.memref_slice %arg3[%add3A_17] : memref<335872xi32, #tpu.memory_space<hbm>> -> memref<128xi32, #tpu.memory_space<hbm>>
      tpu.wait_dma2 semaphore(%run_scoped3A : memref<!tpu.dma_semaphore, #tpu.memory_space<semaphore_mem>>) src(%dma_wait3A_48 : memref<128xi32, #tpu.memory_space<hbm>>) dst(%arg6 : memref<128xi32, #tpu.memory_space<vmem>>)
      tpu.yield
    }) : () -> ()
    "tpu.region"() ({
      %run_scoped3A = tpu.sem_alloc : memref<!tpu.dma_semaphore, #tpu.memory_space<semaphore_mem>>
      %dma_start3A_45 = tpu.memref_slice %arg4[%add3A_17] : memref<335872xi32, #tpu.memory_space<hbm>> -> memref<128xi32, #tpu.memory_space<hbm>>
      %dma_start3A_46 = tpu.memref_slice %arg4[%add3A_17] : memref<335872xi32, #tpu.memory_space<hbm>> -> memref<128xi32, #tpu.memory_space<hbm>>
      tpu.enqueue_dma source(%dma_start3A_46 : memref<128xi32, #tpu.memory_space<hbm>>) target(%arg8 : memref<128xi32, #tpu.memory_space<vmem>>) target_semaphore(%run_scoped3A : memref<!tpu.dma_semaphore, #tpu.memory_space<semaphore_mem>>)
      %dma_wait3A_47 = tpu.memref_slice %arg4[%add3A_17] : memref<335872xi32, #tpu.memory_space<hbm>> -> memref<128xi32, #tpu.memory_space<hbm>>
      %dma_wait3A_48 = tpu.memref_slice %arg4[%add3A_17] : memref<335872xi32, #tpu.memory_space<hbm>> -> memref<128xi32, #tpu.memory_space<hbm>>
      tpu.wait_dma2 semaphore(%run_scoped3A : memref<!tpu.dma_semaphore, #tpu.memory_space<semaphore_mem>>) src(%dma_wait3A_48 : memref<128xi32, #tpu.memory_space<hbm>>) dst(%arg8 : memref<128xi32, #tpu.memory_space<vmem>>)
      tpu.yield
    }) : () -> ()
    %dma_start3A = arith.constant 0 : i32
    %dma_start3A_18 = arith.constant 0 : i32
    %dma_start3A_19 = tpu.memref_slice %arg2[%dma_start3A, %dma_start3A_18] : memref<10240x128xf32, #tpu.memory_space<hbm>> -> memref<10240x128xf32, #tpu.memory_space<hbm>>
    tpu.enqueue_indirect_dma source(%dma_start3A_19 : memref<10240x128xf32, #tpu.memory_space<hbm>>) target(%arg10 : memref<128x128xf32, #tpu.memory_space<vmem>>) offsets(%arg6 : memref<128xi32, #tpu.memory_space<vmem>>) semaphore(%arg14 : memref<!tpu.dma_semaphore, #tpu.memory_space<semaphore_mem>>)
    %mul3A_20 = arith.constant 10496 : i32
    %mul3A_21 = arith.muli %add3A, %mul3A_20 : i32
    %add3A_22 = arith.constant 128 : i32
    %add3A_23 = arith.addi %mul3A_21, %add3A_22 : i32
    "tpu.region"() ({
      %run_scoped3A = tpu.sem_alloc : memref<!tpu.dma_semaphore, #tpu.memory_space<semaphore_mem>>
      %dma_start3A_45 = tpu.memref_slice %arg3[%add3A_23] : memref<335872xi32, #tpu.memory_space<hbm>> -> memref<128xi32, #tpu.memory_space<hbm>>
      %dma_start3A_46 = tpu.memref_slice %arg3[%add3A_23] : memref<335872xi32, #tpu.memory_space<hbm>> -> memref<128xi32, #tpu.memory_space<hbm>>
      tpu.enqueue_dma source(%dma_start3A_46 : memref<128xi32, #tpu.memory_space<hbm>>) target(%arg7 : memref<128xi32, #tpu.memory_space<vmem>>) target_semaphore(%run_scoped3A : memref<!tpu.dma_semaphore, #tpu.memory_space<semaphore_mem>>)
      %dma_wait3A_47 = tpu.memref_slice %arg3[%add3A_23] : memref<335872xi32, #tpu.memory_space<hbm>> -> memref<128xi32, #tpu.memory_space<hbm>>
      %dma_wait3A_48 = tpu.memref_slice %arg3[%add3A_23] : memref<335872xi32, #tpu.memory_space<hbm>> -> memref<128xi32, #tpu.memory_space<hbm>>
      tpu.wait_dma2 semaphore(%run_scoped3A : memref<!tpu.dma_semaphore, #tpu.memory_space<semaphore_mem>>) src(%dma_wait3A_48 : memref<128xi32, #tpu.memory_space<hbm>>) dst(%arg7 : memref<128xi32, #tpu.memory_space<vmem>>)
      tpu.yield
    }) : () -> ()
    "tpu.region"() ({
      %run_scoped3A = tpu.sem_alloc : memref<!tpu.dma_semaphore, #tpu.memory_space<semaphore_mem>>
      %dma_start3A_45 = tpu.memref_slice %arg4[%add3A_23] : memref<335872xi32, #tpu.memory_space<hbm>> -> memref<128xi32, #tpu.memory_space<hbm>>
      %dma_start3A_46 = tpu.memref_slice %arg4[%add3A_23] : memref<335872xi32, #tpu.memory_space<hbm>> -> memref<128xi32, #tpu.memory_space<hbm>>
      tpu.enqueue_dma source(%dma_start3A_46 : memref<128xi32, #tpu.memory_space<hbm>>) target(%arg9 : memref<128xi32, #tpu.memory_space<vmem>>) target_semaphore(%run_scoped3A : memref<!tpu.dma_semaphore, #tpu.memory_space<semaphore_mem>>)
      %dma_wait3A_47 = tpu.memref_slice %arg4[%add3A_23] : memref<335872xi32, #tpu.memory_space<hbm>> -> memref<128xi32, #tpu.memory_space<hbm>>
      %dma_wait3A_48 = tpu.memref_slice %arg4[%add3A_23] : memref<335872xi32, #tpu.memory_space<hbm>> -> memref<128xi32, #tpu.memory_space<hbm>>
      tpu.wait_dma2 semaphore(%run_scoped3A : memref<!tpu.dma_semaphore, #tpu.memory_space<semaphore_mem>>) src(%dma_wait3A_48 : memref<128xi32, #tpu.memory_space<hbm>>) dst(%arg9 : memref<128xi32, #tpu.memory_space<vmem>>)
      tpu.yield
    }) : () -> ()
    %dma_start3A_24 = arith.constant 0 : i32
    %dma_start3A_25 = arith.constant 0 : i32
    %dma_start3A_26 = tpu.memref_slice %arg2[%dma_start3A_24, %dma_start3A_25] : memref<10240x128xf32, #tpu.memory_space<hbm>> -> memref<10240x128xf32, #tpu.memory_space<hbm>>
    tpu.enqueue_indirect_dma source(%dma_start3A_26 : memref<10240x128xf32, #tpu.memory_space<hbm>>) target(%arg11 : memref<128x128xf32, #tpu.memory_space<vmem>>) offsets(%arg7 : memref<128xi32, #tpu.memory_space<vmem>>) semaphore(%arg15 : memref<!tpu.dma_semaphore, #tpu.memory_space<semaphore_mem>>)
    %scan3A_27 = arith.constant 0 : i32
    %scan3A_28 = arith.constant 0 : i32
    %scan3A_29 = arith.constant 40 : i32
    %scan3A_30 = arith.addi %scan3A_28, %scan3A_29 : i32
    %scan3A_31 = arith.constant 1 : i32
    scf.for %scan3A_45 = %scan3A_28 to %scan3A_30 step %scan3A_31  : i32 {
      %mul3A_46 = arith.constant 2 : i32
      %mul3A_47 = arith.muli %scan3A_45, %mul3A_46 : i32
      %dma_wait3A_48 = arith.constant 0 : i32
      %dma_wait3A_49 = arith.constant 0 : i32
      %dma_wait3A_50 = tpu.memref_slice %arg2[%dma_wait3A_48, %dma_wait3A_49] : memref<10240x128xf32, #tpu.memory_space<hbm>> -> memref<10240x128xf32, #tpu.memory_space<hbm>>
      tpu.wait_indirect_dma semaphore(%arg14 : memref<!tpu.dma_semaphore, #tpu.memory_space<semaphore_mem>>) src(%dma_wait3A_50 : memref<10240x128xf32, #tpu.memory_space<hbm>>) dst(%arg10 : memref<128x128xf32, #tpu.memory_space<vmem>>)
      "tpu.region"() ({
        %run_scoped3A = tpu.sem_alloc : memref<!tpu.dma_semaphore, #tpu.memory_space<semaphore_mem>>
        %dma_start3A_78 = arith.constant 0 : i32
        %dma_start3A_79 = arith.constant 0 : i32
        %dma_start3A_80 = tpu.memref_slice %arg13[%dma_start3A_78, %dma_start3A_79] : memref<10240x128xf32, #tpu.memory_space<vmem_shared>> -> memref<10240x128xf32, #tpu.memory_space<vmem_shared>>
        tpu.enqueue_indirect_dma source(%arg10 : memref<128x128xf32, #tpu.memory_space<vmem>>) target(%dma_start3A_80 : memref<10240x128xf32, #tpu.memory_space<vmem_shared>>) offsets(%arg8 : memref<128xi32, #tpu.memory_space<vmem>>) semaphore(%run_scoped3A : memref<!tpu.dma_semaphore, #tpu.memory_space<semaphore_mem>>) {add = true}
        %dma_wait3A_81 = arith.constant 0 : i32
        %dma_wait3A_82 = arith.constant 0 : i32
        %dma_wait3A_83 = tpu.memref_slice %arg13[%dma_wait3A_81, %dma_wait3A_82] : memref<10240x128xf32, #tpu.memory_space<vmem_shared>> -> memref<10240x128xf32, #tpu.memory_space<vmem_shared>>
        tpu.wait_indirect_dma semaphore(%run_scoped3A : memref<!tpu.dma_semaphore, #tpu.memory_space<semaphore_mem>>) src(%arg10 : memref<128x128xf32, #tpu.memory_space<vmem>>) dst(%dma_wait3A_83 : memref<10240x128xf32, #tpu.memory_space<vmem_shared>>)
        tpu.yield
      }) : () -> ()
      %add3A_51 = arith.constant 2 : i32
      %add3A_52 = arith.addi %mul3A_47, %add3A_51 : i32
      %add3A_53 = arith.constant 0 : i32
      %add3A_54 = arith.addi %add3A_52, %add3A_53 : i32
      %mul3A_55 = arith.constant 10496 : i32
      %mul3A_56 = arith.muli %add3A, %mul3A_55 : i32
      %mul3A_57 = arith.constant 128 : i32
      %mul3A_58 = arith.muli %add3A_54, %mul3A_57 : i32
      %add3A_59 = arith.addi %mul3A_56, %mul3A_58 : i32
      "tpu.region"() ({
        %run_scoped3A = tpu.sem_alloc : memref<!tpu.dma_semaphore, #tpu.memory_space<semaphore_mem>>
        %dma_start3A_78 = tpu.memref_slice %arg3[%add3A_59] : memref<335872xi32, #tpu.memory_space<hbm>> -> memref<128xi32, #tpu.memory_space<hbm>>
        %dma_start3A_79 = tpu.memref_slice %arg3[%add3A_59] : memref<335872xi32, #tpu.memory_space<hbm>> -> memref<128xi32, #tpu.memory_space<hbm>>
        tpu.enqueue_dma source(%dma_start3A_79 : memref<128xi32, #tpu.memory_space<hbm>>) target(%arg6 : memref<128xi32, #tpu.memory_space<vmem>>) target_semaphore(%run_scoped3A : memref<!tpu.dma_semaphore, #tpu.memory_space<semaphore_mem>>)
        %dma_wait3A_80 = tpu.memref_slice %arg3[%add3A_59] : memref<335872xi32, #tpu.memory_space<hbm>> -> memref<128xi32, #tpu.memory_space<hbm>>
        %dma_wait3A_81 = tpu.memref_slice %arg3[%add3A_59] : memref<335872xi32, #tpu.memory_space<hbm>> -> memref<128xi32, #tpu.memory_space<hbm>>
        tpu.wait_dma2 semaphore(%run_scoped3A : memref<!tpu.dma_semaphore, #tpu.memory_space<semaphore_mem>>) src(%dma_wait3A_81 : memref<128xi32, #tpu.memory_space<hbm>>) dst(%arg6 : memref<128xi32, #tpu.memory_space<vmem>>)
        tpu.yield
      }) : () -> ()
      "tpu.region"() ({
        %run_scoped3A = tpu.sem_alloc : memref<!tpu.dma_semaphore, #tpu.memory_space<semaphore_mem>>
        %dma_start3A_78 = tpu.memref_slice %arg4[%add3A_59] : memref<335872xi32, #tpu.memory_space<hbm>> -> memref<128xi32, #tpu.memory_space<hbm>>
        %dma_start3A_79 = tpu.memref_slice %arg4[%add3A_59] : memref<335872xi32, #tpu.memory_space<hbm>> -> memref<128xi32, #tpu.memory_space<hbm>>
        tpu.enqueue_dma source(%dma_start3A_79 : memref<128xi32, #tpu.memory_space<hbm>>) target(%arg8 : memref<128xi32, #tpu.memory_space<vmem>>) target_semaphore(%run_scoped3A : memref<!tpu.dma_semaphore, #tpu.memory_space<semaphore_mem>>)
        %dma_wait3A_80 = tpu.memref_slice %arg4[%add3A_59] : memref<335872xi32, #tpu.memory_space<hbm>> -> memref<128xi32, #tpu.memory_space<hbm>>
        %dma_wait3A_81 = tpu.memref_slice %arg4[%add3A_59] : memref<335872xi32, #tpu.memory_space<hbm>> -> memref<128xi32, #tpu.memory_space<hbm>>
        tpu.wait_dma2 semaphore(%run_scoped3A : memref<!tpu.dma_semaphore, #tpu.memory_space<semaphore_mem>>) src(%dma_wait3A_81 : memref<128xi32, #tpu.memory_space<hbm>>) dst(%arg8 : memref<128xi32, #tpu.memory_space<vmem>>)
        tpu.yield
      }) : () -> ()
      %dma_start3A_60 = arith.constant 0 : i32
      %dma_start3A_61 = arith.constant 0 : i32
      %dma_start3A_62 = tpu.memref_slice %arg2[%dma_start3A_60, %dma_start3A_61] : memref<10240x128xf32, #tpu.memory_space<hbm>> -> memref<10240x128xf32, #tpu.memory_space<hbm>>
      tpu.enqueue_indirect_dma source(%dma_start3A_62 : memref<10240x128xf32, #tpu.memory_space<hbm>>) target(%arg10 : memref<128x128xf32, #tpu.memory_space<vmem>>) offsets(%arg6 : memref<128xi32, #tpu.memory_space<vmem>>) semaphore(%arg14 : memref<!tpu.dma_semaphore, #tpu.memory_space<semaphore_mem>>)
      %dma_wait3A_63 = arith.constant 0 : i32
      %dma_wait3A_64 = arith.constant 0 : i32
      %dma_wait3A_65 = tpu.memref_slice %arg2[%dma_wait3A_63, %dma_wait3A_64] : memref<10240x128xf32, #tpu.memory_space<hbm>> -> memref<10240x128xf32, #tpu.memory_space<hbm>>
      tpu.wait_indirect_dma semaphore(%arg15 : memref<!tpu.dma_semaphore, #tpu.memory_space<semaphore_mem>>) src(%dma_wait3A_65 : memref<10240x128xf32, #tpu.memory_space<hbm>>) dst(%arg11 : memref<128x128xf32, #tpu.memory_space<vmem>>)
      "tpu.region"() ({
        %run_scoped3A = tpu.sem_alloc : memref<!tpu.dma_semaphore, #tpu.memory_space<semaphore_mem>>
        %dma_start3A_78 = arith.constant 0 : i32
        %dma_start3A_79 = arith.constant 0 : i32
        %dma_start3A_80 = tpu.memref_slice %arg13[%dma_start3A_78, %dma_start3A_79] : memref<10240x128xf32, #tpu.memory_space<vmem_shared>> -> memref<10240x128xf32, #tpu.memory_space<vmem_shared>>
        tpu.enqueue_indirect_dma source(%arg11 : memref<128x128xf32, #tpu.memory_space<vmem>>) target(%dma_start3A_80 : memref<10240x128xf32, #tpu.memory_space<vmem_shared>>) offsets(%arg9 : memref<128xi32, #tpu.memory_space<vmem>>) semaphore(%run_scoped3A : memref<!tpu.dma_semaphore, #tpu.memory_space<semaphore_mem>>) {add = true}
        %dma_wait3A_81 = arith.constant 0 : i32
        %dma_wait3A_82 = arith.constant 0 : i32
        %dma_wait3A_83 = tpu.memref_slice %arg13[%dma_wait3A_81, %dma_wait3A_82] : memref<10240x128xf32, #tpu.memory_space<vmem_shared>> -> memref<10240x128xf32, #tpu.memory_space<vmem_shared>>
        tpu.wait_indirect_dma semaphore(%run_scoped3A : memref<!tpu.dma_semaphore, #tpu.memory_space<semaphore_mem>>) src(%arg11 : memref<128x128xf32, #tpu.memory_space<vmem>>) dst(%dma_wait3A_83 : memref<10240x128xf32, #tpu.memory_space<vmem_shared>>)
        tpu.yield
      }) : () -> ()
      %add3A_66 = arith.constant 2 : i32
      %add3A_67 = arith.addi %mul3A_47, %add3A_66 : i32
      %add3A_68 = arith.constant 1 : i32
      %add3A_69 = arith.addi %add3A_67, %add3A_68 : i32
      %mul3A_70 = arith.constant 10496 : i32
      %mul3A_71 = arith.muli %add3A, %mul3A_70 : i32
      %mul3A_72 = arith.constant 128 : i32
      %mul3A_73 = arith.muli %add3A_69, %mul3A_72 : i32
      %add3A_74 = arith.addi %mul3A_71, %mul3A_73 : i32
      "tpu.region"() ({
        %run_scoped3A = tpu.sem_alloc : memref<!tpu.dma_semaphore, #tpu.memory_space<semaphore_mem>>
        %dma_start3A_78 = tpu.memref_slice %arg3[%add3A_74] : memref<335872xi32, #tpu.memory_space<hbm>> -> memref<128xi32, #tpu.memory_space<hbm>>
        %dma_start3A_79 = tpu.memref_slice %arg3[%add3A_74] : memref<335872xi32, #tpu.memory_space<hbm>> -> memref<128xi32, #tpu.memory_space<hbm>>
        tpu.enqueue_dma source(%dma_start3A_79 : memref<128xi32, #tpu.memory_space<hbm>>) target(%arg7 : memref<128xi32, #tpu.memory_space<vmem>>) target_semaphore(%run_scoped3A : memref<!tpu.dma_semaphore, #tpu.memory_space<semaphore_mem>>)
        %dma_wait3A_80 = tpu.memref_slice %arg3[%add3A_74] : memref<335872xi32, #tpu.memory_space<hbm>> -> memref<128xi32, #tpu.memory_space<hbm>>
        %dma_wait3A_81 = tpu.memref_slice %arg3[%add3A_74] : memref<335872xi32, #tpu.memory_space<hbm>> -> memref<128xi32, #tpu.memory_space<hbm>>
        tpu.wait_dma2 semaphore(%run_scoped3A : memref<!tpu.dma_semaphore, #tpu.memory_space<semaphore_mem>>) src(%dma_wait3A_81 : memref<128xi32, #tpu.memory_space<hbm>>) dst(%arg7 : memref<128xi32, #tpu.memory_space<vmem>>)
        tpu.yield
      }) : () -> ()
      "tpu.region"() ({
        %run_scoped3A = tpu.sem_alloc : memref<!tpu.dma_semaphore, #tpu.memory_space<semaphore_mem>>
        %dma_start3A_78 = tpu.memref_slice %arg4[%add3A_74] : memref<335872xi32, #tpu.memory_space<hbm>> -> memref<128xi32, #tpu.memory_space<hbm>>
        %dma_start3A_79 = tpu.memref_slice %arg4[%add3A_74] : memref<335872xi32, #tpu.memory_space<hbm>> -> memref<128xi32, #tpu.memory_space<hbm>>
        tpu.enqueue_dma source(%dma_start3A_79 : memref<128xi32, #tpu.memory_space<hbm>>) target(%arg9 : memref<128xi32, #tpu.memory_space<vmem>>) target_semaphore(%run_scoped3A : memref<!tpu.dma_semaphore, #tpu.memory_space<semaphore_mem>>)
        %dma_wait3A_80 = tpu.memref_slice %arg4[%add3A_74] : memref<335872xi32, #tpu.memory_space<hbm>> -> memref<128xi32, #tpu.memory_space<hbm>>
        %dma_wait3A_81 = tpu.memref_slice %arg4[%add3A_74] : memref<335872xi32, #tpu.memory_space<hbm>> -> memref<128xi32, #tpu.memory_space<hbm>>
        tpu.wait_dma2 semaphore(%run_scoped3A : memref<!tpu.dma_semaphore, #tpu.memory_space<semaphore_mem>>) src(%dma_wait3A_81 : memref<128xi32, #tpu.memory_space<hbm>>) dst(%arg9 : memref<128xi32, #tpu.memory_space<vmem>>)
        tpu.yield
      }) : () -> ()
      %dma_start3A_75 = arith.constant 0 : i32
      %dma_start3A_76 = arith.constant 0 : i32
      %dma_start3A_77 = tpu.memref_slice %arg2[%dma_start3A_75, %dma_start3A_76] : memref<10240x128xf32, #tpu.memory_space<hbm>> -> memref<10240x128xf32, #tpu.memory_space<hbm>>
      tpu.enqueue_indirect_dma source(%dma_start3A_77 : memref<10240x128xf32, #tpu.memory_space<hbm>>) target(%arg11 : memref<128x128xf32, #tpu.memory_space<vmem>>) offsets(%arg7 : memref<128xi32, #tpu.memory_space<vmem>>) semaphore(%arg15 : memref<!tpu.dma_semaphore, #tpu.memory_space<semaphore_mem>>)
    }
    %scan3A_32 = arith.constant 40 : i32
    %dma_wait3A = arith.constant 0 : i32
    %dma_wait3A_33 = arith.constant 0 : i32
    %dma_wait3A_34 = tpu.memref_slice %arg2[%dma_wait3A, %dma_wait3A_33] : memref<10240x128xf32, #tpu.memory_space<hbm>> -> memref<10240x128xf32, #tpu.memory_space<hbm>>
    tpu.wait_indirect_dma semaphore(%arg14 : memref<!tpu.dma_semaphore, #tpu.memory_space<semaphore_mem>>) src(%dma_wait3A_34 : memref<10240x128xf32, #tpu.memory_space<hbm>>) dst(%arg10 : memref<128x128xf32, #tpu.memory_space<vmem>>)
    "tpu.region"() ({
      %run_scoped3A = tpu.sem_alloc : memref<!tpu.dma_semaphore, #tpu.memory_space<semaphore_mem>>
      %dma_start3A_45 = arith.constant 0 : i32
      %dma_start3A_46 = arith.constant 0 : i32
      %dma_start3A_47 = tpu.memref_slice %arg13[%dma_start3A_45, %dma_start3A_46] : memref<10240x128xf32, #tpu.memory_space<vmem_shared>> -> memref<10240x128xf32, #tpu.memory_space<vmem_shared>>
      tpu.enqueue_indirect_dma source(%arg10 : memref<128x128xf32, #tpu.memory_space<vmem>>) target(%dma_start3A_47 : memref<10240x128xf32, #tpu.memory_space<vmem_shared>>) offsets(%arg8 : memref<128xi32, #tpu.memory_space<vmem>>) semaphore(%run_scoped3A : memref<!tpu.dma_semaphore, #tpu.memory_space<semaphore_mem>>) {add = true}
      %dma_wait3A_48 = arith.constant 0 : i32
      %dma_wait3A_49 = arith.constant 0 : i32
      %dma_wait3A_50 = tpu.memref_slice %arg13[%dma_wait3A_48, %dma_wait3A_49] : memref<10240x128xf32, #tpu.memory_space<vmem_shared>> -> memref<10240x128xf32, #tpu.memory_space<vmem_shared>>
      tpu.wait_indirect_dma semaphore(%run_scoped3A : memref<!tpu.dma_semaphore, #tpu.memory_space<semaphore_mem>>) src(%arg10 : memref<128x128xf32, #tpu.memory_space<vmem>>) dst(%dma_wait3A_50 : memref<10240x128xf32, #tpu.memory_space<vmem_shared>>)
      tpu.yield
    }) : () -> ()
    %dma_wait3A_35 = arith.constant 0 : i32
    %dma_wait3A_36 = arith.constant 0 : i32
    %dma_wait3A_37 = tpu.memref_slice %arg2[%dma_wait3A_35, %dma_wait3A_36] : memref<10240x128xf32, #tpu.memory_space<hbm>> -> memref<10240x128xf32, #tpu.memory_space<hbm>>
    tpu.wait_indirect_dma semaphore(%arg15 : memref<!tpu.dma_semaphore, #tpu.memory_space<semaphore_mem>>) src(%dma_wait3A_37 : memref<10240x128xf32, #tpu.memory_space<hbm>>) dst(%arg11 : memref<128x128xf32, #tpu.memory_space<vmem>>)
    "tpu.region"() ({
      %run_scoped3A = tpu.sem_alloc : memref<!tpu.dma_semaphore, #tpu.memory_space<semaphore_mem>>
      %dma_start3A_45 = arith.constant 0 : i32
      %dma_start3A_46 = arith.constant 0 : i32
      %dma_start3A_47 = tpu.memref_slice %arg13[%dma_start3A_45, %dma_start3A_46] : memref<10240x128xf32, #tpu.memory_space<vmem_shared>> -> memref<10240x128xf32, #tpu.memory_space<vmem_shared>>
      tpu.enqueue_indirect_dma source(%arg11 : memref<128x128xf32, #tpu.memory_space<vmem>>) target(%dma_start3A_47 : memref<10240x128xf32, #tpu.memory_space<vmem_shared>>) offsets(%arg9 : memref<128xi32, #tpu.memory_space<vmem>>) semaphore(%run_scoped3A : memref<!tpu.dma_semaphore, #tpu.memory_space<semaphore_mem>>) {add = true}
      %dma_wait3A_48 = arith.constant 0 : i32
      %dma_wait3A_49 = arith.constant 0 : i32
      %dma_wait3A_50 = tpu.memref_slice %arg13[%dma_wait3A_48, %dma_wait3A_49] : memref<10240x128xf32, #tpu.memory_space<vmem_shared>> -> memref<10240x128xf32, #tpu.memory_space<vmem_shared>>
      tpu.wait_indirect_dma semaphore(%run_scoped3A : memref<!tpu.dma_semaphore, #tpu.memory_space<semaphore_mem>>) src(%arg11 : memref<128x128xf32, #tpu.memory_space<vmem>>) dst(%dma_wait3A_50 : memref<10240x128xf32, #tpu.memory_space<vmem_shared>>)
      tpu.yield
    }) : () -> ()
    %barrier3A_38 = arith.constant 0 : index
    tpu.barrier barrier_id(%barrier3A_38)
    %scan3A_39 = arith.constant 0 : i32
    %scan3A_40 = arith.constant 0 : i32
    %scan3A_41 = arith.constant 10 : i32
    %scan3A_42 = arith.addi %scan3A_40, %scan3A_41 : i32
    %scan3A_43 = arith.constant 1 : i32
    scf.for %scan3A_45 = %scan3A_40 to %scan3A_42 step %scan3A_43  : i32 {
      %mul3A_46 = arith.constant 64 : i32
      %mul3A_47 = arith.muli %scan3A_45, %mul3A_46 : i32
      %add3A_48 = arith.addi %mul3A_2, %mul3A_47 : i32
      "tpu.region"() ({
        %run_scoped3A = tpu.sem_alloc : memref<!tpu.dma_semaphore, #tpu.memory_space<semaphore_mem>>
        %dma_start3A_49 = arith.constant 0 : i32
        %dma_start3A_50 = tpu.memref_slice %arg13[%add3A_48, %dma_start3A_49] : memref<10240x128xf32, #tpu.memory_space<vmem_shared>> -> memref<64x128xf32, #tpu.memory_space<vmem_shared>>
        %dma_start3A_51 = arith.constant 0 : i32
        %dma_start3A_52 = tpu.memref_slice %arg13[%add3A_48, %dma_start3A_51] : memref<10240x128xf32, #tpu.memory_space<vmem_shared>> -> memref<64x128xf32, #tpu.memory_space<vmem_shared>>
        tpu.enqueue_dma source(%dma_start3A_52 : memref<64x128xf32, #tpu.memory_space<vmem_shared>>) target(%arg12 : memref<64x128xf32, #tpu.memory_space<vmem>>) target_semaphore(%run_scoped3A : memref<!tpu.dma_semaphore, #tpu.memory_space<semaphore_mem>>)
        %dma_wait3A_53 = arith.constant 0 : i32
        %dma_wait3A_54 = tpu.memref_slice %arg13[%add3A_48, %dma_wait3A_53] : memref<10240x128xf32, #tpu.memory_space<vmem_shared>> -> memref<64x128xf32, #tpu.memory_space<vmem_shared>>
        %dma_wait3A_55 = arith.constant 0 : i32
        %dma_wait3A_56 = tpu.memref_slice %arg13[%add3A_48, %dma_wait3A_55] : memref<10240x128xf32, #tpu.memory_space<vmem_shared>> -> memref<64x128xf32, #tpu.memory_space<vmem_shared>>
        tpu.wait_dma2 semaphore(%run_scoped3A : memref<!tpu.dma_semaphore, #tpu.memory_space<semaphore_mem>>) src(%dma_wait3A_56 : memref<64x128xf32, #tpu.memory_space<vmem_shared>>) dst(%arg12 : memref<64x128xf32, #tpu.memory_space<vmem>>)
        tpu.yield
      }) : () -> ()
      "tpu.region"() ({
        %run_scoped3A = tpu.sem_alloc : memref<!tpu.dma_semaphore, #tpu.memory_space<semaphore_mem>>
        %dma_start3A_49 = arith.constant 0 : i32
        %dma_start3A_50 = tpu.memref_slice %arg5[%arg0, %add3A_48, %dma_start3A_49] : memref<2x10240x128xf32, #tpu.memory_space<hbm>> -> memref<1x64x128xf32, #tpu.memory_space<hbm>>
        %dma_start3A_51 = tpu.memref_squeeze %dma_start3A_50 : memref<1x64x128xf32, #tpu.memory_space<hbm>> -> memref<64x128xf32, #tpu.memory_space<hbm>>
        %dma_start3A_52 = arith.constant 0 : i32
        %dma_start3A_53 = tpu.memref_slice %arg5[%arg0, %add3A_48, %dma_start3A_52] : memref<2x10240x128xf32, #tpu.memory_space<hbm>> -> memref<1x64x128xf32, #tpu.memory_space<hbm>>
        %dma_start3A_54 = tpu.memref_squeeze %dma_start3A_53 : memref<1x64x128xf32, #tpu.memory_space<hbm>> -> memref<64x128xf32, #tpu.memory_space<hbm>>
        tpu.enqueue_dma source(%arg12 : memref<64x128xf32, #tpu.memory_space<vmem>>) target(%dma_start3A_54 : memref<64x128xf32, #tpu.memory_space<hbm>>) target_semaphore(%run_scoped3A : memref<!tpu.dma_semaphore, #tpu.memory_space<semaphore_mem>>)
        %dma_wait3A_55 = arith.constant 0 : i32
        %dma_wait3A_56 = tpu.memref_slice %arg5[%arg0, %add3A_48, %dma_wait3A_55] : memref<2x10240x128xf32, #tpu.memory_space<hbm>> -> memref<1x64x128xf32, #tpu.memory_space<hbm>>
        %dma_wait3A_57 = tpu.memref_squeeze %dma_wait3A_56 : memref<1x64x128xf32, #tpu.memory_space<hbm>> -> memref<64x128xf32, #tpu.memory_space<hbm>>
        %dma_wait3A_58 = arith.constant 0 : i32
        %dma_wait3A_59 = tpu.memref_slice %arg5[%arg0, %add3A_48, %dma_wait3A_58] : memref<2x10240x128xf32, #tpu.memory_space<hbm>> -> memref<1x64x128xf32, #tpu.memory_space<hbm>>
        %dma_wait3A_60 = tpu.memref_squeeze %dma_wait3A_59 : memref<1x64x128xf32, #tpu.memory_space<hbm>> -> memref<64x128xf32, #tpu.memory_space<hbm>>
        tpu.wait_dma2 semaphore(%run_scoped3A : memref<!tpu.dma_semaphore, #tpu.memory_space<semaphore_mem>>) src(%arg12 : memref<64x128xf32, #tpu.memory_space<vmem>>) dst(%dma_wait3A_60 : memref<64x128xf32, #tpu.memory_space<hbm>>)
        tpu.yield
      }) : () -> ()
    }
    %scan3A_44 = arith.constant 10 : i32
    return
  }
}

module attributes {stable_mosaic.version = 14 : i64} {
  func.func @_mid_body(%arg0: memref<2x10240x128xf32, #tpu.memory_space<vmem>>, %arg1: memref<10240x1xf32, #tpu.memory_space<vmem>>, %arg2: memref<1x128xf32, #tpu.memory_space<vmem>>, %arg3: memref<1x128xf32, #tpu.memory_space<vmem>>, %arg4: memref<1x128xf32, #tpu.memory_space<vmem>>, %arg5: memref<128x128xf32, #tpu.memory_space<vmem>>, %arg6: memref<10240x128xf32, #tpu.memory_space<vmem>>) attributes {dimension_semantics = [], scalar_prefetch = 0 : i64, scratch_operands = 0 : i64, tpu.core_type = #tpu.core_type<tc>} {
    %get3A = arith.constant 0 : index
    %get3A_0 = arith.constant 0 : index
    %get3A_1 = arith.constant 0 : index
    %get3A_2 = vector.load %arg0[%get3A, %get3A_0, %get3A_1] : memref<2x10240x128xf32, #tpu.memory_space<vmem>>, vector<1x10240x128xf32>
    %get3A_3 = vector.shape_cast %get3A_2 : vector<1x10240x128xf32> to vector<10240x128xf32>
    %get3A_4 = arith.constant 1 : index
    %get3A_5 = arith.constant 0 : index
    %get3A_6 = arith.constant 0 : index
    %get3A_7 = vector.load %arg0[%get3A_4, %get3A_5, %get3A_6] : memref<2x10240x128xf32, #tpu.memory_space<vmem>>, vector<1x10240x128xf32>
    %get3A_8 = vector.shape_cast %get3A_7 : vector<1x10240x128xf32> to vector<10240x128xf32>
    %add3A = arith.addf %get3A_3, %get3A_8 : vector<10240x128xf32>
    %get3A_9 = arith.constant 0 : index
    %get3A_10 = arith.constant 0 : index
    %get3A_11 = vector.load %arg1[%get3A_9, %get3A_10] : memref<10240x1xf32, #tpu.memory_space<vmem>>, vector<10240x1xf32>
    %mul3A = vector.broadcast %get3A_11 : vector<10240x1xf32> to vector<10240x128xf32>
    %mul3A_12 = arith.mulf %add3A, %mul3A : vector<10240x128xf32>
    %get3A_13 = arith.constant 0 : index
    %get3A_14 = arith.constant 0 : index
    %get3A_15 = vector.load %arg2[%get3A_13, %get3A_14] : memref<1x128xf32, #tpu.memory_space<vmem>>, vector<1x128xf32>
    %add3A_16 = vector.broadcast %get3A_15 : vector<1x128xf32> to vector<10240x128xf32>
    %add3A_17 = arith.addf %mul3A_12, %add3A_16 : vector<10240x128xf32>
    %slice3A = vector.extract_strided_slice %add3A_17 {offsets = [0, 0], sizes = [10000, 128], strides = [1, 1]} : vector<10240x128xf32> to vector<10000x128xf32>
    %reduce_sum3A = arith.constant dense<0.000000e+00> : vector<128xf32>
    %reduce_sum3A_18 = vector.multi_reduction <add>, %slice3A, %reduce_sum3A [0] : vector<10000x128xf32> to vector<128xf32>
    %broadcast_in_dim3A = vector.shape_cast %reduce_sum3A_18 : vector<128xf32> to vector<1x128xf32>
    %div3A = arith.constant 1.000000e+04 : f32
    %div3A_19 = vector.broadcast %div3A : f32 to vector<1x128xf32>
    %div3A_20 = arith.divf %broadcast_in_dim3A, %div3A_19 : vector<1x128xf32>
    %sub3A = vector.broadcast %div3A_20 : vector<1x128xf32> to vector<10000x128xf32>
    %sub3A_21 = arith.subf %slice3A, %sub3A : vector<10000x128xf32>
    %mul3A_22 = arith.mulf %sub3A_21, %sub3A_21 : vector<10000x128xf32>
    %reduce_sum3A_23 = arith.constant dense<0.000000e+00> : vector<128xf32>
    %reduce_sum3A_24 = vector.multi_reduction <add>, %mul3A_22, %reduce_sum3A_23 [0] : vector<10000x128xf32> to vector<128xf32>
    %broadcast_in_dim3A_25 = vector.shape_cast %reduce_sum3A_24 : vector<128xf32> to vector<1x128xf32>
    %div3A_26 = arith.constant 1.000000e+04 : f32
    %div3A_27 = vector.broadcast %div3A_26 : f32 to vector<1x128xf32>
    %div3A_28 = arith.divf %broadcast_in_dim3A_25, %div3A_27 : vector<1x128xf32>
    %get3A_29 = arith.constant 0 : index
    %get3A_30 = arith.constant 0 : index
    %get3A_31 = vector.load %arg3[%get3A_29, %get3A_30] : memref<1x128xf32, #tpu.memory_space<vmem>>, vector<1x128xf32>
    %add3A_32 = arith.constant 9.99999974E-6 : f32
    %add3A_33 = vector.broadcast %add3A_32 : f32 to vector<1x128xf32>
    %add3A_34 = arith.addf %div3A_28, %add3A_33 : vector<1x128xf32>
    %rsqrt3A = math.rsqrt %add3A_34 : vector<1x128xf32>
    %mul3A_35 = arith.mulf %get3A_31, %rsqrt3A : vector<1x128xf32>
    %sub3A_36 = vector.broadcast %div3A_20 : vector<1x128xf32> to vector<10240x128xf32>
    %sub3A_37 = arith.subf %add3A_17, %sub3A_36 : vector<10240x128xf32>
    %mul3A_38 = vector.broadcast %mul3A_35 : vector<1x128xf32> to vector<10240x128xf32>
    %mul3A_39 = arith.mulf %sub3A_37, %mul3A_38 : vector<10240x128xf32>
    %get3A_40 = arith.constant 0 : index
    %get3A_41 = arith.constant 0 : index
    %get3A_42 = vector.load %arg4[%get3A_40, %get3A_41] : memref<1x128xf32, #tpu.memory_space<vmem>>, vector<1x128xf32>
    %add3A_43 = vector.broadcast %get3A_42 : vector<1x128xf32> to vector<10240x128xf32>
    %add3A_44 = arith.addf %mul3A_39, %add3A_43 : vector<10240x128xf32>
    %get3A_45 = arith.constant 0 : index
    %get3A_46 = arith.constant 0 : index
    %get3A_47 = vector.load %arg5[%get3A_45, %get3A_46] : memref<128x128xf32, #tpu.memory_space<vmem>>, vector<128x128xf32>
    %dot_general3A = arith.constant dense<0.000000e+00> : vector<10240x128xf32>
    %dot_general3A_48 = tpu.matmul %add3A_44, %get3A_47, %dot_general3A {dimension_numbers = #tpu.dot_dimension_numbers<[1], [0], [0], [1], [0, 0, 1, 1], [], []>, transpose_lhs_hint = false} : vector<10240x128xf32>, vector<128x128xf32>, vector<10240x128xf32> -> vector<10240x128xf32>
    %mul3A_49 = vector.broadcast %get3A_11 : vector<10240x1xf32> to vector<10240x128xf32>
    %mul3A_50 = arith.mulf %dot_general3A_48, %mul3A_49 : vector<10240x128xf32>
    %swap3A = arith.constant 0 : index
    %swap3A_51 = arith.constant 0 : index
    %swap3A_52 = vector.load %arg6[%swap3A, %swap3A_51] : memref<10240x128xf32, #tpu.memory_space<vmem>>, vector<10240x128xf32>
    tpu.vector_store %arg6[%swap3A, %swap3A_51], %mul3A_50 {strides = array<i32>} : memref<10240x128xf32, #tpu.memory_space<vmem>>, vector<10240x128xf32>,
    return
  }
}

module attributes {stable_mosaic.version = 14 : i64} {
  func.func @_pre_body(%arg0: memref<2x10240x1xf32, #tpu.memory_space<vmem>>, %arg1: memref<10240x128xf32, #tpu.memory_space<vmem>>, %arg2: memref<128x128xf32, #tpu.memory_space<vmem>>, %arg3: memref<10240x128xf32, #tpu.memory_space<vmem>>, %arg4: memref<10240x1xf32, #tpu.memory_space<vmem>>) attributes {dimension_semantics = [], scalar_prefetch = 0 : i64, scratch_operands = 0 : i64, tpu.core_type = #tpu.core_type<tc>} {
    %get3A = arith.constant 0 : index
    %get3A_0 = arith.constant 0 : index
    %get3A_1 = arith.constant 0 : index
    %get3A_2 = vector.load %arg0[%get3A, %get3A_0, %get3A_1] : memref<2x10240x1xf32, #tpu.memory_space<vmem>>, vector<1x10240x1xf32>
    %get3A_3 = vector.shape_cast %get3A_2 : vector<1x10240x1xf32> to vector<10240x1xf32>
    %get3A_4 = arith.constant 1 : index
    %get3A_5 = arith.constant 0 : index
    %get3A_6 = arith.constant 0 : index
    %get3A_7 = vector.load %arg0[%get3A_4, %get3A_5, %get3A_6] : memref<2x10240x1xf32, #tpu.memory_space<vmem>>, vector<1x10240x1xf32>
    %get3A_8 = vector.shape_cast %get3A_7 : vector<1x10240x1xf32> to vector<10240x1xf32>
    %add3A = arith.addf %get3A_3, %get3A_8 : vector<10240x1xf32>
    %iota3A = tpu.iota {dimensions = array<i32: 0>} : vector<10240x1xi32>
    %lt3A = arith.constant 10000 : i32
    %lt3A_9 = vector.broadcast %lt3A : i32 to vector<10240x1xi32>
    %lt3A_10 = arith.cmpi slt, %iota3A, %lt3A_9 : vector<10240x1xi32>
    %max3A = arith.constant 1.000000e+00 : f32
    %max3A_11 = vector.broadcast %max3A : f32 to vector<10240x1xf32>
    %max3A_12 = arith.maximumf %add3A, %max3A_11 : vector<10240x1xf32>
    %rsqrt3A = math.rsqrt %max3A_12 : vector<10240x1xf32>
    %jit3A = arith.constant 0.000000e+00 : f32
    %broadcast_in_dim3A = vector.broadcast %jit3A : f32 to vector<10240x1xf32>
    %select_n3A = arith.select %lt3A_10, %rsqrt3A, %broadcast_in_dim3A : vector<10240x1xi1>, vector<10240x1xf32>
    %get3A_13 = arith.constant 0 : index
    %get3A_14 = arith.constant 0 : index
    %get3A_15 = vector.load %arg1[%get3A_13, %get3A_14] : memref<10240x128xf32, #tpu.memory_space<vmem>>, vector<10240x128xf32>
    %get3A_16 = arith.constant 0 : index
    %get3A_17 = arith.constant 0 : index
    %get3A_18 = vector.load %arg2[%get3A_16, %get3A_17] : memref<128x128xf32, #tpu.memory_space<vmem>>, vector<128x128xf32>
    %dot_general3A = arith.constant dense<0.000000e+00> : vector<10240x128xf32>
    %dot_general3A_19 = tpu.matmul %get3A_15, %get3A_18, %dot_general3A {dimension_numbers = #tpu.dot_dimension_numbers<[1], [0], [0], [1], [0, 0, 1, 1], [], []>, transpose_lhs_hint = false} : vector<10240x128xf32>, vector<128x128xf32>, vector<10240x128xf32> -> vector<10240x128xf32>
    %mul3A = vector.broadcast %select_n3A : vector<10240x1xf32> to vector<10240x128xf32>
    %mul3A_20 = arith.mulf %dot_general3A_19, %mul3A : vector<10240x128xf32>
    %swap3A = arith.constant 0 : index
    %swap3A_21 = arith.constant 0 : index
    %swap3A_22 = vector.load %arg3[%swap3A, %swap3A_21] : memref<10240x128xf32, #tpu.memory_space<vmem>>, vector<10240x128xf32>
    tpu.vector_store %arg3[%swap3A, %swap3A_21], %mul3A_20 {strides = array<i32>} : memref<10240x128xf32, #tpu.memory_space<vmem>>, vector<10240x128xf32>,
    %swap3A_23 = arith.constant 0 : index
    %swap3A_24 = arith.constant 0 : index
    %swap3A_25 = vector.load %arg4[%swap3A_23, %swap3A_24] : memref<10240x1xf32, #tpu.memory_space<vmem>>, vector<10240x1xf32>
    tpu.vector_store %arg4[%swap3A_23, %swap3A_24], %select_n3A {strides = array<i32>} : memref<10240x1xf32, #tpu.memory_space<vmem>>, vector<10240x1xf32>,
    return
  }
}

module attributes {stable_mosaic.version = 14 : i64} {
  func.func @_post_body(%arg0: memref<2x10240x128xf32, #tpu.memory_space<vmem>>, %arg1: memref<10240x1xf32, #tpu.memory_space<vmem>>, %arg2: memref<1x128xf32, #tpu.memory_space<vmem>>, %arg3: memref<10000x128xf32, #tpu.memory_space<vmem>>) attributes {dimension_semantics = [], scalar_prefetch = 0 : i64, scratch_operands = 0 : i64, tpu.core_type = #tpu.core_type<tc>} {
    %get3A = arith.constant 0 : index
    %get3A_0 = arith.constant 0 : index
    %get3A_1 = arith.constant 0 : index
    %get3A_2 = vector.load %arg0[%get3A, %get3A_0, %get3A_1] : memref<2x10240x128xf32, #tpu.memory_space<vmem>>, vector<1x10240x128xf32>
    %get3A_3 = vector.shape_cast %get3A_2 : vector<1x10240x128xf32> to vector<10240x128xf32>
    %get3A_4 = arith.constant 1 : index
    %get3A_5 = arith.constant 0 : index
    %get3A_6 = arith.constant 0 : index
    %get3A_7 = vector.load %arg0[%get3A_4, %get3A_5, %get3A_6] : memref<2x10240x128xf32, #tpu.memory_space<vmem>>, vector<1x10240x128xf32>
    %get3A_8 = vector.shape_cast %get3A_7 : vector<1x10240x128xf32> to vector<10240x128xf32>
    %add3A = arith.addf %get3A_3, %get3A_8 : vector<10240x128xf32>
    %get3A_9 = arith.constant 0 : index
    %get3A_10 = arith.constant 0 : index
    %get3A_11 = vector.load %arg1[%get3A_9, %get3A_10] : memref<10240x1xf32, #tpu.memory_space<vmem>>, vector<10240x1xf32>
    %mul3A = vector.broadcast %get3A_11 : vector<10240x1xf32> to vector<10240x128xf32>
    %mul3A_12 = arith.mulf %add3A, %mul3A : vector<10240x128xf32>
    %get3A_13 = arith.constant 0 : index
    %get3A_14 = arith.constant 0 : index
    %get3A_15 = vector.load %arg2[%get3A_13, %get3A_14] : memref<1x128xf32, #tpu.memory_space<vmem>>, vector<1x128xf32>
    %add3A_16 = vector.broadcast %get3A_15 : vector<1x128xf32> to vector<10240x128xf32>
    %add3A_17 = arith.addf %mul3A_12, %add3A_16 : vector<10240x128xf32>
    %slice3A = vector.extract_strided_slice %add3A_17 {offsets = [0, 0], sizes = [10000, 128], strides = [1, 1]} : vector<10240x128xf32> to vector<10000x128xf32>
    %swap3A = arith.constant 0 : index
    %swap3A_18 = arith.constant 0 : index
    %swap3A_19 = vector.load %arg3[%swap3A, %swap3A_18] : memref<10000x128xf32, #tpu.memory_space<vmem>>, vector<10000x128xf32>
    tpu.vector_store %arg3[%swap3A, %swap3A_18], %slice3A {strides = array<i32>} : memref<10000x128xf32, #tpu.memory_space<vmem>>, vector<10000x128xf32>,
    return
  }
}

</mosaic_0001>

<sc_bundles>
// kernel: kernel.10.cloned.1.call-start
scs
__scs_entry_jumppad:
0x0: {  	(pc) =	sbr.rel $0x88, $3  }
0x1: {  	(tag) =	ssettag $0x0;
	lr =	simm.s32 $0x1  }
0x2: {  	[smem:$0x3F95] =	sst lr;
	_ =	strace $0xD0000000  }
0x3: {  	_ = 	snop  }
0x4: {  	_ = 	snop  }
0x5: {  	_ = 	snop  }
0x6: {  	_ = 	snop  }
0x7: {  	_ = 	snop  }
__scs_overlays_trampoline_lowered:
0x8: {  	[smem:$0x3FA4] =	sst s0  }
0x9: {  	[smem:$0x3FA5] =	sst s1  }
0xa: {  	[smem:$0x3FA6] =	sst s2  }
0xb: {  	[smem:$0x3FA7] =	sst s3  }
0xc: {  	[smem:$0x3FA8] =	sst s4  }
0xd: {  	[smem:$0x3FA9] =	sst s5  }
0xe: {  	[smem:$0x3FAA] =	sst s6  }
0xf: {  	[smem:$0x3FAB] =	sst s7  }
0x10: {  	[smem:$0x3FAC] =	sst s8  }
0x11: {  	[smem:$0x3FAD] =	sst s9;
	s0 =	simm.s32 @!p0 $0x0  }
0x12: {  	s1 =	sld [smem:$0x3F93];
	s0 =	simm.s32 @p0 $0x1  }
0x13: {  	[smem:$0x3FAE] =	sst s0;
	s0 =	simm.s32 @!p1 $0x0  }
0x14: {  	s2 =	sld [smem:$0x3F92];
	s0 =	simm.s32 @p1 $0x1  }
0x15: {  	[smem:$0x3FAF] =	sst s0;
	s0 =	simm.s32 @!p2 $0x0  }
0x16: {  	s3 =	sld [smem:$0x3FDB];
	s0 =	simm.s32 @p2 $0x1  }
0x17: {  	s4 =	simm.s32 $0x1BF5;
	[smem:$0x3FB1] =	sst s0  }
0x18: {  	s0 =	sld [smem:$0x3F94];
	_ =	swait.ge [sflag:s4], $0x0  }
0x19: {  	s7 =	sld [smem:$0x3F95]  }
0x1a: {  	s8 =	sadd.s32 $0xFFFFE003, lr  }
0x1b: {  	s9 =	sadd.s32 $0xFFFFFEF7, lr;
	s5 =	simm.s32 $0xFFFFFFFF;
	p2 =	slt.u32 s8, $0xFFFFF086  }
0x1c: {  	p1 =	slt.u32 s9, $0xF7A;
	s5 =	simm.s32 @!p2 $0x0  }
0x1d: {  	s5 =	simm.s32 @p1 $0x1;
	p0 =	seq.s32 s7, s2  }
0x1e: {  	s7 =	smul.u32 @!p0 $0xF7A, s2;
	p2 =	seq.s32 @!p0 s5, $0x0  }
0x1f: {  	s9 =	smul.u32 $0xF7A, s1;
	s8 =	simm.s32 @!p0 $0x1BF5;
	p2 =	por !p2, p0  }
0x20: {  	[sflag:s8] =	ssyncset.s32 @!p0 $0xFFFFF086;
	s6 =	sadd.s32 @!p0 s3, s7;
	s7 =	simm.s32 @!p0 $0x108  }
0x21: {  	s3 =	sadd.s32 s3, s9;
	s6 =	sadd.s32 @!p0 $0x88, s6;
	s7 =	simm.s32 @p2 $0x1082  }
0x22: {  	[simem:s7], [sflag:s8] =	dma.local @!p0 [hbm:s6], $0xF7A  }
0x23: {  	s9 =	sor.u32 $0xD0000000, s2;
	s6 =	simm.s32 $0x108;
	_ =	swait.ge @!p0 [sflag:s8], $0x0  }
0x24: {  	s3 =	sadd.s32 $0x88, s3;
	s6 =	simm.s32 @!p1 $0x1082;
	[sflag:s4] =	ssyncset.s32 $0xFFFFF086  }
0x25: {  	[simem:s6], [sflag:s4] =	dma.local [hbm:s3], $0xF7A  }
0x26: {  	[smem:$0x3F95] =	sst s1;
	(tag) =	ssettag s2;
	_ =	strace s9  }
0x27: {  	s1 =	sld [smem:$0x3FA5]  }
0x28: {  	s2 =	sld [smem:$0x3FA6]  }
0x29: {  	s4 =	sld [smem:$0x3FA8]  }
0x2a: {  	p0 =	seq.s32 s5, $0x0;
	s5 =	sld [smem:$0x3FA9]  }
0x2b: {  	s6 =	sld [smem:$0x3FAA]  }
0x2c: {  	s7 =	sld [smem:$0x3FAB]  }
0x2d: {  	s3 =	simm.s32 $0x108;
	s8 =	sld [smem:$0x3FAC]  }
0x2e: {  	s3 =	simm.s32 @!p0 $0x1082;
	s9 =	sld [smem:$0x3FAD]  }
0x2f: {  	lr =	sadd.s32 s0, s3;
	s0 =	sld [smem:$0x3FA4]  }
0x30: {  	s3 =	sld [smem:$0x3FA7]  }
0x31: {  	[smem:$0x3FB0] =	sst s10  }
0x32: {  	s10 =	sld [smem:$0x3FAE];
	_ =	sdelay $0x3  }
0x33: {  	p0 =	seq.s32 s10, $0x1;
	s10 =	sld [smem:$0x3FB0];
	_ =	sdelay $0x3  }
0x34: {  	[smem:$0x3FB0] =	sst s10  }
0x35: {  	s10 =	sld [smem:$0x3FAF];
	_ =	sdelay $0x3  }
0x36: {  	p1 =	seq.s32 s10, $0x1;
	s10 =	sld [smem:$0x3FB0];
	_ =	sdelay $0x3  }
0x37: {  	[smem:$0x3FB0] =	sst s10  }
0x38: {  	s10 =	sld [smem:$0x3FB1]  }
0x39: {  	_ = 	snop;
	(pc) =	sbr.ind lr, $3  }
0x3a: {  	_ = 	snop  }
0x3b: {  	_ = 	snop  }
0x3c: {  	p2 =	seq.s32 s10, $0x1;
	s10 =	sld [smem:$0x3FB0]  }
0x3d: {  	_ =	shalt  }
0x3e: {  	_ =	shalt  }
0x3f: {  	_ =	shalt  }
0x40: {  	_ =	shalt  }
0x41: {  	_ =	shalt  }
0x42: {  	_ =	shalt  }
0x43: {  	_ =	shalt  }
0x44: {  	_ =	shalt  }
0x45: {  	_ =	shalt  }
0x46: {  	_ =	shalt  }
0x47: {  	_ =	shalt  }
0x48: {  	_ =	shalt  }
0x49: {  	_ =	shalt  }
0x4a: {  	_ =	shalt  }
0x4b: {  	_ =	shalt  }
0x4c: {  	_ =	shalt  }
0x4d: {  	_ =	shalt  }
0x4e: {  	_ =	shalt  }
0x4f: {  	_ =	shalt  }
0x50: {  	_ =	shalt  }
0x51: {  	_ =	shalt  }
0x52: {  	_ =	shalt  }
0x53: {  	_ =	shalt  }
0x54: {  	_ =	shalt  }
0x55: {  	_ =	shalt  }
0x56: {  	_ =	shalt  }
0x57: {  	_ =	shalt  }
0x58: {  	_ =	shalt  }
0x59: {  	_ =	shalt  }
0x5a: {  	_ =	shalt  }
0x5b: {  	_ =	shalt  }
0x5c: {  	_ =	shalt  }
0x5d: {  	_ =	shalt  }
0x5e: {  	_ =	shalt  }
0x5f: {  	_ =	shalt  }
0x60: {  	_ =	shalt  }
0x61: {  	_ =	shalt  }
0x62: {  	_ =	shalt  }
0x63: {  	_ =	shalt  }
0x64: {  	_ =	shalt  }
0x65: {  	_ =	shalt  }
0x66: {  	_ =	shalt  }
0x67: {  	_ =	shalt  }
0x68: {  	_ =	shalt  }
0x69: {  	_ =	shalt  }
0x6a: {  	_ =	shalt  }
0x6b: {  	_ =	shalt  }
0x6c: {  	_ =	shalt  }
0x6d: {  	_ =	shalt  }
0x6e: {  	_ =	shalt  }
0x6f: {  	_ =	shalt  }
0x70: {  	_ =	shalt  }
0x71: {  	_ =	shalt  }
0x72: {  	_ =	shalt  }
0x73: {  	_ =	shalt  }
0x74: {  	_ =	shalt  }
0x75: {  	_ =	shalt  }
0x76: {  	_ =	shalt  }
0x77: {  	_ =	shalt  }
0x78: {  	_ =	shalt  }
0x79: {  	_ =	shalt  }
0x7a: {  	_ =	shalt  }
0x7b: {  	_ =	shalt  }
0x7c: {  	_ =	shalt  }
0x7d: {  	_ =	shalt  }
0x7e: {  	_ =	shalt  }
0x7f: {  	_ =	shalt  }
0x80: {  	_ =	shalt  }
0x81: {  	_ =	shalt  }
0x82: {  	_ =	shalt  }
0x83: {  	_ =	shalt  }
0x84: {  	_ =	shalt  }
0x85: {  	_ =	shalt  }
0x86: {  	_ =	shalt  }
0x87: {  	_ =	shalt  }
.Lfunc_end0:
.L_simem_size_0:
called_computation_lowered:
.L_overlay_start_0:
0x88: {  	s2 =	sld [smem:$0x3FD9]  }
0x89: {  	s3 =	sld [smem:$0x3FFE];
	_ =	sdelay $0x1  }
0x8a: {  	s1 =	srdreg.scid  }
0x8b: {  	s0 =	sand.u32 $0x1, s1  }
0x8c: {  	s17 =	sshll.u32 s0, $0xA;
	s2 =	sadd.s32 s3, s2  }
0x8d: {  	s2 =	sadd.s32 s2, s17  }
0x8e: {  	[smem:$0x3FBC] =	sst s2  }
0x8f: {  	_ = 	snop  }
0x90: {  	s2 =	sld [smem:$0x3FD0];
	(tm) =	ssettm $0x1  }
0x91: {  	s18 =	sld [smem:$0x3FFB];
	_ =	sdelay $0x3  }
0x92: {  	_ =	strace s18  }
0x93: {  	s3 =	sld [smem:$0x3FFC];
	_ =	sdelay $0x3  }
0x94: {  	_ =	strace s3  }
0x95: {  	s3 =	sld [smem:$0x3FFD];
	_ =	sdelay $0x3  }
0x96: {  	_ =	strace s3  }
0x97: {  	_ =	strace $0x8FFFFFFF  }
0x98: {  	s19 =	sld [smem:$0x3FDB];
	_ =	sdelay $0x1  }
0x99: {  	s4 =	simm.s32 $_scs_section_size  }
0x9a: {  	s5 =	simm.s32 $_size__tile_overlayer_lowered;
	s6 =	simm.s32 $_tile_overlayer_lowered  }
0x9b: {  	s22 =	simm.s32 $0x1BFF;
	s21 =	sshll.u32 s6, $0x1;
	s3 =	sadd.s32 s4, s19  }
0x9c: {  	s7 =	simm.s32 $0x0;
	s20 =	sshll.u32 s5, $0x1;
	s5 =	sadd.s32 s21, s3  }
0x9d: {  	[timem:s7], [sflag:s22] =	dma.local [hbm:s5], s20  }
0x9e: {  	_ =	swait.ge [sflag:s22], s20  }
0x9f: {  	s4 =	ssub.s32 $0x0, s20;
	[sflag:s22] =	ssyncset.done $0x0  }
0xa0: {  	[sflag:s22] =	ssyncadd.s32 s4;
	_ =	sdelay $0x1  }
0xa1: {  	s23 =	simm.s32 $0x1B8B  }
0xa2: {  	_ =	swait.ge [sflag:s23], $0x1  }
0xa3: {  	[sflag:s23] =	ssyncset.done $0x0  }
0xa4: {  	s25 =	simm.s32 $0x1B8E;
	s24 =	sld [smem:$0x3FFE];
	[sflag:s23] =	ssyncadd.s32 $0xFFFFFFFF  }
0xa5: {  	s26 =	simm.s32 $execute0_lowered;
	[smem:$0x3FD2] =	sst s25  }
0xa6: {  	s5 =	sshll.u32 s26, $0x1;
	_ =	strace $0x80000046;
	[dreg:$0x1] =	wrdreg $0xFFFFFFFF  }
0xa7: {  	s28 =	simm.s32 $_size_execute0_lowered;
	s3 =	sadd.s32 s3, s5;
	[dreg:$0x0] =	wrdreg $0x0  }
0xa8: {  	s5 =	sshll.u32 s28, $0x1;
	[dreg:$0x2] =	wrdreg s3  }
0xa9: {  	[dreg:$0x3] =	wrdreg s5  }
0xaa: {  	[dreg:$0x4] =	wrdreg $0xC0  }
0xab: {  	_ =	task [dreg:s7], $0x5FFFF  }
0xac: {  	[dreg:$0x1] =	wrdreg $0xFFFFFFFF  }
0xad: {  	[dreg:$0x0] =	wrdreg $0x60  }
0xae: {  	[dreg:$0x2] =	wrdreg s2  }
0xaf: {  	[dreg:$0x3] =	wrdreg s24  }
0xb0: {  	[dreg:$0x4] =	wrdreg $0x3800  }
0xb1: {  	[dreg:$0x5] =	wrdreg $0x9  }
0xb2: {  	_ =	task.clear_ibuf [dreg:s7], $0x6FFFF;
	_ =	strace $0x90000046  }
0xb3: {  	s29 =	simm.s32 $0x9;
	_ =	strace $0x80000048  }
0xb4: {  	_ =	swait.ge [sflag:s29], $0x1  }
0xb5: {  	[sflag:s29] =	ssyncadd.s32 $0xFFFFFFFF  }
0xb6: {  	_ =	strace $0x90000048  }
0xb7: {  	_ =	sfence  }
0xb8: {  	s30 =	sld [smem:$0x0];
	_ =	sdelay $0x2  }
0xb9: {  	s31 =	sshll.u32 s1, $0xD;
	s1 =	sshrl.u32 s1, $0x2  }
0xba: {  	s3 =	sand.u32 $0x4000, s31;
	s1 =	sadd.s32 s1, s30  }
0xbb: {  	s0 =	sor.u32 s3, s0;
	s1 =	sshll.u32 s1, $0x11  }
0xbc: {  	s0 =	sor.u32 s1, s0  }
0xbd: {  	s0 =	sadd.s32 $0x8F2B, s0  }
0xbe: {  	[sflag:s0] =	ssyncadd.remote.s32 $0x1  }
0xbf: {  	_ =	sfence.sel $0xFFFF  }
0xc0: {  	[dreg:$0x0] =	wrdreg $0xFFFFFFFF;
	(pc) =	sbr.abs _section_cstart, $3  }
0xc1: {  	[dreg:$0x1] =	wrdreg $0xFFFFFFFF  }
0xc2: {  	_ =	task.clear_ibuf [dreg:s7], $0x2FFFF;
	_ =	strace $0x9FFFFFFF  }
0xc3: {  	(tm) =	ssettm $0x7FFFFFFF  }
tec
execute0_lowered:
.L_overlay_start_1:
0x0: {  	(tag) =	ssettag $0x1  }
0x1: {  	s6 =	rddreg [dreg:$0x0]  }
0x2: {  	s4 =	rddreg [dreg:$0x1]  }
0x3: {  	s2 =	rddreg [dreg:$0x2]  }
0x4: {  	s0 =	rddreg [dreg:$0x3];
	s1 =	stileid.u32  }
0x5: {  	s5 =	srdreg.scid;
	s7 =	smul.u32 $0x500, s1  }
0x6: {  	s3 =	simm.s32 $0x0;
	s11 =	simm.s32 $0x0;
	s9 =	smul.u32 $0xA00, s1  }
0x7: {  	s5 =	sand.u32 $0x1, s5;
	[smem:$0x7FF] =	sst s3;
	s30 =	smul.u32 $0x520, s1  }
0x8: {  	s8 =	sshll.u32 s5, $0x7;
	_ =	strace $0x80000047;
	s26 =	ssub.s32 $0x2, s5  }
0x9: {  	s10 =	smul.u32 $0x5200, s5;
	s7 =	sor.u32 s8, s7;
	s28 =	sshrl.u32 s26, $0x1  }
0xa: {  	s29 =	sshrl.u32 s9, $0x2;
	s9 =	simm.s32 $0x1;
	s7 =	sshrl.u32 s7, $0x3  }
0xb: {  	s8 =	ssub.s32 s26, s28;
	s31 =	sadd.s32 s10, s6;
	s10 =	simm.s32 $0x80  }
0xc: {  	s7 =	sadd.s32 s7, s4;
	s4 =	sadd.s32 s29, s2;
	s6 =	smax.u32 s8, $0x1  }
0xd: {  	v0 =	vimm.f32 $0.0e+00;
	v1 =	vimm.f32 $1.000000000e+00;
	s8 =	simm.s32 $0x100;
	s5 =	sadd.s32 $0x3200, s7;
	s7 =	sadd.s32 s30, s31  }
.LBB2_1:
0xe: {  	[tilespmem:$0x100] =	vst v0  }
0xf: {  	[tilespmem:$0x110] =	vst v0  }
0x10: {  	[tilespmem:$0x120] =	vst v0  }
0x11: {  	[tilespmem:$0x130] =	vst v0  }
0x12: {  	[tilespmem:$0x140] =	vst v0  }
0x13: {  	[tilespmem:$0x150] =	vst v0  }
0x14: {  	[tilespmem:$0x160] =	vst v0  }
0x15: {  	[tilespmem:$0x170] =	vst v0  }
0x16: {  	[tilespmem:$0x180] =	vst v0  }
0x17: {  	[tilespmem:$0x190] =	vst v0  }
0x18: {  	[tilespmem:$0x1A0] =	vst v0  }
0x19: {  	[tilespmem:$0x1B0] =	vst v0  }
0x1a: {  	[tilespmem:$0x1C0] =	vst v0  }
0x1b: {  	[tilespmem:$0x1D0] =	vst v0  }
0x1c: {  	[tilespmem:$0x1E0] =	vst v0  }
0x1d: {  	[tilespmem:$0x1F0] =	vst v0  }
0x1e: {  	[tilespmem:$0x200] =	vst v0  }
0x1f: {  	[tilespmem:$0x210] =	vst v0  }
0x20: {  	[tilespmem:$0x220] =	vst v0  }
0x21: {  	[tilespmem:$0x230] =	vst v0  }
0x22: {  	[tilespmem:$0x240] =	vst v0  }
0x23: {  	[tilespmem:$0x250] =	vst v0  }
0x24: {  	[tilespmem:$0x260] =	vst v0  }
0x25: {  	[tilespmem:$0x270] =	vst v0  }
0x26: {  	[tilespmem:$0x280] =	vst v0  }
0x27: {  	[tilespmem:$0x290] =	vst v0  }
0x28: {  	[tilespmem:$0x2A0] =	vst v0  }
0x29: {  	[tilespmem:$0x2B0] =	vst v0  }
0x2a: {  	[tilespmem:$0x2C0] =	vst v0  }
0x2b: {  	[tilespmem:$0x2D0] =	vst v0  }
0x2c: {  	[tilespmem:$0x2E0] =	vst v0  }
0x2d: {  	[tilespmem:$0x2F0] =	vst v0  }
0x2e: {  	[tilespmem:$0x300] =	vst v0  }
0x2f: {  	[tilespmem:$0x310] =	vst v0  }
0x30: {  	[tilespmem:$0x320] =	vst v0  }
0x31: {  	[tilespmem:$0x330] =	vst v0  }
0x32: {  	[tilespmem:$0x340] =	vst v0  }
0x33: {  	[tilespmem:$0x350] =	vst v0  }
0x34: {  	[tilespmem:$0x360] =	vst v0  }
0x35: {  	[tilespmem:$0x370] =	vst v0  }
0x36: {  	[tilespmem:$0x80] =	vst v1  }
0x37: {  	[tilespmem:$0x90] =	vst v1  }
0x38: {  	[tilespmem:$0xA0] =	vst v1  }
0x39: {  	[tilespmem:$0xB0] =	vst v1  }
0x3a: {  	[tilespmem:$0xC0] =	vst v1  }
0x3b: {  	[tilespmem:$0xD0] =	vst v1  }
0x3c: {  	[tilespmem:$0xE0] =	vst v1  }
0x3d: {  	[tilespmem:$0xF0] =	vst v1  }
0x3e: {  	[spmem:s4] =	stream.linear.scatter [tilespmem:s8], [sflag:$0x1], $0x280, $0x38;
	[tilespmem:$0x600] =	vst v63  }
0x3f: {  	_ =	swait.ge [sflag:s9], $0x280  }
0x40: {  	[sflag:s9] =	ssyncset.done $0x0  }
0x41: {  	[sflag:s9] =	ssyncadd.s32 $0xFFFFFD80  }
0x42: {  	s12 =	sadd.s32 $0x0, s7;
	[bflag:$0x0] =	sbarrier.arrive $0xFFFF  }
0x43: {  	[tilespmem:s3], [sflag:$0x1] =	stream.linear.gather [hbm4b:s12+s3], $0x80, $0x38;
	[tilespmem:$0x600] =	vst v63  }
0x44: {  	_ =	swait.ge [sflag:s9], $0x80  }
0x45: {  	[sflag:s9] =	ssyncset.done $0x0  }
0x46: {  	[sflag:s9] =	ssyncadd.s32 $0xFFFFFF80  }
0x47: {  	[spmem:s2] =	stream.indirect.scatter.add.f32 [tilespmem:s10], [sflag:$0x1], $0x1, s3, s10, $0xb8;
	[tilespmem:$0x600] =	vst v63  }
0x48: {  	_ =	swait.ge [sflag:s9], $0x80  }
0x49: {  	s13 =	simm.s32 $0x20;
	s12 =	simm.s32 $0x10;
	[sflag:s9] =	ssyncset.done $0x0  }
.LBB2_2:
0x4a: {  	s14 =	sadd.s32 s12, s7  }
0x4b: {  	[sflag:s9] =	ssyncadd.s32 $0xFFFFFF80;
	s12 =	smov.u32 s13;
	s15 =	sadd.s32 $0x10, s13  }
0x4c: {  	[tilespmem:s3], [sflag:$0x1] =	stream.linear.gather [hbm4b:s14+s3], $0x80, $0x38;
	[tilespmem:$0x600] =	vst v63  }
0x4d: {  	p0 =	sne.s32 s13, $0x510;
	_ =	swait.ge [sflag:s9], $0x80  }
.Ltmp0:
0x4e: {  	[sflag:s9] =	ssyncset.done $0x0;
	(pc) =	sbr.rel @p0 .LBB2_2-.Ltmp0, $4  }
0x4f: {  	[sflag:s9] =	ssyncadd.s32 $0xFFFFFF80  }
0x50: {  	[spmem:s2] =	stream.indirect.scatter.add.f32 [tilespmem:s10], [sflag:$0x1], $0x1, s3, s10, $0xb8;
	[tilespmem:$0x600] =	vst v63  }
0x51: {  	_ =	swait.ge [sflag:s9], $0x80  }
0x52: {  	s13 =	smov.u32 s15;
	[sflag:s9] =	ssyncset.done $0x0  }
0x53: {  	s12 =	sadd.s32 s12, s7;
	[sflag:s9] =	ssyncadd.s32 $0xFFFFFF80  }
0x54: {  	[tilespmem:s3], [sflag:$0x1] =	stream.linear.gather [hbm4b:s12+s3], $0x80, $0x38;
	[tilespmem:$0x600] =	vst v63  }
0x55: {  	_ =	swait.ge [sflag:s9], $0x80  }
0x56: {  	[sflag:s9] =	ssyncset.done $0x0  }
0x57: {  	[sflag:s9] =	ssyncadd.s32 $0xFFFFFF80  }
0x58: {  	[spmem:s2] =	stream.indirect.scatter.add.f32 [tilespmem:s10], [sflag:$0x1], $0x1, s3, s10, $0xb8;
	[tilespmem:$0x600] =	vst v63  }
0x59: {  	_ =	swait.ge [sflag:s9], $0x80  }
0x5a: {  	[sflag:s9] =	ssyncset.done $0x0  }
0x5b: {  	[sflag:s9] =	ssyncadd.s32 $0xFFFFFF80  }
0x5c: {  	[bflag:$0x0] =	sbarrier.arrive $0xFFFF  }
0x5d: {  	[tilespmem:s8], [sflag:$0x1] =	stream.linear.gather [spmem:s4], $0x280, $0x38;
	[tilespmem:$0x600] =	vst v63  }
0x5e: {  	s11 =	sadd.s32 $0x1, s11;
	_ =	swait.ge [sflag:s9], $0x280  }
0x5f: {  	p0 =	sne.s32 s11, s6;
	[sflag:s9] =	ssyncset.done $0x0  }
.Ltmp1:
0x60: {  	[sflag:s9] =	ssyncadd.s32 $0xFFFFFD80;
	(pc) =	sbr.rel @p0 .LBB2_1-.Ltmp1, $4  }
0x61: {  	[hbm4b:s5+s10] =	stream.strided.scatter [tilespmem:s8], [sflag:$0x1], $0x280, s8, s10, $0x38;
	[tilespmem:$0x600] =	vst v63  }
0x62: {  	_ =	swait.ge [sflag:s9], $0x280  }
0x63: {  	[sflag:s9] =	ssyncset.done $0x0  }
0x64: {  	[sflag:s9] =	ssyncadd.s32 $0xFFFFFD80  }
0x65: {  	_ =	sfence.sel $0x180000  }
0x66: {  	[bflag:$0x0] =	sbarrier.arrive $0xFFFF  }
0x67: {  	p0 =	sne.s32 s1, $0x0;
	_ =	strace $0x90000047  }
0x68: {  	s0 =	sadd.s32 @!p0 $0x100000, s0;
	[bflag:$0x2] =	sbarrier.arrive $0xFFFF  }
0x69: {  	[sflag:s0] =	ssyncadd.tile.s32 @!p0 $0x1;
	_ =	shalt  }
.Lfunc_end2:
_tile_overlayer_lowered:
.L_overlay_start_2:
0x6a: {  	(tag) =	ssettag $0x2  }
0x6b: {  	s0 =	rddreg [dreg:$0x0];
	s2 =	stileid.u32  }
0x6c: {  	s1 =	rddreg [dreg:$0x1];
	p0 =	sne.s32 s2, $0x0  }
0x6d: {  	s3 =	rddreg [dreg:$0x2];
	[bflag:$0x3] =	sbarrier.arrive $0xFFFF;
	s2 =	simm.s32 @!p0 $0x1C01  }
0x6e: {  	[timem:s3], [sflag:s2] =	dma.local @!p0 [hbm:s0], s1  }
0x6f: {  	s0 =	simm.s32 @!p0 $0x1  }
0x70: {  	_ =	swait.ge @!p0 [sflag:s0], s1  }
0x71: {  	s1 =	ssub.s32 @!p0 $0x0, s1;
	[sflag:s0] =	ssyncset.done @!p0 $0x0  }
0x72: {  	[sflag:s0] =	ssyncadd.s32 @!p0 s1  }
0x73: {  	[bflag:$0x3] =	sbarrier.arrive $0xFFFF  }
0x74: {  	_ =	shalt  }

// kernel: kernel.13.cloned.1.call-start
scs
__scs_entry_jumppad:
0x0: {  	(pc) =	sbr.rel $0x88, $3  }
0x1: {  	(tag) =	ssettag $0x0;
	lr =	simm.s32 $0x1  }
0x2: {  	[smem:$0x3F95] =	sst lr;
	_ =	strace $0xD0000000  }
0x3: {  	_ = 	snop  }
0x4: {  	_ = 	snop  }
0x5: {  	_ = 	snop  }
0x6: {  	_ = 	snop  }
0x7: {  	_ = 	snop  }
__scs_overlays_trampoline_lowered:
0x8: {  	[smem:$0x3FA4] =	sst s0  }
0x9: {  	[smem:$0x3FA5] =	sst s1  }
0xa: {  	[smem:$0x3FA6] =	sst s2  }
0xb: {  	[smem:$0x3FA7] =	sst s3  }
0xc: {  	[smem:$0x3FA8] =	sst s4  }
0xd: {  	[smem:$0x3FA9] =	sst s5  }
0xe: {  	[smem:$0x3FAA] =	sst s6  }
0xf: {  	[smem:$0x3FAB] =	sst s7  }
0x10: {  	[smem:$0x3FAC] =	sst s8  }
0x11: {  	[smem:$0x3FAD] =	sst s9;
	s0 =	simm.s32 @!p0 $0x0  }
0x12: {  	s1 =	sld [smem:$0x3F93];
	s0 =	simm.s32 @p0 $0x1  }
0x13: {  	[smem:$0x3FAE] =	sst s0;
	s0 =	simm.s32 @!p1 $0x0  }
0x14: {  	s2 =	sld [smem:$0x3F92];
	s0 =	simm.s32 @p1 $0x1  }
0x15: {  	[smem:$0x3FAF] =	sst s0;
	s0 =	simm.s32 @!p2 $0x0  }
0x16: {  	s3 =	sld [smem:$0x3FDB];
	s0 =	simm.s32 @p2 $0x1  }
0x17: {  	s4 =	simm.s32 $0x1BF5;
	[smem:$0x3FB1] =	sst s0  }
0x18: {  	s0 =	sld [smem:$0x3F94];
	_ =	swait.ge [sflag:s4], $0x0  }
0x19: {  	s7 =	sld [smem:$0x3F95]  }
0x1a: {  	s8 =	sadd.s32 $0xFFFFE003, lr  }
0x1b: {  	s9 =	sadd.s32 $0xFFFFFEF7, lr;
	s5 =	simm.s32 $0xFFFFFFFF;
	p2 =	slt.u32 s8, $0xFFFFF086  }
0x1c: {  	p1 =	slt.u32 s9, $0xF7A;
	s5 =	simm.s32 @!p2 $0x0  }
0x1d: {  	s5 =	simm.s32 @p1 $0x1;
	p0 =	seq.s32 s7, s2  }
0x1e: {  	s7 =	smul.u32 @!p0 $0xF7A, s2;
	p2 =	seq.s32 @!p0 s5, $0x0  }
0x1f: {  	s9 =	smul.u32 $0xF7A, s1;
	s8 =	simm.s32 @!p0 $0x1BF5;
	p2 =	por !p2, p0  }
0x20: {  	[sflag:s8] =	ssyncset.s32 @!p0 $0xFFFFF086;
	s6 =	sadd.s32 @!p0 s3, s7;
	s7 =	simm.s32 @!p0 $0x108  }
0x21: {  	s3 =	sadd.s32 s3, s9;
	s6 =	sadd.s32 @!p0 $0x88, s6;
	s7 =	simm.s32 @p2 $0x1082  }
0x22: {  	[simem:s7], [sflag:s8] =	dma.local @!p0 [hbm:s6], $0xF7A  }
0x23: {  	s9 =	sor.u32 $0xD0000000, s2;
	s6 =	simm.s32 $0x108;
	_ =	swait.ge @!p0 [sflag:s8], $0x0  }
0x24: {  	s3 =	sadd.s32 $0x88, s3;
	s6 =	simm.s32 @!p1 $0x1082;
	[sflag:s4] =	ssyncset.s32 $0xFFFFF086  }
0x25: {  	[simem:s6], [sflag:s4] =	dma.local [hbm:s3], $0xF7A  }
0x26: {  	[smem:$0x3F95] =	sst s1;
	(tag) =	ssettag s2;
	_ =	strace s9  }
0x27: {  	s1 =	sld [smem:$0x3FA5]  }
0x28: {  	s2 =	sld [smem:$0x3FA6]  }
0x29: {  	s4 =	sld [smem:$0x3FA8]  }
0x2a: {  	p0 =	seq.s32 s5, $0x0;
	s5 =	sld [smem:$0x3FA9]  }
0x2b: {  	s6 =	sld [smem:$0x3FAA]  }
0x2c: {  	s7 =	sld [smem:$0x3FAB]  }
0x2d: {  	s3 =	simm.s32 $0x108;
	s8 =	sld [smem:$0x3FAC]  }
0x2e: {  	s3 =	simm.s32 @!p0 $0x1082;
	s9 =	sld [smem:$0x3FAD]  }
0x2f: {  	lr =	sadd.s32 s0, s3;
	s0 =	sld [smem:$0x3FA4]  }
0x30: {  	s3 =	sld [smem:$0x3FA7]  }
0x31: {  	[smem:$0x3FB0] =	sst s10  }
0x32: {  	s10 =	sld [smem:$0x3FAE];
	_ =	sdelay $0x3  }
0x33: {  	p0 =	seq.s32 s10, $0x1;
	s10 =	sld [smem:$0x3FB0];
	_ =	sdelay $0x3  }
0x34: {  	[smem:$0x3FB0] =	sst s10  }
0x35: {  	s10 =	sld [smem:$0x3FAF];
	_ =	sdelay $0x3  }
0x36: {  	p1 =	seq.s32 s10, $0x1;
	s10 =	sld [smem:$0x3FB0];
	_ =	sdelay $0x3  }
0x37: {  	[smem:$0x3FB0] =	sst s10  }
0x38: {  	s10 =	sld [smem:$0x3FB1]  }
0x39: {  	_ = 	snop;
	(pc) =	sbr.ind lr, $3  }
0x3a: {  	_ = 	snop  }
0x3b: {  	_ = 	snop  }
0x3c: {  	p2 =	seq.s32 s10, $0x1;
	s10 =	sld [smem:$0x3FB0]  }
0x3d: {  	_ =	shalt  }
0x3e: {  	_ =	shalt  }
0x3f: {  	_ =	shalt  }
0x40: {  	_ =	shalt  }
0x41: {  	_ =	shalt  }
0x42: {  	_ =	shalt  }
0x43: {  	_ =	shalt  }
0x44: {  	_ =	shalt  }
0x45: {  	_ =	shalt  }
0x46: {  	_ =	shalt  }
0x47: {  	_ =	shalt  }
0x48: {  	_ =	shalt  }
0x49: {  	_ =	shalt  }
0x4a: {  	_ =	shalt  }
0x4b: {  	_ =	shalt  }
0x4c: {  	_ =	shalt  }
0x4d: {  	_ =	shalt  }
0x4e: {  	_ =	shalt  }
0x4f: {  	_ =	shalt  }
0x50: {  	_ =	shalt  }
0x51: {  	_ =	shalt  }
0x52: {  	_ =	shalt  }
0x53: {  	_ =	shalt  }
0x54: {  	_ =	shalt  }
0x55: {  	_ =	shalt  }
0x56: {  	_ =	shalt  }
0x57: {  	_ =	shalt  }
0x58: {  	_ =	shalt  }
0x59: {  	_ =	shalt  }
0x5a: {  	_ =	shalt  }
0x5b: {  	_ =	shalt  }
0x5c: {  	_ =	shalt  }
0x5d: {  	_ =	shalt  }
0x5e: {  	_ =	shalt  }
0x5f: {  	_ =	shalt  }
0x60: {  	_ =	shalt  }
0x61: {  	_ =	shalt  }
0x62: {  	_ =	shalt  }
0x63: {  	_ =	shalt  }
0x64: {  	_ =	shalt  }
0x65: {  	_ =	shalt  }
0x66: {  	_ =	shalt  }
0x67: {  	_ =	shalt  }
0x68: {  	_ =	shalt  }
0x69: {  	_ =	shalt  }
0x6a: {  	_ =	shalt  }
0x6b: {  	_ =	shalt  }
0x6c: {  	_ =	shalt  }
0x6d: {  	_ =	shalt  }
0x6e: {  	_ =	shalt  }
0x6f: {  	_ =	shalt  }
0x70: {  	_ =	shalt  }
0x71: {  	_ =	shalt  }
0x72: {  	_ =	shalt  }
0x73: {  	_ =	shalt  }
0x74: {  	_ =	shalt  }
0x75: {  	_ =	shalt  }
0x76: {  	_ =	shalt  }
0x77: {  	_ =	shalt  }
0x78: {  	_ =	shalt  }
0x79: {  	_ =	shalt  }
0x7a: {  	_ =	shalt  }
0x7b: {  	_ =	shalt  }
0x7c: {  	_ =	shalt  }
0x7d: {  	_ =	shalt  }
0x7e: {  	_ =	shalt  }
0x7f: {  	_ =	shalt  }
0x80: {  	_ =	shalt  }
0x81: {  	_ =	shalt  }
0x82: {  	_ =	shalt  }
0x83: {  	_ =	shalt  }
0x84: {  	_ =	shalt  }
0x85: {  	_ =	shalt  }
0x86: {  	_ =	shalt  }
0x87: {  	_ =	shalt  }
.Lfunc_end0:
.L_simem_size_0:
called_computation.1_lowered:
.L_overlay_start_0:
0x88: {  	s2 =	sld [smem:$0x3FD9]  }
0x89: {  	s3 =	sld [smem:$0x3FFE];
	_ =	sdelay $0x1  }
0x8a: {  	s1 =	srdreg.scid  }
0x8b: {  	s0 =	sand.u32 $0x1, s1  }
0x8c: {  	s17 =	sshll.u32 s0, $0xA;
	s2 =	sadd.s32 s3, s2  }
0x8d: {  	s2 =	sadd.s32 s2, s17  }
0x8e: {  	[smem:$0x3FBC] =	sst s2  }
0x8f: {  	_ = 	snop  }
0x90: {  	s2 =	sld [smem:$0x3FD0];
	(tm) =	ssettm $0x1  }
0x91: {  	s18 =	sld [smem:$0x3FFB];
	_ =	sdelay $0x3  }
0x92: {  	_ =	strace s18  }
0x93: {  	s3 =	sld [smem:$0x3FFC];
	_ =	sdelay $0x3  }
0x94: {  	_ =	strace s3  }
0x95: {  	s3 =	sld [smem:$0x3FFD];
	_ =	sdelay $0x3  }
0x96: {  	_ =	strace s3  }
0x97: {  	_ =	strace $0x8FFFFFFF  }
0x98: {  	s19 =	sld [smem:$0x3FDB];
	_ =	sdelay $0x1  }
0x99: {  	s4 =	simm.s32 $_scs_section_size  }
0x9a: {  	s5 =	simm.s32 $_size__tile_overlayer_lowered;
	s6 =	simm.s32 $_tile_overlayer_lowered  }
0x9b: {  	s22 =	simm.s32 $0x1BFF;
	s21 =	sshll.u32 s6, $0x1;
	s3 =	sadd.s32 s4, s19  }
0x9c: {  	s7 =	simm.s32 $0x0;
	s20 =	sshll.u32 s5, $0x1;
	s5 =	sadd.s32 s21, s3  }
0x9d: {  	[timem:s7], [sflag:s22] =	dma.local [hbm:s5], s20  }
0x9e: {  	_ =	swait.ge [sflag:s22], s20  }
0x9f: {  	s4 =	ssub.s32 $0x0, s20;
	[sflag:s22] =	ssyncset.done $0x0  }
0xa0: {  	[sflag:s22] =	ssyncadd.s32 s4;
	_ =	sdelay $0x1  }
0xa1: {  	s23 =	simm.s32 $0x1B8B  }
0xa2: {  	_ =	swait.ge [sflag:s23], $0x1  }
0xa3: {  	[sflag:s23] =	ssyncset.done $0x0  }
0xa4: {  	s25 =	simm.s32 $0x1B8E;
	s24 =	sld [smem:$0x3FFE];
	[sflag:s23] =	ssyncadd.s32 $0xFFFFFFFF  }
0xa5: {  	s26 =	simm.s32 $execute0_lowered;
	[smem:$0x3FD2] =	sst s25  }
0xa6: {  	s5 =	sshll.u32 s26, $0x1;
	_ =	strace $0x80000049;
	[dreg:$0x1] =	wrdreg $0xFFFFFFFF  }
0xa7: {  	s28 =	simm.s32 $_size_execute0_lowered;
	s3 =	sadd.s32 s3, s5;
	[dreg:$0x0] =	wrdreg $0x0  }
0xa8: {  	s5 =	sshll.u32 s28, $0x1;
	[dreg:$0x2] =	wrdreg s3  }
0xa9: {  	[dreg:$0x3] =	wrdreg s5  }
0xaa: {  	[dreg:$0x4] =	wrdreg $0xC0  }
0xab: {  	_ =	task [dreg:s7], $0x5FFFF  }
0xac: {  	[dreg:$0x1] =	wrdreg $0xFFFFFFFF  }
0xad: {  	[dreg:$0x0] =	wrdreg $0x60  }
0xae: {  	[dreg:$0x2] =	wrdreg s24  }
0xaf: {  	[dreg:$0x3] =	wrdreg s2  }
0xb0: {  	[dreg:$0x4] =	wrdreg $0xA2000  }
0xb1: {  	[dreg:$0x5] =	wrdreg $0x9  }
0xb2: {  	_ =	task.clear_ibuf [dreg:s7], $0x6FFFF;
	_ =	strace $0x90000049  }
0xb3: {  	s29 =	simm.s32 $0x9;
	_ =	strace $0x8000004B  }
0xb4: {  	_ =	swait.ge [sflag:s29], $0x1  }
0xb5: {  	[sflag:s29] =	ssyncadd.s32 $0xFFFFFFFF  }
0xb6: {  	_ =	strace $0x9000004B  }
0xb7: {  	_ =	sfence  }
0xb8: {  	s30 =	sld [smem:$0x0];
	_ =	sdelay $0x2  }
0xb9: {  	s31 =	sshll.u32 s1, $0xD;
	s1 =	sshrl.u32 s1, $0x2  }
0xba: {  	s3 =	sand.u32 $0x4000, s31;
	s1 =	sadd.s32 s1, s30  }
0xbb: {  	s0 =	sor.u32 s3, s0;
	s1 =	sshll.u32 s1, $0x11  }
0xbc: {  	s0 =	sor.u32 s1, s0  }
0xbd: {  	s0 =	sadd.s32 $0x8F2B, s0  }
0xbe: {  	[sflag:s0] =	ssyncadd.remote.s32 $0x1  }
0xbf: {  	_ =	sfence.sel $0xFFFF  }
0xc0: {  	[dreg:$0x0] =	wrdreg $0xFFFFFFFF;
	(pc) =	sbr.abs _section_cstart, $3  }
0xc1: {  	[dreg:$0x1] =	wrdreg $0xFFFFFFFF  }
0xc2: {  	_ =	task.clear_ibuf [dreg:s7], $0x2FFFF;
	_ =	strace $0x9FFFFFFF  }
0xc3: {  	(tm) =	ssettm $0x7FFFFFFF  }
tec
execute0_lowered:
.L_overlay_start_1:
0x0: {  	(tag) =	ssettag $0x1  }
0x1: {  	s0 =	srdreg.scid;
	s16 =	stileid.u32  }
0x2: {  	s4 =	rddreg [dreg:$0x0];
	s0 =	sand.u32 $0x1, s0;
	s5 =	smul.u32 $0x14000, s16  }
0x3: {  	s1 =	rddreg [dreg:$0x1];
	s3 =	smul.u32 $0x140000, s0  }
0x4: {  	s2 =	simm.s32 $0x0;
	s8 =	sadd.s32 $0x36000, s4;
	s6 =	ssub.s32 $0x2, s0  }
0x5: {  	[smem:$0x7FF] =	sst s2;
	s9 =	sshrl.u32 s6, $0x1;
	s7 =	sadd.s32 s3, s5  }
0x6: {  	s10 =	sadd.s32 $0x4000, s5;
	s11 =	sadd.s32 $0x6000, s5;
	s7 =	sshrl.u32 s7, $0x3  }
0x7: {  	s18 =	sadd.s32 $0xC000, s5;
	s19 =	sadd.s32 $0x10000, s5;
	s7 =	sadd.s32 s8, s7  }
0x8: {  	s6 =	ssub.s32 s6, s9;
	[dreg:$0x4] =	wrdreg s7;
	s7 =	sor.u32 $0x2000, s5  }
0x9: {  	s12 =	sadd.s32 s3, s10;
	s13 =	sadd.s32 s3, s11;
	s22 =	sadd.s32 s3, s7  }
0xa: {  	s15 =	sadd.s32 s3, s18;
	s20 =	sadd.s32 s3, s19;
	s9 =	sshrl.u32 s22, $0x3  }
0xb: {  	s23 =	sshrl.u32 s12, $0x3;
	s24 =	sshrl.u32 s13, $0x3;
	s9 =	sadd.s32 s8, s9  }
0xc: {  	s13 =	sadd.s32 $0xA000, s5;
	[dreg:$0x5] =	wrdreg s9;
	s9 =	sadd.s32 s8, s23  }
0xd: {  	s31 =	sshrl.u32 s15, $0x3;
	[dreg:$0x6] =	wrdreg s9;
	s9 =	sadd.s32 $0x8000, s5  }
0xe: {  	s25 =	sadd.s32 s8, s24;
	s14 =	sadd.s32 s3, s13;
	s26 =	sadd.s32 s3, s9  }
0xf: {  	s15 =	sadd.s32 s8, s31;
	[dreg:$0x7] =	wrdreg s25;
	s12 =	sshrl.u32 s26, $0x3  }
0x10: {  	s30 =	sshrl.u32 s14, $0x3;
	[dreg:$0xa] =	wrdreg s15;
	s12 =	sadd.s32 s8, s12  }
0x11: {  	s21 =	sshrl.u32 s20, $0x3;
	[dreg:$0x8] =	wrdreg s12;
	s12 =	sadd.s32 s8, s30  }
0x12: {  	s24 =	smul.u32 $0x50000, s16;
	[dreg:$0x9] =	wrdreg s12;
	s12 =	sadd.s32 $0xE000, s5  }
0x13: {  	s22 =	smul.u32 $0x29000, s0;
	s5 =	sadd.s32 $0x12000, s5;
	s17 =	sadd.s32 s3, s12  }
0x14: {  	s0 =	sshll.u32 s0, $0x4;
	s3 =	sadd.s32 s3, s5;
	s14 =	sshrl.u32 s17, $0x3  }
0x15: {  	s0 =	sor.u32 s16, s0;
	s3 =	sshrl.u32 s3, $0x3;
	s14 =	sadd.s32 s8, s14  }
0x16: {  	s0 =	smul.u32 $0x2900, s0;
	s3 =	sadd.s32 s8, s3;
	[dreg:$0xb] =	wrdreg s14  }
0x17: {  	s23 =	smul.u32 $0x2900, s16;
	s14 =	sadd.s32 s8, s21;
	[dreg:$0xd] =	wrdreg s3  }
0x18: {  	s16 =	sadd.s32 $0x3C00, s4;
	s0 =	sshrl.u32 s0, $0x3;
	[dreg:$0xc] =	wrdreg s14  }
0x19: {  	s26 =	sadd.s32 s16, s0;
	s30 =	sadd.s32 s1, s0;
	s14 =	rddreg [dreg:$0x2]  }
0x1a: {  	s0 =	sor.u32 $0x10, s0;
	_ =	strace $0x8000004A;
	[dreg:$0xe] =	wrdreg s26  }
0x1b: {  	s31 =	sadd.s32 s16, s0;
	[dreg:$0xf] =	wrdreg s30  }
0x1c: {  	s0 =	sadd.s32 s1, s0;
	[dreg:$0x10] =	wrdreg s31  }
0x1d: {  	s15 =	sadd.s32 $0xE000, s4;
	s4 =	smax.u32 s6, $0x1;
	[dreg:$0x11] =	wrdreg s0  }
0x1e: {  	s28 =	simm.s32 $0x2;
	[dreg:$0x12] =	wrdreg s4;
	s6 =	sadd.s32 s7, s14  }
0x1f: {  	s29 =	simm.s32 $0x0;
	s7 =	sadd.s32 s10, s14;
	[dreg:$0x13] =	wrdreg s6  }
0x20: {  	s25 =	sshrl.u32 s24, $0x2;
	s10 =	sadd.s32 s11, s14;
	[dreg:$0x14] =	wrdreg s7  }
0x21: {  	s8 =	sadd.s32 s23, s22;
	s11 =	sadd.s32 s9, s14;
	[dreg:$0x15] =	wrdreg s10  }
0x22: {  	s21 =	sadd.s32 $0x180, s8;
	s20 =	sadd.s32 s13, s14;
	[dreg:$0x16] =	wrdreg s11  }
0x23: {  	s17 =	sadd.s32 s25, s14;
	s22 =	sadd.s32 s18, s14;
	[dreg:$0x17] =	wrdreg s20  }
0x24: {  	s23 =	sadd.s32 s12, s14;
	s24 =	sshrl.u32 s21, $0x3;
	[dreg:$0x18] =	wrdreg s22  }
0x25: {  	s25 =	sadd.s32 s19, s14;
	s26 =	sadd.s32 s5, s14;
	[dreg:$0x19] =	wrdreg s23  }
0x26: {  	s4 =	sadd.s32 $0x100, s8;
	s19 =	simm.s32 $0x8200;
	[dreg:$0x1a] =	wrdreg s25  }
0x27: {  	s21 =	simm.s32 $0x100;
	[dreg:$0x1b] =	wrdreg s26;
	s0 =	sadd.s32 s24, s1  }
0x28: {  	s3 =	sadd.s32 s24, s16;
	s30 =	sadd.s32 $0x2000, s17;
	s31 =	sadd.s32 $0x4000, s17  }
0x29: {  	s7 =	sadd.s32 $0x6000, s17;
	s8 =	sadd.s32 $0x8000, s17;
	s9 =	sadd.s32 $0xA000, s17  }
0x2a: {  	s10 =	sadd.s32 $0xC000, s17;
	s11 =	sadd.s32 $0xE000, s17;
	s12 =	sadd.s32 $0x10000, s17  }
0x2b: {  	s18 =	sadd.s32 $0x12000, s17;
	s20 =	simm.s32 $0x3;
	s22 =	simm.s32 $0x80  }
0x2c: {  	s23 =	simm.s32 $0x200;
	s24 =	simm.s32 $0x180;
	[dreg:$0x1c] =	wrdreg s30  }
0x2d: {  	v0 =	vimm.f32 $0.0e+00;
	s25 =	simm.s32 $0x4200;
	s26 =	simm.s32 $0x1;
	[dreg:$0x1d] =	wrdreg s31  }
.LBB2_1:
0x2e: {  	s13 =	sand.u32 $0x7E00, s2  }
0x2f: {  	s31 =	sand.u32 $0x70, s2;
	s13 =	sshrl.u32 s13, $0x2  }
0x30: {  	s30 =	simm.s32 $0x40;
	s13 =	sor.u32 s31, s13;
	s31 =	simm.s32 $0x0  }
.LBB2_2:
0x31: {  	p0 =	sne.s32 s30, $0x7FC0  }
0x32: {  	[tilespmem:s13+$0x8200] =	vst v0;
	s31 =	sadd.s32 $0x10, s31;
	s13 =	smov.u32 s30;
	s30 =	sadd.s32 $0x40, s30  }
.Ltmp0:
0x33: {  	(pc) =	sbr.rel @p0 .LBB2_2-.Ltmp0, $4  }
0x34: {  	_ = 	snop  }
0x35: {  	s13 =	sand.u32 $0x7E00, s13  }
0x36: {  	s5 =	sand.u32 $0x70, s31;
	s13 =	sshrl.u32 s13, $0x2  }
0x37: {  	s13 =	sor.u32 s5, s13  }
0x38: {  	[tilespmem:s13+$0x8200] =	vst v0  }
0x39: {  	[spmem:s17] =	stream.linear.scatter [tilespmem:s19], [sflag:$0x3], $0x2000, $0x38;
	[tilespmem:$0x1E200] =	vst v63  }
0x3a: {  	_ =	swait.ge [sflag:s20], $0x2000  }
0x3b: {  	[sflag:s20] =	ssyncset.done $0x0  }
0x3c: {  	s5 =	rddreg [dreg:$0x1c];
	[sflag:s20] =	ssyncadd.s32 $0xFFFFE000  }
0x3d: {  	[spmem:s5] =	stream.linear.scatter [tilespmem:s19], [sflag:$0x3], $0x2000, $0x38;
	[tilespmem:$0x1E200] =	vst v63  }
0x3e: {  	_ =	swait.ge [sflag:s20], $0x2000  }
0x3f: {  	[sflag:s20] =	ssyncset.done $0x0  }
0x40: {  	s6 =	rddreg [dreg:$0x1d];
	[sflag:s20] =	ssyncadd.s32 $0xFFFFE000  }
0x41: {  	[spmem:s6] =	stream.linear.scatter [tilespmem:s19], [sflag:$0x3], $0x2000, $0x38;
	[tilespmem:$0x1E200] =	vst v63  }
0x42: {  	_ =	swait.ge [sflag:s20], $0x2000  }
0x43: {  	[sflag:s20] =	ssyncset.done $0x0  }
0x44: {  	[sflag:s20] =	ssyncadd.s32 $0xFFFFE000  }
0x45: {  	[spmem:s7] =	stream.linear.scatter [tilespmem:s19], [sflag:$0x3], $0x2000, $0x38;
	[tilespmem:$0x1E200] =	vst v63  }
0x46: {  	_ =	swait.ge [sflag:s20], $0x2000  }
0x47: {  	[sflag:s20] =	ssyncset.done $0x0  }
0x48: {  	[sflag:s20] =	ssyncadd.s32 $0xFFFFE000  }
0x49: {  	[spmem:s8] =	stream.linear.scatter [tilespmem:s19], [sflag:$0x3], $0x2000, $0x38;
	[tilespmem:$0x1E200] =	vst v63  }
0x4a: {  	_ =	swait.ge [sflag:s20], $0x2000  }
0x4b: {  	[sflag:s20] =	ssyncset.done $0x0  }
0x4c: {  	[sflag:s20] =	ssyncadd.s32 $0xFFFFE000  }
0x4d: {  	[spmem:s9] =	stream.linear.scatter [tilespmem:s19], [sflag:$0x3], $0x2000, $0x38;
	[tilespmem:$0x1E200] =	vst v63  }
0x4e: {  	_ =	swait.ge [sflag:s20], $0x2000  }
0x4f: {  	[sflag:s20] =	ssyncset.done $0x0  }
0x50: {  	[sflag:s20] =	ssyncadd.s32 $0xFFFFE000  }
0x51: {  	[spmem:s10] =	stream.linear.scatter [tilespmem:s19], [sflag:$0x3], $0x2000, $0x38;
	[tilespmem:$0x1E200] =	vst v63  }
0x52: {  	_ =	swait.ge [sflag:s20], $0x2000  }
0x53: {  	[sflag:s20] =	ssyncset.done $0x0  }
0x54: {  	[sflag:s20] =	ssyncadd.s32 $0xFFFFE000  }
0x55: {  	[spmem:s11] =	stream.linear.scatter [tilespmem:s19], [sflag:$0x3], $0x2000, $0x38;
	[tilespmem:$0x1E200] =	vst v63  }
0x56: {  	_ =	swait.ge [sflag:s20], $0x2000  }
0x57: {  	[sflag:s20] =	ssyncset.done $0x0  }
0x58: {  	[sflag:s20] =	ssyncadd.s32 $0xFFFFE000  }
0x59: {  	[spmem:s12] =	stream.linear.scatter [tilespmem:s19], [sflag:$0x3], $0x2000, $0x38;
	[tilespmem:$0x1E200] =	vst v63  }
0x5a: {  	_ =	swait.ge [sflag:s20], $0x2000  }
0x5b: {  	[sflag:s20] =	ssyncset.done $0x0  }
0x5c: {  	[sflag:s20] =	ssyncadd.s32 $0xFFFFE000  }
0x5d: {  	[spmem:s18] =	stream.linear.scatter [tilespmem:s19], [sflag:$0x3], $0x2000, $0x38;
	[tilespmem:$0x1E200] =	vst v63  }
0x5e: {  	_ =	swait.ge [sflag:s20], $0x2000  }
0x5f: {  	[sflag:s20] =	ssyncset.done $0x0  }
0x60: {  	[sflag:s20] =	ssyncadd.s32 $0xFFFFE000  }
0x61: {  	[bflag:$0x0] =	sbarrier.arrive $0xFFFF  }
0x62: {  	s5 =	simm.s32 $0x0;
	s6 =	rddreg [dreg:$0xe]  }
0x63: {  	[tilespmem:s5], [sflag:$0x3] =	stream.linear.gather [hbm4b:s6+s5], $0x80, $0x38;
	[tilespmem:$0x1E200] =	vst v63  }
0x64: {  	_ =	swait.ge [sflag:s20], $0x80  }
0x65: {  	[sflag:s20] =	ssyncset.done $0x0  }
0x66: {  	s13 =	rddreg [dreg:$0xf];
	[sflag:s20] =	ssyncadd.s32 $0xFFFFFF80  }
0x67: {  	[tilespmem:s21], [sflag:$0x3] =	stream.linear.gather [hbm4b:s13+s5], $0x80, $0x38;
	[tilespmem:$0x1E200] =	vst v63  }
0x68: {  	_ =	swait.ge [sflag:s20], $0x80  }
0x69: {  	[sflag:s20] =	ssyncset.done $0x0  }
0x6a: {  	[sflag:s20] =	ssyncadd.s32 $0xFFFFFF80  }
0x6b: {  	[tilespmem:s23], [sflag:$0x1] =	stream.indirect.gather [hbm4b:s15+s22], $0x80, s5, s22, $0xb8;
	[tilespmem:$0x1E200] =	vst v63  }
0x6c: {  	s13 =	rddreg [dreg:$0x10]  }
0x6d: {  	[tilespmem:s22], [sflag:$0x3] =	stream.linear.gather [hbm4b:s13+s5], $0x80, $0x38;
	[tilespmem:$0x1E200] =	vst v63  }
0x6e: {  	_ =	swait.ge [sflag:s20], $0x80  }
0x6f: {  	[sflag:s20] =	ssyncset.done $0x0  }
0x70: {  	s13 =	rddreg [dreg:$0x11];
	[sflag:s20] =	ssyncadd.s32 $0xFFFFFF80  }
0x71: {  	[tilespmem:s24], [sflag:$0x3] =	stream.linear.gather [hbm4b:s13+s5], $0x80, $0x38;
	[tilespmem:$0x1E200] =	vst v63  }
0x72: {  	_ =	swait.ge [sflag:s20], $0x80  }
0x73: {  	[sflag:s20] =	ssyncset.done $0x0  }
0x74: {  	[sflag:s20] =	ssyncadd.s32 $0xFFFFFF80  }
0x75: {  	[tilespmem:s25], [sflag:$0x2] =	stream.indirect.gather [hbm4b:s15+s22], $0x80, s22, s22, $0xb8;
	[tilespmem:$0x1E200] =	vst v63  }
0x76: {  	_ =	swait.ge [sflag:s26], $0x4000  }
0x77: {  	[sflag:s26] =	ssyncset.done $0x0  }
0x78: {  	[sflag:s26] =	ssyncadd.s32 $0xFFFFC000  }
0x79: {  	[spmem:s14] =	stream.indirect.scatter.add.f32 [tilespmem:s23], [sflag:$0x3], $0x80, s21, s22, $0xb8;
	[tilespmem:$0x1E200] =	vst v63  }
0x7a: {  	_ =	swait.ge [sflag:s20], $0x4000  }
0x7b: {  	s5 =	sshrl.u32 s4, $0x3;
	[sflag:s20] =	ssyncset.done $0x0  }
0x7c: {  	s6 =	sadd.s32 s16, s5;
	[sflag:s20] =	ssyncadd.s32 $0xFFFFC000  }
0x7d: {  	[tilespmem:s2], [sflag:$0x3] =	stream.linear.gather [hbm4b:s6+s2], $0x80, $0x38;
	[tilespmem:$0x1E200] =	vst v63  }
0x7e: {  	_ =	swait.ge [sflag:s20], $0x80  }
0x7f: {  	[sflag:s20] =	ssyncset.done $0x0  }
0x80: {  	s5 =	sadd.s32 s1, s5;
	[sflag:s20] =	ssyncadd.s32 $0xFFFFFF80  }
0x81: {  	[tilespmem:s21], [sflag:$0x3] =	stream.linear.gather [hbm4b:s5+s2], $0x80, $0x38;
	[tilespmem:$0x1E200] =	vst v63  }
0x82: {  	_ =	swait.ge [sflag:s20], $0x80  }
0x83: {  	[sflag:s20] =	ssyncset.done $0x0  }
0x84: {  	[sflag:s20] =	ssyncadd.s32 $0xFFFFFF80  }
0x85: {  	[tilespmem:s23], [sflag:$0x1] =	stream.indirect.gather [hbm4b:s15+s22], $0x80, s2, s22, $0xb8;
	[tilespmem:$0x1E200] =	vst v63  }
0x86: {  	_ =	swait.ge [sflag:s28], $0x4000  }
0x87: {  	[sflag:s28] =	ssyncset.done $0x0  }
0x88: {  	[sflag:s28] =	ssyncadd.s32 $0xFFFFC000  }
0x89: {  	[spmem:s14] =	stream.indirect.scatter.add.f32 [tilespmem:s25], [sflag:$0x3], $0x80, s24, s22, $0xb8;
	[tilespmem:$0x1E200] =	vst v63  }
0x8a: {  	_ =	swait.ge [sflag:s20], $0x4000  }
0x8b: {  	[sflag:s20] =	ssyncset.done $0x0  }
0x8c: {  	s6 =	sadd.s32 $0x0, s3;
	[sflag:s20] =	ssyncadd.s32 $0xFFFFC000  }
0x8d: {  	[tilespmem:s22], [sflag:$0x3] =	stream.linear.gather [hbm4b:s6+s2], $0x80, $0x38;
	[tilespmem:$0x1E200] =	vst v63  }
0x8e: {  	_ =	swait.ge [sflag:s20], $0x80  }
0x8f: {  	[sflag:s20] =	ssyncset.done $0x0  }
0x90: {  	s13 =	sadd.s32 $0x0, s0;
	[sflag:s20] =	ssyncadd.s32 $0xFFFFFF80  }
0x91: {  	[tilespmem:s24], [sflag:$0x3] =	stream.linear.gather [hbm4b:s13+s2], $0x80, $0x38;
	[tilespmem:$0x1E200] =	vst v63  }
0x92: {  	_ =	swait.ge [sflag:s20], $0x80  }
0x93: {  	[sflag:s20] =	ssyncset.done $0x0  }
0x94: {  	s30 =	simm.s32 $0x20;
	s31 =	sadd.s32 $0x100, s4;
	[sflag:s20] =	ssyncadd.s32 $0xFFFFFF80  }
.LBB2_4:
0x95: {  	[tilespmem:s25], [sflag:$0x2] =	stream.indirect.gather [hbm4b:s15+s22], $0x80, s22, s22, $0xb8;
	[tilespmem:$0x1E200] =	vst v63  }
0x96: {  	s5 =	smov.u32 s30  }
0x97: {  	p0 =	sne.s32 s30, $0x4E0;
	s30 =	sadd.s32 $0x20, s30;
	_ =	swait.ge [sflag:s26], $0x4000  }
0x98: {  	[sflag:s26] =	ssyncset.done $0x0  }
0x99: {  	[sflag:s26] =	ssyncadd.s32 $0xFFFFC000  }
0x9a: {  	[spmem:s14] =	stream.indirect.scatter.add.f32 [tilespmem:s23], [sflag:$0x3], $0x80, s21, s22, $0xb8;
	[tilespmem:$0x1E200] =	vst v63  }
0x9b: {  	_ =	swait.ge [sflag:s20], $0x4000  }
0x9c: {  	s13 =	sshrl.u32 s31, $0x3;
	[sflag:s20] =	ssyncset.done $0x0  }
0x9d: {  	s6 =	sadd.s32 s16, s13;
	[sflag:s20] =	ssyncadd.s32 $0xFFFFC000  }
0x9e: {  	[tilespmem:s2], [sflag:$0x3] =	stream.linear.gather [hbm4b:s6+s2], $0x80, $0x38;
	[tilespmem:$0x1E200] =	vst v63  }
0x9f: {  	_ =	swait.ge [sflag:s20], $0x80  }
0xa0: {  	[sflag:s20] =	ssyncset.done $0x0  }
0xa1: {  	s6 =	sadd.s32 s1, s13;
	[sflag:s20] =	ssyncadd.s32 $0xFFFFFF80  }
0xa2: {  	[tilespmem:s21], [sflag:$0x3] =	stream.linear.gather [hbm4b:s6+s2], $0x80, $0x38;
	[tilespmem:$0x1E200] =	vst v63  }
0xa3: {  	_ =	swait.ge [sflag:s20], $0x80  }
0xa4: {  	[sflag:s20] =	ssyncset.done $0x0  }
0xa5: {  	[sflag:s20] =	ssyncadd.s32 $0xFFFFFF80  }
0xa6: {  	[tilespmem:s23], [sflag:$0x1] =	stream.indirect.gather [hbm4b:s15+s22], $0x80, s2, s22, $0xb8;
	[tilespmem:$0x1E200] =	vst v63  }
0xa7: {  	_ =	swait.ge [sflag:s28], $0x4000  }
0xa8: {  	[sflag:s28] =	ssyncset.done $0x0  }
0xa9: {  	[sflag:s28] =	ssyncadd.s32 $0xFFFFC000  }
0xaa: {  	[spmem:s14] =	stream.indirect.scatter.add.f32 [tilespmem:s25], [sflag:$0x3], $0x80, s24, s22, $0xb8;
	[tilespmem:$0x1E200] =	vst v63  }
0xab: {  	_ =	swait.ge [sflag:s20], $0x4000  }
0xac: {  	[sflag:s20] =	ssyncset.done $0x0  }
0xad: {  	s6 =	sadd.s32 s5, s3;
	[sflag:s20] =	ssyncadd.s32 $0xFFFFC000  }
0xae: {  	[tilespmem:s22], [sflag:$0x3] =	stream.linear.gather [hbm4b:s6+s2], $0x80, $0x38;
	[tilespmem:$0x1E200] =	vst v63  }
0xaf: {  	_ =	swait.ge [sflag:s20], $0x80  }
0xb0: {  	[sflag:s20] =	ssyncset.done $0x0  }
.Ltmp1:
0xb1: {  	s5 =	sadd.s32 s5, s0;
	[sflag:s20] =	ssyncadd.s32 $0xFFFFFF80;
	(pc) =	sbr.rel @p0 .LBB2_4-.Ltmp1, $4  }
0xb2: {  	[tilespmem:s24], [sflag:$0x3] =	stream.linear.gather [hbm4b:s5+s2], $0x80, $0x38;
	[tilespmem:$0x1E200] =	vst v63  }
0xb3: {  	_ =	swait.ge [sflag:s20], $0x80  }
0xb4: {  	[sflag:s20] =	ssyncset.done $0x0  }
0xb5: {  	s31 =	sadd.s32 $0x100, s31;
	[sflag:s20] =	ssyncadd.s32 $0xFFFFFF80  }
0xb6: {  	[tilespmem:s25], [sflag:$0x2] =	stream.indirect.gather [hbm4b:s15+s22], $0x80, s22, s22, $0xb8;
	[tilespmem:$0x1E200] =	vst v63  }
0xb7: {  	_ =	swait.ge [sflag:s26], $0x4000  }
0xb8: {  	[sflag:s26] =	ssyncset.done $0x0  }
0xb9: {  	[sflag:s26] =	ssyncadd.s32 $0xFFFFC000  }
0xba: {  	[spmem:s14] =	stream.indirect.scatter.add.f32 [tilespmem:s23], [sflag:$0x3], $0x80, s21, s22, $0xb8;
	[tilespmem:$0x1E200] =	vst v63  }
0xbb: {  	_ =	swait.ge [sflag:s20], $0x4000  }
0xbc: {  	[sflag:s20] =	ssyncset.done $0x0  }
0xbd: {  	[sflag:s20] =	ssyncadd.s32 $0xFFFFC000  }
0xbe: {  	_ =	swait.ge [sflag:s28], $0x4000  }
0xbf: {  	[sflag:s28] =	ssyncset.done $0x0  }
0xc0: {  	[sflag:s28] =	ssyncadd.s32 $0xFFFFC000  }
0xc1: {  	[spmem:s14] =	stream.indirect.scatter.add.f32 [tilespmem:s25], [sflag:$0x3], $0x80, s24, s22, $0xb8;
	[tilespmem:$0x1E200] =	vst v63  }
0xc2: {  	_ =	swait.ge [sflag:s20], $0x4000  }
0xc3: {  	[sflag:s20] =	ssyncset.done $0x0  }
0xc4: {  	[sflag:s20] =	ssyncadd.s32 $0xFFFFC000  }
0xc5: {  	[bflag:$0x0] =	sbarrier.arrive $0xFFFF  }
0xc6: {  	[tilespmem:s19], [sflag:$0x3] =	stream.linear.gather [spmem:s17], $0x2000, $0x38;
	[tilespmem:$0x1E200] =	vst v63  }
0xc7: {  	_ =	swait.ge [sflag:s20], $0x2000  }
0xc8: {  	[sflag:s20] =	ssyncset.done $0x0  }
0xc9: {  	s5 =	rddreg [dreg:$0x4];
	[sflag:s20] =	ssyncadd.s32 $0xFFFFE000  }
0xca: {  	[hbm4b:s5+s2] =	stream.linear.scatter [tilespmem:s19], [sflag:$0x3], $0x2000, $0x38;
	[tilespmem:$0x1E200] =	vst v63  }
0xcb: {  	_ =	swait.ge [sflag:s20], $0x2000  }
0xcc: {  	[sflag:s20] =	ssyncset.done $0x0  }
0xcd: {  	s13 =	rddreg [dreg:$0x13];
	[sflag:s20] =	ssyncadd.s32 $0xFFFFE000  }
0xce: {  	[tilespmem:s19], [sflag:$0x3] =	stream.linear.gather [spmem:s13], $0x2000, $0x38;
	[tilespmem:$0x1E200] =	vst v63  }
0xcf: {  	_ =	swait.ge [sflag:s20], $0x2000  }
0xd0: {  	[sflag:s20] =	ssyncset.done $0x0  }
0xd1: {  	s30 =	rddreg [dreg:$0x5];
	[sflag:s20] =	ssyncadd.s32 $0xFFFFE000  }
0xd2: {  	[hbm4b:s30+s2] =	stream.linear.scatter [tilespmem:s19], [sflag:$0x3], $0x2000, $0x38;
	[tilespmem:$0x1E200] =	vst v63  }
0xd3: {  	_ =	swait.ge [sflag:s20], $0x2000  }
0xd4: {  	[sflag:s20] =	ssyncset.done $0x0  }
0xd5: {  	s31 =	rddreg [dreg:$0x14];
	[sflag:s20] =	ssyncadd.s32 $0xFFFFE000  }
0xd6: {  	[tilespmem:s19], [sflag:$0x3] =	stream.linear.gather [spmem:s31], $0x2000, $0x38;
	[tilespmem:$0x1E200] =	vst v63  }
0xd7: {  	_ =	swait.ge [sflag:s20], $0x2000  }
0xd8: {  	[sflag:s20] =	ssyncset.done $0x0  }
0xd9: {  	s6 =	rddreg [dreg:$0x6];
	[sflag:s20] =	ssyncadd.s32 $0xFFFFE000  }
0xda: {  	[hbm4b:s6+s2] =	stream.linear.scatter [tilespmem:s19], [sflag:$0x3], $0x2000, $0x38;
	[tilespmem:$0x1E200] =	vst v63  }
0xdb: {  	_ =	swait.ge [sflag:s20], $0x2000  }
0xdc: {  	[sflag:s20] =	ssyncset.done $0x0  }
0xdd: {  	s13 =	rddreg [dreg:$0x15];
	[sflag:s20] =	ssyncadd.s32 $0xFFFFE000  }
0xde: {  	[tilespmem:s19], [sflag:$0x3] =	stream.linear.gather [spmem:s13], $0x2000, $0x38;
	[tilespmem:$0x1E200] =	vst v63  }
0xdf: {  	_ =	swait.ge [sflag:s20], $0x2000  }
0xe0: {  	[sflag:s20] =	ssyncset.done $0x0  }
0xe1: {  	s30 =	rddreg [dreg:$0x7];
	[sflag:s20] =	ssyncadd.s32 $0xFFFFE000  }
0xe2: {  	[hbm4b:s30+s2] =	stream.linear.scatter [tilespmem:s19], [sflag:$0x3], $0x2000, $0x38;
	[tilespmem:$0x1E200] =	vst v63  }
0xe3: {  	_ =	swait.ge [sflag:s20], $0x2000  }
0xe4: {  	[sflag:s20] =	ssyncset.done $0x0  }
0xe5: {  	s31 =	rddreg [dreg:$0x16];
	[sflag:s20] =	ssyncadd.s32 $0xFFFFE000  }
0xe6: {  	[tilespmem:s19], [sflag:$0x3] =	stream.linear.gather [spmem:s31], $0x2000, $0x38;
	[tilespmem:$0x1E200] =	vst v63  }
0xe7: {  	_ =	swait.ge [sflag:s20], $0x2000  }
0xe8: {  	[sflag:s20] =	ssyncset.done $0x0  }
0xe9: {  	s6 =	rddreg [dreg:$0x8];
	[sflag:s20] =	ssyncadd.s32 $0xFFFFE000  }
0xea: {  	[hbm4b:s6+s2] =	stream.linear.scatter [tilespmem:s19], [sflag:$0x3], $0x2000, $0x38;
	[tilespmem:$0x1E200] =	vst v63  }
0xeb: {  	_ =	swait.ge [sflag:s20], $0x2000  }
0xec: {  	[sflag:s20] =	ssyncset.done $0x0  }
0xed: {  	s13 =	rddreg [dreg:$0x17];
	[sflag:s20] =	ssyncadd.s32 $0xFFFFE000  }
0xee: {  	[tilespmem:s19], [sflag:$0x3] =	stream.linear.gather [spmem:s13], $0x2000, $0x38;
	[tilespmem:$0x1E200] =	vst v63  }
0xef: {  	_ =	swait.ge [sflag:s20], $0x2000  }
0xf0: {  	[sflag:s20] =	ssyncset.done $0x0  }
0xf1: {  	s30 =	rddreg [dreg:$0x9];
	[sflag:s20] =	ssyncadd.s32 $0xFFFFE000  }
0xf2: {  	[hbm4b:s30+s2] =	stream.linear.scatter [tilespmem:s19], [sflag:$0x3], $0x2000, $0x38;
	[tilespmem:$0x1E200] =	vst v63  }
0xf3: {  	_ =	swait.ge [sflag:s20], $0x2000  }
0xf4: {  	[sflag:s20] =	ssyncset.done $0x0  }
0xf5: {  	s31 =	rddreg [dreg:$0x18];
	[sflag:s20] =	ssyncadd.s32 $0xFFFFE000  }
0xf6: {  	[tilespmem:s19], [sflag:$0x3] =	stream.linear.gather [spmem:s31], $0x2000, $0x38;
	[tilespmem:$0x1E200] =	vst v63  }
0xf7: {  	_ =	swait.ge [sflag:s20], $0x2000  }
0xf8: {  	[sflag:s20] =	ssyncset.done $0x0  }
0xf9: {  	s6 =	rddreg [dreg:$0xa];
	[sflag:s20] =	ssyncadd.s32 $0xFFFFE000  }
0xfa: {  	[hbm4b:s6+s2] =	stream.linear.scatter [tilespmem:s19], [sflag:$0x3], $0x2000, $0x38;
	[tilespmem:$0x1E200] =	vst v63  }
0xfb: {  	_ =	swait.ge [sflag:s20], $0x2000  }
0xfc: {  	[sflag:s20] =	ssyncset.done $0x0  }
0xfd: {  	s13 =	rddreg [dreg:$0x19];
	[sflag:s20] =	ssyncadd.s32 $0xFFFFE000  }
0xfe: {  	[tilespmem:s19], [sflag:$0x3] =	stream.linear.gather [spmem:s13], $0x2000, $0x38;
	[tilespmem:$0x1E200] =	vst v63  }
0xff: {  	_ =	swait.ge [sflag:s20], $0x2000  }
0x100: {  	[sflag:s20] =	ssyncset.done $0x0  }
0x101: {  	s30 =	rddreg [dreg:$0xb];
	[sflag:s20] =	ssyncadd.s32 $0xFFFFE000  }
0x102: {  	[hbm4b:s30+s2] =	stream.linear.scatter [tilespmem:s19], [sflag:$0x3], $0x2000, $0x38;
	[tilespmem:$0x1E200] =	vst v63  }
0x103: {  	_ =	swait.ge [sflag:s20], $0x2000  }
0x104: {  	[sflag:s20] =	ssyncset.done $0x0  }
0x105: {  	s31 =	rddreg [dreg:$0x1a];
	[sflag:s20] =	ssyncadd.s32 $0xFFFFE000  }
0x106: {  	[tilespmem:s19], [sflag:$0x3] =	stream.linear.gather [spmem:s31], $0x2000, $0x38;
	[tilespmem:$0x1E200] =	vst v63  }
0x107: {  	_ =	swait.ge [sflag:s20], $0x2000  }
0x108: {  	[sflag:s20] =	ssyncset.done $0x0  }
0x109: {  	s6 =	rddreg [dreg:$0xc];
	[sflag:s20] =	ssyncadd.s32 $0xFFFFE000  }
0x10a: {  	[hbm4b:s6+s2] =	stream.linear.scatter [tilespmem:s19], [sflag:$0x3], $0x2000, $0x38;
	[tilespmem:$0x1E200] =	vst v63  }
0x10b: {  	_ =	swait.ge [sflag:s20], $0x2000  }
0x10c: {  	[sflag:s20] =	ssyncset.done $0x0  }
0x10d: {  	s13 =	rddreg [dreg:$0x1b];
	[sflag:s20] =	ssyncadd.s32 $0xFFFFE000  }
0x10e: {  	[tilespmem:s19], [sflag:$0x3] =	stream.linear.gather [spmem:s13], $0x2000, $0x38;
	[tilespmem:$0x1E200] =	vst v63  }
0x10f: {  	_ =	swait.ge [sflag:s20], $0x2000  }
0x110: {  	[sflag:s20] =	ssyncset.done $0x0  }
0x111: {  	s30 =	rddreg [dreg:$0xd];
	[sflag:s20] =	ssyncadd.s32 $0xFFFFE000  }
0x112: {  	[hbm4b:s30+s2] =	stream.linear.scatter [tilespmem:s19], [sflag:$0x3], $0x2000, $0x38;
	[tilespmem:$0x1E200] =	vst v63  }
0x113: {  	_ =	swait.ge [sflag:s20], $0x2000  }
0x114: {  	s29 =	sadd.s32 $0x1, s29;
	s31 =	rddreg [dreg:$0x12]  }
0x115: {  	p0 =	sne.s32 s29, s31  }
.Ltmp2:
0x116: {  	_ = 	snop;
	(pc) =	sbr.rel @p0 .LBB2_1-.Ltmp2, $3  }
0x117: {  	_ =	sdelay $0x1  }
0x118: {  	[sflag:s20] =	ssyncset.done $0x0  }
0x119: {  	[sflag:s20] =	ssyncadd.s32 $0xFFFFE000  }
0x11a: {  	_ =	sfence.sel $0x180000  }
0x11b: {  	[bflag:$0x0] =	sbarrier.arrive $0xFFFF  }
0x11c: {  	_ =	strace $0x9000004A  }
0x11d: {  	s0 =	stileid.u32;
	[bflag:$0x2] =	sbarrier.arrive $0xFFFF  }
0x11e: {  	p0 =	sne.s32 s0, $0x0;
	s0 =	rddreg [dreg:$0x3]  }
0x11f: {  	s0 =	sadd.s32 @!p0 $0x100000, s0  }
0x120: {  	[sflag:s0] =	ssyncadd.tile.s32 @!p0 $0x1;
	_ =	shalt  }
.Lfunc_end2:
_tile_overlayer_lowered:
.L_overlay_start_2:
0x121: {  	(tag) =	ssettag $0x2  }
0x122: {  	s0 =	rddreg [dreg:$0x0];
	s2 =	stileid.u32  }
0x123: {  	s1 =	rddreg [dreg:$0x1];
	p0 =	sne.s32 s2, $0x0  }
0x124: {  	s3 =	rddreg [dreg:$0x2];
	[bflag:$0x3] =	sbarrier.arrive $0xFFFF;
	s2 =	simm.s32 @!p0 $0x1C03  }
0x125: {  	[timem:s3], [sflag:s2] =	dma.local @!p0 [hbm:s0], s1  }
0x126: {  	s0 =	simm.s32 @!p0 $0x3  }
0x127: {  	_ =	swait.ge @!p0 [sflag:s0], s1  }
0x128: {  	s1 =	ssub.s32 @!p0 $0x0, s1;
	[sflag:s0] =	ssyncset.done @!p0 $0x0  }
0x129: {  	[sflag:s0] =	ssyncadd.s32 @!p0 s1  }
0x12a: {  	[bflag:$0x3] =	sbarrier.arrive $0xFFFF  }
0x12b: {  	_ =	shalt  }

// kernel: kernel.16.cloned.1.call-start
scs
__scs_entry_jumppad:
0x0: {  	(pc) =	sbr.rel $0x88, $3  }
0x1: {  	(tag) =	ssettag $0x0;
	lr =	simm.s32 $0x1  }
0x2: {  	[smem:$0x3F95] =	sst lr;
	_ =	strace $0xD0000000  }
0x3: {  	_ = 	snop  }
0x4: {  	_ = 	snop  }
0x5: {  	_ = 	snop  }
0x6: {  	_ = 	snop  }
0x7: {  	_ = 	snop  }
__scs_overlays_trampoline_lowered:
0x8: {  	[smem:$0x3FA4] =	sst s0  }
0x9: {  	[smem:$0x3FA5] =	sst s1  }
0xa: {  	[smem:$0x3FA6] =	sst s2  }
0xb: {  	[smem:$0x3FA7] =	sst s3  }
0xc: {  	[smem:$0x3FA8] =	sst s4  }
0xd: {  	[smem:$0x3FA9] =	sst s5  }
0xe: {  	[smem:$0x3FAA] =	sst s6  }
0xf: {  	[smem:$0x3FAB] =	sst s7  }
0x10: {  	[smem:$0x3FAC] =	sst s8  }
0x11: {  	[smem:$0x3FAD] =	sst s9;
	s0 =	simm.s32 @!p0 $0x0  }
0x12: {  	s1 =	sld [smem:$0x3F93];
	s0 =	simm.s32 @p0 $0x1  }
0x13: {  	[smem:$0x3FAE] =	sst s0;
	s0 =	simm.s32 @!p1 $0x0  }
0x14: {  	s2 =	sld [smem:$0x3F92];
	s0 =	simm.s32 @p1 $0x1  }
0x15: {  	[smem:$0x3FAF] =	sst s0;
	s0 =	simm.s32 @!p2 $0x0  }
0x16: {  	s3 =	sld [smem:$0x3FDB];
	s0 =	simm.s32 @p2 $0x1  }
0x17: {  	s4 =	simm.s32 $0x1BF5;
	[smem:$0x3FB1] =	sst s0  }
0x18: {  	s0 =	sld [smem:$0x3F94];
	_ =	swait.ge [sflag:s4], $0x0  }
0x19: {  	s7 =	sld [smem:$0x3F95]  }
0x1a: {  	s8 =	sadd.s32 $0xFFFFE003, lr  }
0x1b: {  	s9 =	sadd.s32 $0xFFFFFEF7, lr;
	s5 =	simm.s32 $0xFFFFFFFF;
	p2 =	slt.u32 s8, $0xFFFFF086  }
0x1c: {  	p1 =	slt.u32 s9, $0xF7A;
	s5 =	simm.s32 @!p2 $0x0  }
0x1d: {  	s5 =	simm.s32 @p1 $0x1;
	p0 =	seq.s32 s7, s2  }
0x1e: {  	s7 =	smul.u32 @!p0 $0xF7A, s2;
	p2 =	seq.s32 @!p0 s5, $0x0  }
0x1f: {  	s9 =	smul.u32 $0xF7A, s1;
	s8 =	simm.s32 @!p0 $0x1BF5;
	p2 =	por !p2, p0  }
0x20: {  	[sflag:s8] =	ssyncset.s32 @!p0 $0xFFFFF086;
	s6 =	sadd.s32 @!p0 s3, s7;
	s7 =	simm.s32 @!p0 $0x108  }
0x21: {  	s3 =	sadd.s32 s3, s9;
	s6 =	sadd.s32 @!p0 $0x88, s6;
	s7 =	simm.s32 @p2 $0x1082  }
0x22: {  	[simem:s7], [sflag:s8] =	dma.local @!p0 [hbm:s6], $0xF7A  }
0x23: {  	s9 =	sor.u32 $0xD0000000, s2;
	s6 =	simm.s32 $0x108;
	_ =	swait.ge @!p0 [sflag:s8], $0x0  }
0x24: {  	s3 =	sadd.s32 $0x88, s3;
	s6 =	simm.s32 @!p1 $0x1082;
	[sflag:s4] =	ssyncset.s32 $0xFFFFF086  }
0x25: {  	[simem:s6], [sflag:s4] =	dma.local [hbm:s3], $0xF7A  }
0x26: {  	[smem:$0x3F95] =	sst s1;
	(tag) =	ssettag s2;
	_ =	strace s9  }
0x27: {  	s1 =	sld [smem:$0x3FA5]  }
0x28: {  	s2 =	sld [smem:$0x3FA6]  }
0x29: {  	s4 =	sld [smem:$0x3FA8]  }
0x2a: {  	p0 =	seq.s32 s5, $0x0;
	s5 =	sld [smem:$0x3FA9]  }
0x2b: {  	s6 =	sld [smem:$0x3FAA]  }
0x2c: {  	s7 =	sld [smem:$0x3FAB]  }
0x2d: {  	s3 =	simm.s32 $0x108;
	s8 =	sld [smem:$0x3FAC]  }
0x2e: {  	s3 =	simm.s32 @!p0 $0x1082;
	s9 =	sld [smem:$0x3FAD]  }
0x2f: {  	lr =	sadd.s32 s0, s3;
	s0 =	sld [smem:$0x3FA4]  }
0x30: {  	s3 =	sld [smem:$0x3FA7]  }
0x31: {  	[smem:$0x3FB0] =	sst s10  }
0x32: {  	s10 =	sld [smem:$0x3FAE];
	_ =	sdelay $0x3  }
0x33: {  	p0 =	seq.s32 s10, $0x1;
	s10 =	sld [smem:$0x3FB0];
	_ =	sdelay $0x3  }
0x34: {  	[smem:$0x3FB0] =	sst s10  }
0x35: {  	s10 =	sld [smem:$0x3FAF];
	_ =	sdelay $0x3  }
0x36: {  	p1 =	seq.s32 s10, $0x1;
	s10 =	sld [smem:$0x3FB0];
	_ =	sdelay $0x3  }
0x37: {  	[smem:$0x3FB0] =	sst s10  }
0x38: {  	s10 =	sld [smem:$0x3FB1]  }
0x39: {  	_ = 	snop;
	(pc) =	sbr.ind lr, $3  }
0x3a: {  	_ = 	snop  }
0x3b: {  	_ = 	snop  }
0x3c: {  	p2 =	seq.s32 s10, $0x1;
	s10 =	sld [smem:$0x3FB0]  }
0x3d: {  	_ =	shalt  }
0x3e: {  	_ =	shalt  }
0x3f: {  	_ =	shalt  }
0x40: {  	_ =	shalt  }
0x41: {  	_ =	shalt  }
0x42: {  	_ =	shalt  }
0x43: {  	_ =	shalt  }
0x44: {  	_ =	shalt  }
0x45: {  	_ =	shalt  }
0x46: {  	_ =	shalt  }
0x47: {  	_ =	shalt  }
0x48: {  	_ =	shalt  }
0x49: {  	_ =	shalt  }
0x4a: {  	_ =	shalt  }
0x4b: {  	_ =	shalt  }
0x4c: {  	_ =	shalt  }
0x4d: {  	_ =	shalt  }
0x4e: {  	_ =	shalt  }
0x4f: {  	_ =	shalt  }
0x50: {  	_ =	shalt  }
0x51: {  	_ =	shalt  }
0x52: {  	_ =	shalt  }
0x53: {  	_ =	shalt  }
0x54: {  	_ =	shalt  }
0x55: {  	_ =	shalt  }
0x56: {  	_ =	shalt  }
0x57: {  	_ =	shalt  }
0x58: {  	_ =	shalt  }
0x59: {  	_ =	shalt  }
0x5a: {  	_ =	shalt  }
0x5b: {  	_ =	shalt  }
0x5c: {  	_ =	shalt  }
0x5d: {  	_ =	shalt  }
0x5e: {  	_ =	shalt  }
0x5f: {  	_ =	shalt  }
0x60: {  	_ =	shalt  }
0x61: {  	_ =	shalt  }
0x62: {  	_ =	shalt  }
0x63: {  	_ =	shalt  }
0x64: {  	_ =	shalt  }
0x65: {  	_ =	shalt  }
0x66: {  	_ =	shalt  }
0x67: {  	_ =	shalt  }
0x68: {  	_ =	shalt  }
0x69: {  	_ =	shalt  }
0x6a: {  	_ =	shalt  }
0x6b: {  	_ =	shalt  }
0x6c: {  	_ =	shalt  }
0x6d: {  	_ =	shalt  }
0x6e: {  	_ =	shalt  }
0x6f: {  	_ =	shalt  }
0x70: {  	_ =	shalt  }
0x71: {  	_ =	shalt  }
0x72: {  	_ =	shalt  }
0x73: {  	_ =	shalt  }
0x74: {  	_ =	shalt  }
0x75: {  	_ =	shalt  }
0x76: {  	_ =	shalt  }
0x77: {  	_ =	shalt  }
0x78: {  	_ =	shalt  }
0x79: {  	_ =	shalt  }
0x7a: {  	_ =	shalt  }
0x7b: {  	_ =	shalt  }
0x7c: {  	_ =	shalt  }
0x7d: {  	_ =	shalt  }
0x7e: {  	_ =	shalt  }
0x7f: {  	_ =	shalt  }
0x80: {  	_ =	shalt  }
0x81: {  	_ =	shalt  }
0x82: {  	_ =	shalt  }
0x83: {  	_ =	shalt  }
0x84: {  	_ =	shalt  }
0x85: {  	_ =	shalt  }
0x86: {  	_ =	shalt  }
0x87: {  	_ =	shalt  }
.Lfunc_end0:
.L_simem_size_0:
called_computation.2_lowered:
.L_overlay_start_0:
0x88: {  	s2 =	sld [smem:$0x3FD9]  }
0x89: {  	s3 =	sld [smem:$0x3FFE];
	_ =	sdelay $0x1  }
0x8a: {  	s1 =	srdreg.scid  }
0x8b: {  	s0 =	sand.u32 $0x1, s1  }
0x8c: {  	s17 =	sshll.u32 s0, $0xA;
	s2 =	sadd.s32 s3, s2  }
0x8d: {  	s2 =	sadd.s32 s2, s17  }
0x8e: {  	[smem:$0x3FBC] =	sst s2  }
0x8f: {  	_ = 	snop  }
0x90: {  	s2 =	sld [smem:$0x3FD0];
	(tm) =	ssettm $0x1  }
0x91: {  	s18 =	sld [smem:$0x3FFB];
	_ =	sdelay $0x3  }
0x92: {  	_ =	strace s18  }
0x93: {  	s3 =	sld [smem:$0x3FFC];
	_ =	sdelay $0x3  }
0x94: {  	_ =	strace s3  }
0x95: {  	s3 =	sld [smem:$0x3FFD];
	_ =	sdelay $0x3  }
0x96: {  	_ =	strace s3  }
0x97: {  	_ =	strace $0x8FFFFFFF  }
0x98: {  	s19 =	sld [smem:$0x3FDB];
	_ =	sdelay $0x1  }
0x99: {  	s4 =	simm.s32 $_scs_section_size  }
0x9a: {  	s5 =	simm.s32 $_size__tile_overlayer_lowered;
	s6 =	simm.s32 $_tile_overlayer_lowered  }
0x9b: {  	s22 =	simm.s32 $0x1BFF;
	s21 =	sshll.u32 s6, $0x1;
	s3 =	sadd.s32 s4, s19  }
0x9c: {  	s7 =	simm.s32 $0x0;
	s20 =	sshll.u32 s5, $0x1;
	s5 =	sadd.s32 s21, s3  }
0x9d: {  	[timem:s7], [sflag:s22] =	dma.local [hbm:s5], s20  }
0x9e: {  	_ =	swait.ge [sflag:s22], s20  }
0x9f: {  	s4 =	ssub.s32 $0x0, s20;
	[sflag:s22] =	ssyncset.done $0x0  }
0xa0: {  	[sflag:s22] =	ssyncadd.s32 s4;
	_ =	sdelay $0x1  }
0xa1: {  	s23 =	simm.s32 $0x1B8B  }
0xa2: {  	_ =	swait.ge [sflag:s23], $0x1  }
0xa3: {  	[sflag:s23] =	ssyncset.done $0x0  }
0xa4: {  	s25 =	simm.s32 $0x1B8E;
	s24 =	sld [smem:$0x3FFE];
	[sflag:s23] =	ssyncadd.s32 $0xFFFFFFFF  }
0xa5: {  	s26 =	simm.s32 $execute0_lowered;
	[smem:$0x3FD2] =	sst s25  }
0xa6: {  	s5 =	sshll.u32 s26, $0x1;
	_ =	strace $0x8000004C;
	[dreg:$0x1] =	wrdreg $0xFFFFFFFF  }
0xa7: {  	s28 =	simm.s32 $_size_execute0_lowered;
	s3 =	sadd.s32 s3, s5;
	[dreg:$0x0] =	wrdreg $0x0  }
0xa8: {  	s5 =	sshll.u32 s28, $0x1;
	[dreg:$0x2] =	wrdreg s3  }
0xa9: {  	[dreg:$0x3] =	wrdreg s5  }
0xaa: {  	[dreg:$0x4] =	wrdreg $0xC0  }
0xab: {  	_ =	task [dreg:s7], $0x5FFFF  }
0xac: {  	[dreg:$0x1] =	wrdreg $0xFFFFFFFF  }
0xad: {  	[dreg:$0x0] =	wrdreg $0x60  }
0xae: {  	[dreg:$0x2] =	wrdreg s24  }
0xaf: {  	[dreg:$0x3] =	wrdreg s2  }
0xb0: {  	[dreg:$0x4] =	wrdreg $0xA2000  }
0xb1: {  	[dreg:$0x5] =	wrdreg $0x9  }
0xb2: {  	_ =	task.clear_ibuf [dreg:s7], $0x6FFFF;
	_ =	strace $0x9000004C  }
0xb3: {  	s29 =	simm.s32 $0x9;
	_ =	strace $0x8000004E  }
0xb4: {  	_ =	swait.ge [sflag:s29], $0x1  }
0xb5: {  	[sflag:s29] =	ssyncadd.s32 $0xFFFFFFFF  }
0xb6: {  	_ =	strace $0x9000004E  }
0xb7: {  	_ =	sfence  }
0xb8: {  	s30 =	sld [smem:$0x0];
	_ =	sdelay $0x2  }
0xb9: {  	s31 =	sshll.u32 s1, $0xD;
	s1 =	sshrl.u32 s1, $0x2  }
0xba: {  	s3 =	sand.u32 $0x4000, s31;
	s1 =	sadd.s32 s1, s30  }
0xbb: {  	s0 =	sor.u32 s3, s0;
	s1 =	sshll.u32 s1, $0x11  }
0xbc: {  	s0 =	sor.u32 s1, s0  }
0xbd: {  	s0 =	sadd.s32 $0x8F2B, s0  }
0xbe: {  	[sflag:s0] =	ssyncadd.remote.s32 $0x1  }
0xbf: {  	_ =	sfence.sel $0xFFFF  }
0xc0: {  	[dreg:$0x0] =	wrdreg $0xFFFFFFFF;
	(pc) =	sbr.abs _section_cstart, $3  }
0xc1: {  	[dreg:$0x1] =	wrdreg $0xFFFFFFFF  }
0xc2: {  	_ =	task.clear_ibuf [dreg:s7], $0x2FFFF;
	_ =	strace $0x9FFFFFFF  }
0xc3: {  	(tm) =	ssettm $0x7FFFFFFF  }
tec
execute0_lowered:
.L_overlay_start_1:
0x0: {  	(tag) =	ssettag $0x1  }
0x1: {  	s0 =	srdreg.scid;
	s16 =	stileid.u32  }
0x2: {  	s4 =	rddreg [dreg:$0x0];
	s0 =	sand.u32 $0x1, s0;
	s5 =	smul.u32 $0x14000, s16  }
0x3: {  	s1 =	rddreg [dreg:$0x1];
	s3 =	smul.u32 $0x140000, s0  }
0x4: {  	s2 =	simm.s32 $0x0;
	s8 =	sadd.s32 $0x36000, s4;
	s6 =	ssub.s32 $0x2, s0  }
0x5: {  	[smem:$0x7FF] =	sst s2;
	s9 =	sshrl.u32 s6, $0x1;
	s7 =	sadd.s32 s3, s5  }
0x6: {  	s10 =	sadd.s32 $0x4000, s5;
	s11 =	sadd.s32 $0x6000, s5;
	s7 =	sshrl.u32 s7, $0x3  }
0x7: {  	s18 =	sadd.s32 $0xC000, s5;
	s19 =	sadd.s32 $0x10000, s5;
	s7 =	sadd.s32 s8, s7  }
0x8: {  	s6 =	ssub.s32 s6, s9;
	[dreg:$0x4] =	wrdreg s7;
	s7 =	sor.u32 $0x2000, s5  }
0x9: {  	s12 =	sadd.s32 s3, s10;
	s13 =	sadd.s32 s3, s11;
	s22 =	sadd.s32 s3, s7  }
0xa: {  	s15 =	sadd.s32 s3, s18;
	s20 =	sadd.s32 s3, s19;
	s9 =	sshrl.u32 s22, $0x3  }
0xb: {  	s23 =	sshrl.u32 s12, $0x3;
	s24 =	sshrl.u32 s13, $0x3;
	s9 =	sadd.s32 s8, s9  }
0xc: {  	s13 =	sadd.s32 $0xA000, s5;
	[dreg:$0x5] =	wrdreg s9;
	s9 =	sadd.s32 s8, s23  }
0xd: {  	s31 =	sshrl.u32 s15, $0x3;
	[dreg:$0x6] =	wrdreg s9;
	s9 =	sadd.s32 $0x8000, s5  }
0xe: {  	s25 =	sadd.s32 s8, s24;
	s14 =	sadd.s32 s3, s13;
	s26 =	sadd.s32 s3, s9  }
0xf: {  	s15 =	sadd.s32 s8, s31;
	[dreg:$0x7] =	wrdreg s25;
	s12 =	sshrl.u32 s26, $0x3  }
0x10: {  	s30 =	sshrl.u32 s14, $0x3;
	[dreg:$0xa] =	wrdreg s15;
	s12 =	sadd.s32 s8, s12  }
0x11: {  	s21 =	sshrl.u32 s20, $0x3;
	[dreg:$0x8] =	wrdreg s12;
	s12 =	sadd.s32 s8, s30  }
0x12: {  	s24 =	smul.u32 $0x50000, s16;
	[dreg:$0x9] =	wrdreg s12;
	s12 =	sadd.s32 $0xE000, s5  }
0x13: {  	s22 =	smul.u32 $0x29000, s0;
	s5 =	sadd.s32 $0x12000, s5;
	s17 =	sadd.s32 s3, s12  }
0x14: {  	s0 =	sshll.u32 s0, $0x4;
	s3 =	sadd.s32 s3, s5;
	s14 =	sshrl.u32 s17, $0x3  }
0x15: {  	s0 =	sor.u32 s16, s0;
	s3 =	sshrl.u32 s3, $0x3;
	s14 =	sadd.s32 s8, s14  }
0x16: {  	s0 =	smul.u32 $0x2900, s0;
	s3 =	sadd.s32 s8, s3;
	[dreg:$0xb] =	wrdreg s14  }
0x17: {  	s23 =	smul.u32 $0x2900, s16;
	s14 =	sadd.s32 s8, s21;
	[dreg:$0xd] =	wrdreg s3  }
0x18: {  	s16 =	sadd.s32 $0x3C00, s4;
	s0 =	sshrl.u32 s0, $0x3;
	[dreg:$0xc] =	wrdreg s14  }
0x19: {  	s26 =	sadd.s32 s16, s0;
	s30 =	sadd.s32 s1, s0;
	s14 =	rddreg [dreg:$0x2]  }
0x1a: {  	s0 =	sor.u32 $0x10, s0;
	_ =	strace $0x8000004D;
	[dreg:$0xe] =	wrdreg s26  }
0x1b: {  	s31 =	sadd.s32 s16, s0;
	[dreg:$0xf] =	wrdreg s30  }
0x1c: {  	s0 =	sadd.s32 s1, s0;
	[dreg:$0x10] =	wrdreg s31  }
0x1d: {  	s15 =	sadd.s32 $0xE000, s4;
	s4 =	smax.u32 s6, $0x1;
	[dreg:$0x11] =	wrdreg s0  }
0x1e: {  	s28 =	simm.s32 $0x2;
	[dreg:$0x12] =	wrdreg s4;
	s6 =	sadd.s32 s7, s14  }
0x1f: {  	s29 =	simm.s32 $0x0;
	s7 =	sadd.s32 s10, s14;
	[dreg:$0x13] =	wrdreg s6  }
0x20: {  	s25 =	sshrl.u32 s24, $0x2;
	s10 =	sadd.s32 s11, s14;
	[dreg:$0x14] =	wrdreg s7  }
0x21: {  	s8 =	sadd.s32 s23, s22;
	s11 =	sadd.s32 s9, s14;
	[dreg:$0x15] =	wrdreg s10  }
0x22: {  	s21 =	sadd.s32 $0x180, s8;
	s20 =	sadd.s32 s13, s14;
	[dreg:$0x16] =	wrdreg s11  }
0x23: {  	s17 =	sadd.s32 s25, s14;
	s22 =	sadd.s32 s18, s14;
	[dreg:$0x17] =	wrdreg s20  }
0x24: {  	s23 =	sadd.s32 s12, s14;
	s24 =	sshrl.u32 s21, $0x3;
	[dreg:$0x18] =	wrdreg s22  }
0x25: {  	s25 =	sadd.s32 s19, s14;
	s26 =	sadd.s32 s5, s14;
	[dreg:$0x19] =	wrdreg s23  }
0x26: {  	s4 =	sadd.s32 $0x100, s8;
	s19 =	simm.s32 $0x8200;
	[dreg:$0x1a] =	wrdreg s25  }
0x27: {  	s21 =	simm.s32 $0x100;
	[dreg:$0x1b] =	wrdreg s26;
	s0 =	sadd.s32 s24, s1  }
0x28: {  	s3 =	sadd.s32 s24, s16;
	s30 =	sadd.s32 $0x2000, s17;
	s31 =	sadd.s32 $0x4000, s17  }
0x29: {  	s7 =	sadd.s32 $0x6000, s17;
	s8 =	sadd.s32 $0x8000, s17;
	s9 =	sadd.s32 $0xA000, s17  }
0x2a: {  	s10 =	sadd.s32 $0xC000, s17;
	s11 =	sadd.s32 $0xE000, s17;
	s12 =	sadd.s32 $0x10000, s17  }
0x2b: {  	s18 =	sadd.s32 $0x12000, s17;
	s20 =	simm.s32 $0x3;
	s22 =	simm.s32 $0x80  }
0x2c: {  	s23 =	simm.s32 $0x200;
	s24 =	simm.s32 $0x180;
	[dreg:$0x1c] =	wrdreg s30  }
0x2d: {  	v0 =	vimm.f32 $0.0e+00;
	s25 =	simm.s32 $0x4200;
	s26 =	simm.s32 $0x1;
	[dreg:$0x1d] =	wrdreg s31  }
.LBB2_1:
0x2e: {  	s13 =	sand.u32 $0x7E00, s2  }
0x2f: {  	s31 =	sand.u32 $0x70, s2;
	s13 =	sshrl.u32 s13, $0x2  }
0x30: {  	s30 =	simm.s32 $0x40;
	s13 =	sor.u32 s31, s13;
	s31 =	simm.s32 $0x0  }
.LBB2_2:
0x31: {  	p0 =	sne.s32 s30, $0x7FC0  }
0x32: {  	[tilespmem:s13+$0x8200] =	vst v0;
	s31 =	sadd.s32 $0x10, s31;
	s13 =	smov.u32 s30;
	s30 =	sadd.s32 $0x40, s30  }
.Ltmp0:
0x33: {  	(pc) =	sbr.rel @p0 .LBB2_2-.Ltmp0, $4  }
0x34: {  	_ = 	snop  }
0x35: {  	s13 =	sand.u32 $0x7E00, s13  }
0x36: {  	s5 =	sand.u32 $0x70, s31;
	s13 =	sshrl.u32 s13, $0x2  }
0x37: {  	s13 =	sor.u32 s5, s13  }
0x38: {  	[tilespmem:s13+$0x8200] =	vst v0  }
0x39: {  	[spmem:s17] =	stream.linear.scatter [tilespmem:s19], [sflag:$0x3], $0x2000, $0x38;
	[tilespmem:$0x1E200] =	vst v63  }
0x3a: {  	_ =	swait.ge [sflag:s20], $0x2000  }
0x3b: {  	[sflag:s20] =	ssyncset.done $0x0  }
0x3c: {  	s5 =	rddreg [dreg:$0x1c];
	[sflag:s20] =	ssyncadd.s32 $0xFFFFE000  }
0x3d: {  	[spmem:s5] =	stream.linear.scatter [tilespmem:s19], [sflag:$0x3], $0x2000, $0x38;
	[tilespmem:$0x1E200] =	vst v63  }
0x3e: {  	_ =	swait.ge [sflag:s20], $0x2000  }
0x3f: {  	[sflag:s20] =	ssyncset.done $0x0  }
0x40: {  	s6 =	rddreg [dreg:$0x1d];
	[sflag:s20] =	ssyncadd.s32 $0xFFFFE000  }
0x41: {  	[spmem:s6] =	stream.linear.scatter [tilespmem:s19], [sflag:$0x3], $0x2000, $0x38;
	[tilespmem:$0x1E200] =	vst v63  }
0x42: {  	_ =	swait.ge [sflag:s20], $0x2000  }
0x43: {  	[sflag:s20] =	ssyncset.done $0x0  }
0x44: {  	[sflag:s20] =	ssyncadd.s32 $0xFFFFE000  }
0x45: {  	[spmem:s7] =	stream.linear.scatter [tilespmem:s19], [sflag:$0x3], $0x2000, $0x38;
	[tilespmem:$0x1E200] =	vst v63  }
0x46: {  	_ =	swait.ge [sflag:s20], $0x2000  }
0x47: {  	[sflag:s20] =	ssyncset.done $0x0  }
0x48: {  	[sflag:s20] =	ssyncadd.s32 $0xFFFFE000  }
0x49: {  	[spmem:s8] =	stream.linear.scatter [tilespmem:s19], [sflag:$0x3], $0x2000, $0x38;
	[tilespmem:$0x1E200] =	vst v63  }
0x4a: {  	_ =	swait.ge [sflag:s20], $0x2000  }
0x4b: {  	[sflag:s20] =	ssyncset.done $0x0  }
0x4c: {  	[sflag:s20] =	ssyncadd.s32 $0xFFFFE000  }
0x4d: {  	[spmem:s9] =	stream.linear.scatter [tilespmem:s19], [sflag:$0x3], $0x2000, $0x38;
	[tilespmem:$0x1E200] =	vst v63  }
0x4e: {  	_ =	swait.ge [sflag:s20], $0x2000  }
0x4f: {  	[sflag:s20] =	ssyncset.done $0x0  }
0x50: {  	[sflag:s20] =	ssyncadd.s32 $0xFFFFE000  }
0x51: {  	[spmem:s10] =	stream.linear.scatter [tilespmem:s19], [sflag:$0x3], $0x2000, $0x38;
	[tilespmem:$0x1E200] =	vst v63  }
0x52: {  	_ =	swait.ge [sflag:s20], $0x2000  }
0x53: {  	[sflag:s20] =	ssyncset.done $0x0  }
0x54: {  	[sflag:s20] =	ssyncadd.s32 $0xFFFFE000  }
0x55: {  	[spmem:s11] =	stream.linear.scatter [tilespmem:s19], [sflag:$0x3], $0x2000, $0x38;
	[tilespmem:$0x1E200] =	vst v63  }
0x56: {  	_ =	swait.ge [sflag:s20], $0x2000  }
0x57: {  	[sflag:s20] =	ssyncset.done $0x0  }
0x58: {  	[sflag:s20] =	ssyncadd.s32 $0xFFFFE000  }
0x59: {  	[spmem:s12] =	stream.linear.scatter [tilespmem:s19], [sflag:$0x3], $0x2000, $0x38;
	[tilespmem:$0x1E200] =	vst v63  }
0x5a: {  	_ =	swait.ge [sflag:s20], $0x2000  }
0x5b: {  	[sflag:s20] =	ssyncset.done $0x0  }
0x5c: {  	[sflag:s20] =	ssyncadd.s32 $0xFFFFE000  }
0x5d: {  	[spmem:s18] =	stream.linear.scatter [tilespmem:s19], [sflag:$0x3], $0x2000, $0x38;
	[tilespmem:$0x1E200] =	vst v63  }
0x5e: {  	_ =	swait.ge [sflag:s20], $0x2000  }
0x5f: {  	[sflag:s20] =	ssyncset.done $0x0  }
0x60: {  	[sflag:s20] =	ssyncadd.s32 $0xFFFFE000  }
0x61: {  	[bflag:$0x0] =	sbarrier.arrive $0xFFFF  }
0x62: {  	s5 =	simm.s32 $0x0;
	s6 =	rddreg [dreg:$0xe]  }
0x63: {  	[tilespmem:s5], [sflag:$0x3] =	stream.linear.gather [hbm4b:s6+s5], $0x80, $0x38;
	[tilespmem:$0x1E200] =	vst v63  }
0x64: {  	_ =	swait.ge [sflag:s20], $0x80  }
0x65: {  	[sflag:s20] =	ssyncset.done $0x0  }
0x66: {  	s13 =	rddreg [dreg:$0xf];
	[sflag:s20] =	ssyncadd.s32 $0xFFFFFF80  }
0x67: {  	[tilespmem:s21], [sflag:$0x3] =	stream.linear.gather [hbm4b:s13+s5], $0x80, $0x38;
	[tilespmem:$0x1E200] =	vst v63  }
0x68: {  	_ =	swait.ge [sflag:s20], $0x80  }
0x69: {  	[sflag:s20] =	ssyncset.done $0x0  }
0x6a: {  	[sflag:s20] =	ssyncadd.s32 $0xFFFFFF80  }
0x6b: {  	[tilespmem:s23], [sflag:$0x1] =	stream.indirect.gather [hbm4b:s15+s22], $0x80, s5, s22, $0xb8;
	[tilespmem:$0x1E200] =	vst v63  }
0x6c: {  	s13 =	rddreg [dreg:$0x10]  }
0x6d: {  	[tilespmem:s22], [sflag:$0x3] =	stream.linear.gather [hbm4b:s13+s5], $0x80, $0x38;
	[tilespmem:$0x1E200] =	vst v63  }
0x6e: {  	_ =	swait.ge [sflag:s20], $0x80  }
0x6f: {  	[sflag:s20] =	ssyncset.done $0x0  }
0x70: {  	s13 =	rddreg [dreg:$0x11];
	[sflag:s20] =	ssyncadd.s32 $0xFFFFFF80  }
0x71: {  	[tilespmem:s24], [sflag:$0x3] =	stream.linear.gather [hbm4b:s13+s5], $0x80, $0x38;
	[tilespmem:$0x1E200] =	vst v63  }
0x72: {  	_ =	swait.ge [sflag:s20], $0x80  }
0x73: {  	[sflag:s20] =	ssyncset.done $0x0  }
0x74: {  	[sflag:s20] =	ssyncadd.s32 $0xFFFFFF80  }
0x75: {  	[tilespmem:s25], [sflag:$0x2] =	stream.indirect.gather [hbm4b:s15+s22], $0x80, s22, s22, $0xb8;
	[tilespmem:$0x1E200] =	vst v63  }
0x76: {  	_ =	swait.ge [sflag:s26], $0x4000  }
0x77: {  	[sflag:s26] =	ssyncset.done $0x0  }
0x78: {  	[sflag:s26] =	ssyncadd.s32 $0xFFFFC000  }
0x79: {  	[spmem:s14] =	stream.indirect.scatter.add.f32 [tilespmem:s23], [sflag:$0x3], $0x80, s21, s22, $0xb8;
	[tilespmem:$0x1E200] =	vst v63  }
0x7a: {  	_ =	swait.ge [sflag:s20], $0x4000  }
0x7b: {  	s5 =	sshrl.u32 s4, $0x3;
	[sflag:s20] =	ssyncset.done $0x0  }
0x7c: {  	s6 =	sadd.s32 s16, s5;
	[sflag:s20] =	ssyncadd.s32 $0xFFFFC000  }
0x7d: {  	[tilespmem:s2], [sflag:$0x3] =	stream.linear.gather [hbm4b:s6+s2], $0x80, $0x38;
	[tilespmem:$0x1E200] =	vst v63  }
0x7e: {  	_ =	swait.ge [sflag:s20], $0x80  }
0x7f: {  	[sflag:s20] =	ssyncset.done $0x0  }
0x80: {  	s5 =	sadd.s32 s1, s5;
	[sflag:s20] =	ssyncadd.s32 $0xFFFFFF80  }
0x81: {  	[tilespmem:s21], [sflag:$0x3] =	stream.linear.gather [hbm4b:s5+s2], $0x80, $0x38;
	[tilespmem:$0x1E200] =	vst v63  }
0x82: {  	_ =	swait.ge [sflag:s20], $0x80  }
0x83: {  	[sflag:s20] =	ssyncset.done $0x0  }
0x84: {  	[sflag:s20] =	ssyncadd.s32 $0xFFFFFF80  }
0x85: {  	[tilespmem:s23], [sflag:$0x1] =	stream.indirect.gather [hbm4b:s15+s22], $0x80, s2, s22, $0xb8;
	[tilespmem:$0x1E200] =	vst v63  }
0x86: {  	_ =	swait.ge [sflag:s28], $0x4000  }
0x87: {  	[sflag:s28] =	ssyncset.done $0x0  }
0x88: {  	[sflag:s28] =	ssyncadd.s32 $0xFFFFC000  }
0x89: {  	[spmem:s14] =	stream.indirect.scatter.add.f32 [tilespmem:s25], [sflag:$0x3], $0x80, s24, s22, $0xb8;
	[tilespmem:$0x1E200] =	vst v63  }
0x8a: {  	_ =	swait.ge [sflag:s20], $0x4000  }
0x8b: {  	[sflag:s20] =	ssyncset.done $0x0  }
0x8c: {  	s6 =	sadd.s32 $0x0, s3;
	[sflag:s20] =	ssyncadd.s32 $0xFFFFC000  }
0x8d: {  	[tilespmem:s22], [sflag:$0x3] =	stream.linear.gather [hbm4b:s6+s2], $0x80, $0x38;
	[tilespmem:$0x1E200] =	vst v63  }
0x8e: {  	_ =	swait.ge [sflag:s20], $0x80  }
0x8f: {  	[sflag:s20] =	ssyncset.done $0x0  }
0x90: {  	s13 =	sadd.s32 $0x0, s0;
	[sflag:s20] =	ssyncadd.s32 $0xFFFFFF80  }
0x91: {  	[tilespmem:s24], [sflag:$0x3] =	stream.linear.gather [hbm4b:s13+s2], $0x80, $0x38;
	[tilespmem:$0x1E200] =	vst v63  }
0x92: {  	_ =	swait.ge [sflag:s20], $0x80  }
0x93: {  	[sflag:s20] =	ssyncset.done $0x0  }
0x94: {  	s30 =	simm.s32 $0x20;
	s31 =	sadd.s32 $0x100, s4;
	[sflag:s20] =	ssyncadd.s32 $0xFFFFFF80  }
.LBB2_4:
0x95: {  	[tilespmem:s25], [sflag:$0x2] =	stream.indirect.gather [hbm4b:s15+s22], $0x80, s22, s22, $0xb8;
	[tilespmem:$0x1E200] =	vst v63  }
0x96: {  	s5 =	smov.u32 s30  }
0x97: {  	p0 =	sne.s32 s30, $0x4E0;
	s30 =	sadd.s32 $0x20, s30;
	_ =	swait.ge [sflag:s26], $0x4000  }
0x98: {  	[sflag:s26] =	ssyncset.done $0x0  }
0x99: {  	[sflag:s26] =	ssyncadd.s32 $0xFFFFC000  }
0x9a: {  	[spmem:s14] =	stream.indirect.scatter.add.f32 [tilespmem:s23], [sflag:$0x3], $0x80, s21, s22, $0xb8;
	[tilespmem:$0x1E200] =	vst v63  }
0x9b: {  	_ =	swait.ge [sflag:s20], $0x4000  }
0x9c: {  	s13 =	sshrl.u32 s31, $0x3;
	[sflag:s20] =	ssyncset.done $0x0  }
0x9d: {  	s6 =	sadd.s32 s16, s13;
	[sflag:s20] =	ssyncadd.s32 $0xFFFFC000  }
0x9e: {  	[tilespmem:s2], [sflag:$0x3] =	stream.linear.gather [hbm4b:s6+s2], $0x80, $0x38;
	[tilespmem:$0x1E200] =	vst v63  }
0x9f: {  	_ =	swait.ge [sflag:s20], $0x80  }
0xa0: {  	[sflag:s20] =	ssyncset.done $0x0  }
0xa1: {  	s6 =	sadd.s32 s1, s13;
	[sflag:s20] =	ssyncadd.s32 $0xFFFFFF80  }
0xa2: {  	[tilespmem:s21], [sflag:$0x3] =	stream.linear.gather [hbm4b:s6+s2], $0x80, $0x38;
	[tilespmem:$0x1E200] =	vst v63  }
0xa3: {  	_ =	swait.ge [sflag:s20], $0x80  }
0xa4: {  	[sflag:s20] =	ssyncset.done $0x0  }
0xa5: {  	[sflag:s20] =	ssyncadd.s32 $0xFFFFFF80  }
0xa6: {  	[tilespmem:s23], [sflag:$0x1] =	stream.indirect.gather [hbm4b:s15+s22], $0x80, s2, s22, $0xb8;
	[tilespmem:$0x1E200] =	vst v63  }
0xa7: {  	_ =	swait.ge [sflag:s28], $0x4000  }
0xa8: {  	[sflag:s28] =	ssyncset.done $0x0  }
0xa9: {  	[sflag:s28] =	ssyncadd.s32 $0xFFFFC000  }
0xaa: {  	[spmem:s14] =	stream.indirect.scatter.add.f32 [tilespmem:s25], [sflag:$0x3], $0x80, s24, s22, $0xb8;
	[tilespmem:$0x1E200] =	vst v63  }
0xab: {  	_ =	swait.ge [sflag:s20], $0x4000  }
0xac: {  	[sflag:s20] =	ssyncset.done $0x0  }
0xad: {  	s6 =	sadd.s32 s5, s3;
	[sflag:s20] =	ssyncadd.s32 $0xFFFFC000  }
0xae: {  	[tilespmem:s22], [sflag:$0x3] =	stream.linear.gather [hbm4b:s6+s2], $0x80, $0x38;
	[tilespmem:$0x1E200] =	vst v63  }
0xaf: {  	_ =	swait.ge [sflag:s20], $0x80  }
0xb0: {  	[sflag:s20] =	ssyncset.done $0x0  }
.Ltmp1:
0xb1: {  	s5 =	sadd.s32 s5, s0;
	[sflag:s20] =	ssyncadd.s32 $0xFFFFFF80;
	(pc) =	sbr.rel @p0 .LBB2_4-.Ltmp1, $4  }
0xb2: {  	[tilespmem:s24], [sflag:$0x3] =	stream.linear.gather [hbm4b:s5+s2], $0x80, $0x38;
	[tilespmem:$0x1E200] =	vst v63  }
0xb3: {  	_ =	swait.ge [sflag:s20], $0x80  }
0xb4: {  	[sflag:s20] =	ssyncset.done $0x0  }
0xb5: {  	s31 =	sadd.s32 $0x100, s31;
	[sflag:s20] =	ssyncadd.s32 $0xFFFFFF80  }
0xb6: {  	[tilespmem:s25], [sflag:$0x2] =	stream.indirect.gather [hbm4b:s15+s22], $0x80, s22, s22, $0xb8;
	[tilespmem:$0x1E200] =	vst v63  }
0xb7: {  	_ =	swait.ge [sflag:s26], $0x4000  }
0xb8: {  	[sflag:s26] =	ssyncset.done $0x0  }
0xb9: {  	[sflag:s26] =	ssyncadd.s32 $0xFFFFC000  }
0xba: {  	[spmem:s14] =	stream.indirect.scatter.add.f32 [tilespmem:s23], [sflag:$0x3], $0x80, s21, s22, $0xb8;
	[tilespmem:$0x1E200] =	vst v63  }
0xbb: {  	_ =	swait.ge [sflag:s20], $0x4000  }
0xbc: {  	[sflag:s20] =	ssyncset.done $0x0  }
0xbd: {  	[sflag:s20] =	ssyncadd.s32 $0xFFFFC000  }
0xbe: {  	_ =	swait.ge [sflag:s28], $0x4000  }
0xbf: {  	[sflag:s28] =	ssyncset.done $0x0  }
0xc0: {  	[sflag:s28] =	ssyncadd.s32 $0xFFFFC000  }
0xc1: {  	[spmem:s14] =	stream.indirect.scatter.add.f32 [tilespmem:s25], [sflag:$0x3], $0x80, s24, s22, $0xb8;
	[tilespmem:$0x1E200] =	vst v63  }
0xc2: {  	_ =	swait.ge [sflag:s20], $0x4000  }
0xc3: {  	[sflag:s20] =	ssyncset.done $0x0  }
0xc4: {  	[sflag:s20] =	ssyncadd.s32 $0xFFFFC000  }
0xc5: {  	[bflag:$0x0] =	sbarrier.arrive $0xFFFF  }
0xc6: {  	[tilespmem:s19], [sflag:$0x3] =	stream.linear.gather [spmem:s17], $0x2000, $0x38;
	[tilespmem:$0x1E200] =	vst v63  }
0xc7: {  	_ =	swait.ge [sflag:s20], $0x2000  }
0xc8: {  	[sflag:s20] =	ssyncset.done $0x0  }
0xc9: {  	s5 =	rddreg [dreg:$0x4];
	[sflag:s20] =	ssyncadd.s32 $0xFFFFE000  }
0xca: {  	[hbm4b:s5+s2] =	stream.linear.scatter [tilespmem:s19], [sflag:$0x3], $0x2000, $0x38;
	[tilespmem:$0x1E200] =	vst v63  }
0xcb: {  	_ =	swait.ge [sflag:s20], $0x2000  }
0xcc: {  	[sflag:s20] =	ssyncset.done $0x0  }
0xcd: {  	s13 =	rddreg [dreg:$0x13];
	[sflag:s20] =	ssyncadd.s32 $0xFFFFE000  }
0xce: {  	[tilespmem:s19], [sflag:$0x3] =	stream.linear.gather [spmem:s13], $0x2000, $0x38;
	[tilespmem:$0x1E200] =	vst v63  }
0xcf: {  	_ =	swait.ge [sflag:s20], $0x2000  }
0xd0: {  	[sflag:s20] =	ssyncset.done $0x0  }
0xd1: {  	s30 =	rddreg [dreg:$0x5];
	[sflag:s20] =	ssyncadd.s32 $0xFFFFE000  }
0xd2: {  	[hbm4b:s30+s2] =	stream.linear.scatter [tilespmem:s19], [sflag:$0x3], $0x2000, $0x38;
	[tilespmem:$0x1E200] =	vst v63  }
0xd3: {  	_ =	swait.ge [sflag:s20], $0x2000  }
0xd4: {  	[sflag:s20] =	ssyncset.done $0x0  }
0xd5: {  	s31 =	rddreg [dreg:$0x14];
	[sflag:s20] =	ssyncadd.s32 $0xFFFFE000  }
0xd6: {  	[tilespmem:s19], [sflag:$0x3] =	stream.linear.gather [spmem:s31], $0x2000, $0x38;
	[tilespmem:$0x1E200] =	vst v63  }
0xd7: {  	_ =	swait.ge [sflag:s20], $0x2000  }
0xd8: {  	[sflag:s20] =	ssyncset.done $0x0  }
0xd9: {  	s6 =	rddreg [dreg:$0x6];
	[sflag:s20] =	ssyncadd.s32 $0xFFFFE000  }
0xda: {  	[hbm4b:s6+s2] =	stream.linear.scatter [tilespmem:s19], [sflag:$0x3], $0x2000, $0x38;
	[tilespmem:$0x1E200] =	vst v63  }
0xdb: {  	_ =	swait.ge [sflag:s20], $0x2000  }
0xdc: {  	[sflag:s20] =	ssyncset.done $0x0  }
0xdd: {  	s13 =	rddreg [dreg:$0x15];
	[sflag:s20] =	ssyncadd.s32 $0xFFFFE000  }
0xde: {  	[tilespmem:s19], [sflag:$0x3] =	stream.linear.gather [spmem:s13], $0x2000, $0x38;
	[tilespmem:$0x1E200] =	vst v63  }
0xdf: {  	_ =	swait.ge [sflag:s20], $0x2000  }
0xe0: {  	[sflag:s20] =	ssyncset.done $0x0  }
0xe1: {  	s30 =	rddreg [dreg:$0x7];
	[sflag:s20] =	ssyncadd.s32 $0xFFFFE000  }
0xe2: {  	[hbm4b:s30+s2] =	stream.linear.scatter [tilespmem:s19], [sflag:$0x3], $0x2000, $0x38;
	[tilespmem:$0x1E200] =	vst v63  }
0xe3: {  	_ =	swait.ge [sflag:s20], $0x2000  }
0xe4: {  	[sflag:s20] =	ssyncset.done $0x0  }
0xe5: {  	s31 =	rddreg [dreg:$0x16];
	[sflag:s20] =	ssyncadd.s32 $0xFFFFE000  }
0xe6: {  	[tilespmem:s19], [sflag:$0x3] =	stream.linear.gather [spmem:s31], $0x2000, $0x38;
	[tilespmem:$0x1E200] =	vst v63  }
0xe7: {  	_ =	swait.ge [sflag:s20], $0x2000  }
0xe8: {  	[sflag:s20] =	ssyncset.done $0x0  }
0xe9: {  	s6 =	rddreg [dreg:$0x8];
	[sflag:s20] =	ssyncadd.s32 $0xFFFFE000  }
0xea: {  	[hbm4b:s6+s2] =	stream.linear.scatter [tilespmem:s19], [sflag:$0x3], $0x2000, $0x38;
	[tilespmem:$0x1E200] =	vst v63  }
0xeb: {  	_ =	swait.ge [sflag:s20], $0x2000  }
0xec: {  	[sflag:s20] =	ssyncset.done $0x0  }
0xed: {  	s13 =	rddreg [dreg:$0x17];
	[sflag:s20] =	ssyncadd.s32 $0xFFFFE000  }
0xee: {  	[tilespmem:s19], [sflag:$0x3] =	stream.linear.gather [spmem:s13], $0x2000, $0x38;
	[tilespmem:$0x1E200] =	vst v63  }
0xef: {  	_ =	swait.ge [sflag:s20], $0x2000  }
0xf0: {  	[sflag:s20] =	ssyncset.done $0x0  }
0xf1: {  	s30 =	rddreg [dreg:$0x9];
	[sflag:s20] =	ssyncadd.s32 $0xFFFFE000  }
0xf2: {  	[hbm4b:s30+s2] =	stream.linear.scatter [tilespmem:s19], [sflag:$0x3], $0x2000, $0x38;
	[tilespmem:$0x1E200] =	vst v63  }
0xf3: {  	_ =	swait.ge [sflag:s20], $0x2000  }
0xf4: {  	[sflag:s20] =	ssyncset.done $0x0  }
0xf5: {  	s31 =	rddreg [dreg:$0x18];
	[sflag:s20] =	ssyncadd.s32 $0xFFFFE000  }
0xf6: {  	[tilespmem:s19], [sflag:$0x3] =	stream.linear.gather [spmem:s31], $0x2000, $0x38;
	[tilespmem:$0x1E200] =	vst v63  }
0xf7: {  	_ =	swait.ge [sflag:s20], $0x2000  }
0xf8: {  	[sflag:s20] =	ssyncset.done $0x0  }
0xf9: {  	s6 =	rddreg [dreg:$0xa];
	[sflag:s20] =	ssyncadd.s32 $0xFFFFE000  }
0xfa: {  	[hbm4b:s6+s2] =	stream.linear.scatter [tilespmem:s19], [sflag:$0x3], $0x2000, $0x38;
	[tilespmem:$0x1E200] =	vst v63  }
0xfb: {  	_ =	swait.ge [sflag:s20], $0x2000  }
0xfc: {  	[sflag:s20] =	ssyncset.done $0x0  }
0xfd: {  	s13 =	rddreg [dreg:$0x19];
	[sflag:s20] =	ssyncadd.s32 $0xFFFFE000  }
0xfe: {  	[tilespmem:s19], [sflag:$0x3] =	stream.linear.gather [spmem:s13], $0x2000, $0x38;
	[tilespmem:$0x1E200] =	vst v63  }
0xff: {  	_ =	swait.ge [sflag:s20], $0x2000  }
0x100: {  	[sflag:s20] =	ssyncset.done $0x0  }
0x101: {  	s30 =	rddreg [dreg:$0xb];
	[sflag:s20] =	ssyncadd.s32 $0xFFFFE000  }
0x102: {  	[hbm4b:s30+s2] =	stream.linear.scatter [tilespmem:s19], [sflag:$0x3], $0x2000, $0x38;
	[tilespmem:$0x1E200] =	vst v63  }
0x103: {  	_ =	swait.ge [sflag:s20], $0x2000  }
0x104: {  	[sflag:s20] =	ssyncset.done $0x0  }
0x105: {  	s31 =	rddreg [dreg:$0x1a];
	[sflag:s20] =	ssyncadd.s32 $0xFFFFE000  }
0x106: {  	[tilespmem:s19], [sflag:$0x3] =	stream.linear.gather [spmem:s31], $0x2000, $0x38;
	[tilespmem:$0x1E200] =	vst v63  }
0x107: {  	_ =	swait.ge [sflag:s20], $0x2000  }
0x108: {  	[sflag:s20] =	ssyncset.done $0x0  }
0x109: {  	s6 =	rddreg [dreg:$0xc];
	[sflag:s20] =	ssyncadd.s32 $0xFFFFE000  }
0x10a: {  	[hbm4b:s6+s2] =	stream.linear.scatter [tilespmem:s19], [sflag:$0x3], $0x2000, $0x38;
	[tilespmem:$0x1E200] =	vst v63  }
0x10b: {  	_ =	swait.ge [sflag:s20], $0x2000  }
0x10c: {  	[sflag:s20] =	ssyncset.done $0x0  }
0x10d: {  	s13 =	rddreg [dreg:$0x1b];
	[sflag:s20] =	ssyncadd.s32 $0xFFFFE000  }
0x10e: {  	[tilespmem:s19], [sflag:$0x3] =	stream.linear.gather [spmem:s13], $0x2000, $0x38;
	[tilespmem:$0x1E200] =	vst v63  }
0x10f: {  	_ =	swait.ge [sflag:s20], $0x2000  }
0x110: {  	[sflag:s20] =	ssyncset.done $0x0  }
0x111: {  	s30 =	rddreg [dreg:$0xd];
	[sflag:s20] =	ssyncadd.s32 $0xFFFFE000  }
0x112: {  	[hbm4b:s30+s2] =	stream.linear.scatter [tilespmem:s19], [sflag:$0x3], $0x2000, $0x38;
	[tilespmem:$0x1E200] =	vst v63  }
0x113: {  	_ =	swait.ge [sflag:s20], $0x2000  }
0x114: {  	s29 =	sadd.s32 $0x1, s29;
	s31 =	rddreg [dreg:$0x12]  }
0x115: {  	p0 =	sne.s32 s29, s31  }
.Ltmp2:
0x116: {  	_ = 	snop;
	(pc) =	sbr.rel @p0 .LBB2_1-.Ltmp2, $3  }
0x117: {  	_ =	sdelay $0x1  }
0x118: {  	[sflag:s20] =	ssyncset.done $0x0  }
0x119: {  	[sflag:s20] =	ssyncadd.s32 $0xFFFFE000  }
0x11a: {  	_ =	sfence.sel $0x180000  }
0x11b: {  	[bflag:$0x0] =	sbarrier.arrive $0xFFFF  }
0x11c: {  	_ =	strace $0x9000004D  }
0x11d: {  	s0 =	stileid.u32;
	[bflag:$0x2] =	sbarrier.arrive $0xFFFF  }
0x11e: {  	p0 =	sne.s32 s0, $0x0;
	s0 =	rddreg [dreg:$0x3]  }
0x11f: {  	s0 =	sadd.s32 @!p0 $0x100000, s0  }
0x120: {  	[sflag:s0] =	ssyncadd.tile.s32 @!p0 $0x1;
	_ =	shalt  }
.Lfunc_end2:
_tile_overlayer_lowered:
.L_overlay_start_2:
0x121: {  	(tag) =	ssettag $0x2  }
0x122: {  	s0 =	rddreg [dreg:$0x0];
	s2 =	stileid.u32  }
0x123: {  	s1 =	rddreg [dreg:$0x1];
	p0 =	sne.s32 s2, $0x0  }
0x124: {  	s3 =	rddreg [dreg:$0x2];
	[bflag:$0x3] =	sbarrier.arrive $0xFFFF;
	s2 =	simm.s32 @!p0 $0x1C03  }
0x125: {  	[timem:s3], [sflag:s2] =	dma.local @!p0 [hbm:s0], s1  }
0x126: {  	s0 =	simm.s32 @!p0 $0x3  }
0x127: {  	_ =	swait.ge @!p0 [sflag:s0], s1  }
0x128: {  	s1 =	ssub.s32 @!p0 $0x0, s1;
	[sflag:s0] =	ssyncset.done @!p0 $0x0  }
0x129: {  	[sflag:s0] =	ssyncadd.s32 @!p0 s1  }
0x12a: {  	[bflag:$0x3] =	sbarrier.arrive $0xFFFF  }
0x12b: {  	_ =	shalt  }

// kernel: kernel.19.cloned.1.call-start
scs
__scs_entry_jumppad:
0x0: {  	(pc) =	sbr.rel $0x88, $3  }
0x1: {  	(tag) =	ssettag $0x0;
	lr =	simm.s32 $0x1  }
0x2: {  	[smem:$0x3F95] =	sst lr;
	_ =	strace $0xD0000000  }
0x3: {  	_ = 	snop  }
0x4: {  	_ = 	snop  }
0x5: {  	_ = 	snop  }
0x6: {  	_ = 	snop  }
0x7: {  	_ = 	snop  }
__scs_overlays_trampoline_lowered:
0x8: {  	[smem:$0x3FA4] =	sst s0  }
0x9: {  	[smem:$0x3FA5] =	sst s1  }
0xa: {  	[smem:$0x3FA6] =	sst s2  }
0xb: {  	[smem:$0x3FA7] =	sst s3  }
0xc: {  	[smem:$0x3FA8] =	sst s4  }
0xd: {  	[smem:$0x3FA9] =	sst s5  }
0xe: {  	[smem:$0x3FAA] =	sst s6  }
0xf: {  	[smem:$0x3FAB] =	sst s7  }
0x10: {  	[smem:$0x3FAC] =	sst s8  }
0x11: {  	[smem:$0x3FAD] =	sst s9;
	s0 =	simm.s32 @!p0 $0x0  }
0x12: {  	s1 =	sld [smem:$0x3F93];
	s0 =	simm.s32 @p0 $0x1  }
0x13: {  	[smem:$0x3FAE] =	sst s0;
	s0 =	simm.s32 @!p1 $0x0  }
0x14: {  	s2 =	sld [smem:$0x3F92];
	s0 =	simm.s32 @p1 $0x1  }
0x15: {  	[smem:$0x3FAF] =	sst s0;
	s0 =	simm.s32 @!p2 $0x0  }
0x16: {  	s3 =	sld [smem:$0x3FDB];
	s0 =	simm.s32 @p2 $0x1  }
0x17: {  	s4 =	simm.s32 $0x1BF5;
	[smem:$0x3FB1] =	sst s0  }
0x18: {  	s0 =	sld [smem:$0x3F94];
	_ =	swait.ge [sflag:s4], $0x0  }
0x19: {  	s7 =	sld [smem:$0x3F95]  }
0x1a: {  	s8 =	sadd.s32 $0xFFFFE003, lr  }
0x1b: {  	s9 =	sadd.s32 $0xFFFFFEF7, lr;
	s5 =	simm.s32 $0xFFFFFFFF;
	p2 =	slt.u32 s8, $0xFFFFF086  }
0x1c: {  	p1 =	slt.u32 s9, $0xF7A;
	s5 =	simm.s32 @!p2 $0x0  }
0x1d: {  	s5 =	simm.s32 @p1 $0x1;
	p0 =	seq.s32 s7, s2  }
0x1e: {  	s7 =	smul.u32 @!p0 $0xF7A, s2;
	p2 =	seq.s32 @!p0 s5, $0x0  }
0x1f: {  	s9 =	smul.u32 $0xF7A, s1;
	s8 =	simm.s32 @!p0 $0x1BF5;
	p2 =	por !p2, p0  }
0x20: {  	[sflag:s8] =	ssyncset.s32 @!p0 $0xFFFFF086;
	s6 =	sadd.s32 @!p0 s3, s7;
	s7 =	simm.s32 @!p0 $0x108  }
0x21: {  	s3 =	sadd.s32 s3, s9;
	s6 =	sadd.s32 @!p0 $0x88, s6;
	s7 =	simm.s32 @p2 $0x1082  }
0x22: {  	[simem:s7], [sflag:s8] =	dma.local @!p0 [hbm:s6], $0xF7A  }
0x23: {  	s9 =	sor.u32 $0xD0000000, s2;
	s6 =	simm.s32 $0x108;
	_ =	swait.ge @!p0 [sflag:s8], $0x0  }
0x24: {  	s3 =	sadd.s32 $0x88, s3;
	s6 =	simm.s32 @!p1 $0x1082;
	[sflag:s4] =	ssyncset.s32 $0xFFFFF086  }
0x25: {  	[simem:s6], [sflag:s4] =	dma.local [hbm:s3], $0xF7A  }
0x26: {  	[smem:$0x3F95] =	sst s1;
	(tag) =	ssettag s2;
	_ =	strace s9  }
0x27: {  	s1 =	sld [smem:$0x3FA5]  }
0x28: {  	s2 =	sld [smem:$0x3FA6]  }
0x29: {  	s4 =	sld [smem:$0x3FA8]  }
0x2a: {  	p0 =	seq.s32 s5, $0x0;
	s5 =	sld [smem:$0x3FA9]  }
0x2b: {  	s6 =	sld [smem:$0x3FAA]  }
0x2c: {  	s7 =	sld [smem:$0x3FAB]  }
0x2d: {  	s3 =	simm.s32 $0x108;
	s8 =	sld [smem:$0x3FAC]  }
0x2e: {  	s3 =	simm.s32 @!p0 $0x1082;
	s9 =	sld [smem:$0x3FAD]  }
0x2f: {  	lr =	sadd.s32 s0, s3;
	s0 =	sld [smem:$0x3FA4]  }
0x30: {  	s3 =	sld [smem:$0x3FA7]  }
0x31: {  	[smem:$0x3FB0] =	sst s10  }
0x32: {  	s10 =	sld [smem:$0x3FAE];
	_ =	sdelay $0x3  }
0x33: {  	p0 =	seq.s32 s10, $0x1;
	s10 =	sld [smem:$0x3FB0];
	_ =	sdelay $0x3  }
0x34: {  	[smem:$0x3FB0] =	sst s10  }
0x35: {  	s10 =	sld [smem:$0x3FAF];
	_ =	sdelay $0x3  }
0x36: {  	p1 =	seq.s32 s10, $0x1;
	s10 =	sld [smem:$0x3FB0];
	_ =	sdelay $0x3  }
0x37: {  	[smem:$0x3FB0] =	sst s10  }
0x38: {  	s10 =	sld [smem:$0x3FB1]  }
0x39: {  	_ = 	snop;
	(pc) =	sbr.ind lr, $3  }
0x3a: {  	_ = 	snop  }
0x3b: {  	_ = 	snop  }
0x3c: {  	p2 =	seq.s32 s10, $0x1;
	s10 =	sld [smem:$0x3FB0]  }
0x3d: {  	_ =	shalt  }
0x3e: {  	_ =	shalt  }
0x3f: {  	_ =	shalt  }
0x40: {  	_ =	shalt  }
0x41: {  	_ =	shalt  }
0x42: {  	_ =	shalt  }
0x43: {  	_ =	shalt  }
0x44: {  	_ =	shalt  }
0x45: {  	_ =	shalt  }
0x46: {  	_ =	shalt  }
0x47: {  	_ =	shalt  }
0x48: {  	_ =	shalt  }
0x49: {  	_ =	shalt  }
0x4a: {  	_ =	shalt  }
0x4b: {  	_ =	shalt  }
0x4c: {  	_ =	shalt  }
0x4d: {  	_ =	shalt  }
0x4e: {  	_ =	shalt  }
0x4f: {  	_ =	shalt  }
0x50: {  	_ =	shalt  }
0x51: {  	_ =	shalt  }
0x52: {  	_ =	shalt  }
0x53: {  	_ =	shalt  }
0x54: {  	_ =	shalt  }
0x55: {  	_ =	shalt  }
0x56: {  	_ =	shalt  }
0x57: {  	_ =	shalt  }
0x58: {  	_ =	shalt  }
0x59: {  	_ =	shalt  }
0x5a: {  	_ =	shalt  }
0x5b: {  	_ =	shalt  }
0x5c: {  	_ =	shalt  }
0x5d: {  	_ =	shalt  }
0x5e: {  	_ =	shalt  }
0x5f: {  	_ =	shalt  }
0x60: {  	_ =	shalt  }
0x61: {  	_ =	shalt  }
0x62: {  	_ =	shalt  }
0x63: {  	_ =	shalt  }
0x64: {  	_ =	shalt  }
0x65: {  	_ =	shalt  }
0x66: {  	_ =	shalt  }
0x67: {  	_ =	shalt  }
0x68: {  	_ =	shalt  }
0x69: {  	_ =	shalt  }
0x6a: {  	_ =	shalt  }
0x6b: {  	_ =	shalt  }
0x6c: {  	_ =	shalt  }
0x6d: {  	_ =	shalt  }
0x6e: {  	_ =	shalt  }
0x6f: {  	_ =	shalt  }
0x70: {  	_ =	shalt  }
0x71: {  	_ =	shalt  }
0x72: {  	_ =	shalt  }
0x73: {  	_ =	shalt  }
0x74: {  	_ =	shalt  }
0x75: {  	_ =	shalt  }
0x76: {  	_ =	shalt  }
0x77: {  	_ =	shalt  }
0x78: {  	_ =	shalt  }
0x79: {  	_ =	shalt  }
0x7a: {  	_ =	shalt  }
0x7b: {  	_ =	shalt  }
0x7c: {  	_ =	shalt  }
0x7d: {  	_ =	shalt  }
0x7e: {  	_ =	shalt  }
0x7f: {  	_ =	shalt  }
0x80: {  	_ =	shalt  }
0x81: {  	_ =	shalt  }
0x82: {  	_ =	shalt  }
0x83: {  	_ =	shalt  }
0x84: {  	_ =	shalt  }
0x85: {  	_ =	shalt  }
0x86: {  	_ =	shalt  }
0x87: {  	_ =	shalt  }
.Lfunc_end0:
.L_simem_size_0:
called_computation.3_lowered:
.L_overlay_start_0:
0x88: {  	s2 =	sld [smem:$0x3FD9]  }
0x89: {  	s3 =	sld [smem:$0x3FFE];
	_ =	sdelay $0x1  }
0x8a: {  	s1 =	srdreg.scid  }
0x8b: {  	s0 =	sand.u32 $0x1, s1  }
0x8c: {  	s17 =	sshll.u32 s0, $0xA;
	s2 =	sadd.s32 s3, s2  }
0x8d: {  	s2 =	sadd.s32 s2, s17  }
0x8e: {  	[smem:$0x3FBC] =	sst s2  }
0x8f: {  	_ = 	snop  }
0x90: {  	s2 =	sld [smem:$0x3FD0];
	(tm) =	ssettm $0x1  }
0x91: {  	s18 =	sld [smem:$0x3FFB];
	_ =	sdelay $0x3  }
0x92: {  	_ =	strace s18  }
0x93: {  	s3 =	sld [smem:$0x3FFC];
	_ =	sdelay $0x3  }
0x94: {  	_ =	strace s3  }
0x95: {  	s3 =	sld [smem:$0x3FFD];
	_ =	sdelay $0x3  }
0x96: {  	_ =	strace s3  }
0x97: {  	_ =	strace $0x8FFFFFFF  }
0x98: {  	s19 =	sld [smem:$0x3FDB];
	_ =	sdelay $0x1  }
0x99: {  	s4 =	simm.s32 $_scs_section_size  }
0x9a: {  	s5 =	simm.s32 $_size__tile_overlayer_lowered;
	s6 =	simm.s32 $_tile_overlayer_lowered  }
0x9b: {  	s22 =	simm.s32 $0x1BFF;
	s21 =	sshll.u32 s6, $0x1;
	s3 =	sadd.s32 s4, s19  }
0x9c: {  	s7 =	simm.s32 $0x0;
	s20 =	sshll.u32 s5, $0x1;
	s5 =	sadd.s32 s21, s3  }
0x9d: {  	[timem:s7], [sflag:s22] =	dma.local [hbm:s5], s20  }
0x9e: {  	_ =	swait.ge [sflag:s22], s20  }
0x9f: {  	s4 =	ssub.s32 $0x0, s20;
	[sflag:s22] =	ssyncset.done $0x0  }
0xa0: {  	[sflag:s22] =	ssyncadd.s32 s4;
	_ =	sdelay $0x1  }
0xa1: {  	s23 =	simm.s32 $0x1B8B  }
0xa2: {  	_ =	swait.ge [sflag:s23], $0x1  }
0xa3: {  	[sflag:s23] =	ssyncset.done $0x0  }
0xa4: {  	s25 =	simm.s32 $0x1B8E;
	s24 =	sld [smem:$0x3FFE];
	[sflag:s23] =	ssyncadd.s32 $0xFFFFFFFF  }
0xa5: {  	s26 =	simm.s32 $execute0_lowered;
	[smem:$0x3FD2] =	sst s25  }
0xa6: {  	s5 =	sshll.u32 s26, $0x1;
	_ =	strace $0x8000004F;
	[dreg:$0x1] =	wrdreg $0xFFFFFFFF  }
0xa7: {  	s28 =	simm.s32 $_size_execute0_lowered;
	s3 =	sadd.s32 s3, s5;
	[dreg:$0x0] =	wrdreg $0x0  }
0xa8: {  	s5 =	sshll.u32 s28, $0x1;
	[dreg:$0x2] =	wrdreg s3  }
0xa9: {  	[dreg:$0x3] =	wrdreg s5  }
0xaa: {  	[dreg:$0x4] =	wrdreg $0xC0  }
0xab: {  	_ =	task [dreg:s7], $0x5FFFF  }
0xac: {  	[dreg:$0x1] =	wrdreg $0xFFFFFFFF  }
0xad: {  	[dreg:$0x0] =	wrdreg $0x60  }
0xae: {  	[dreg:$0x2] =	wrdreg s24  }
0xaf: {  	[dreg:$0x3] =	wrdreg s2  }
0xb0: {  	[dreg:$0x4] =	wrdreg $0xA2000  }
0xb1: {  	[dreg:$0x5] =	wrdreg $0x9  }
0xb2: {  	_ =	task.clear_ibuf [dreg:s7], $0x6FFFF;
	_ =	strace $0x9000004F  }
0xb3: {  	s29 =	simm.s32 $0x9;
	_ =	strace $0x80000051  }
0xb4: {  	_ =	swait.ge [sflag:s29], $0x1  }
0xb5: {  	[sflag:s29] =	ssyncadd.s32 $0xFFFFFFFF  }
0xb6: {  	_ =	strace $0x90000051  }
0xb7: {  	_ =	sfence  }
0xb8: {  	s30 =	sld [smem:$0x0];
	_ =	sdelay $0x2  }
0xb9: {  	s31 =	sshll.u32 s1, $0xD;
	s1 =	sshrl.u32 s1, $0x2  }
0xba: {  	s3 =	sand.u32 $0x4000, s31;
	s1 =	sadd.s32 s1, s30  }
0xbb: {  	s0 =	sor.u32 s3, s0;
	s1 =	sshll.u32 s1, $0x11  }
0xbc: {  	s0 =	sor.u32 s1, s0  }
0xbd: {  	s0 =	sadd.s32 $0x8F2B, s0  }
0xbe: {  	[sflag:s0] =	ssyncadd.remote.s32 $0x1  }
0xbf: {  	_ =	sfence.sel $0xFFFF  }
0xc0: {  	[dreg:$0x0] =	wrdreg $0xFFFFFFFF;
	(pc) =	sbr.abs _section_cstart, $3  }
0xc1: {  	[dreg:$0x1] =	wrdreg $0xFFFFFFFF  }
0xc2: {  	_ =	task.clear_ibuf [dreg:s7], $0x2FFFF;
	_ =	strace $0x9FFFFFFF  }
0xc3: {  	(tm) =	ssettm $0x7FFFFFFF  }
tec
execute0_lowered:
.L_overlay_start_1:
0x0: {  	(tag) =	ssettag $0x1  }
0x1: {  	s0 =	srdreg.scid;
	s16 =	stileid.u32  }
0x2: {  	s4 =	rddreg [dreg:$0x0];
	s0 =	sand.u32 $0x1, s0;
	s5 =	smul.u32 $0x14000, s16  }
0x3: {  	s1 =	rddreg [dreg:$0x1];
	s3 =	smul.u32 $0x140000, s0  }
0x4: {  	s2 =	simm.s32 $0x0;
	s8 =	sadd.s32 $0x36000, s4;
	s6 =	ssub.s32 $0x2, s0  }
0x5: {  	[smem:$0x7FF] =	sst s2;
	s9 =	sshrl.u32 s6, $0x1;
	s7 =	sadd.s32 s3, s5  }
0x6: {  	s10 =	sadd.s32 $0x4000, s5;
	s11 =	sadd.s32 $0x6000, s5;
	s7 =	sshrl.u32 s7, $0x3  }
0x7: {  	s18 =	sadd.s32 $0xC000, s5;
	s19 =	sadd.s32 $0x10000, s5;
	s7 =	sadd.s32 s8, s7  }
0x8: {  	s6 =	ssub.s32 s6, s9;
	[dreg:$0x4] =	wrdreg s7;
	s7 =	sor.u32 $0x2000, s5  }
0x9: {  	s12 =	sadd.s32 s3, s10;
	s13 =	sadd.s32 s3, s11;
	s22 =	sadd.s32 s3, s7  }
0xa: {  	s15 =	sadd.s32 s3, s18;
	s20 =	sadd.s32 s3, s19;
	s9 =	sshrl.u32 s22, $0x3  }
0xb: {  	s23 =	sshrl.u32 s12, $0x3;
	s24 =	sshrl.u32 s13, $0x3;
	s9 =	sadd.s32 s8, s9  }
0xc: {  	s13 =	sadd.s32 $0xA000, s5;
	[dreg:$0x5] =	wrdreg s9;
	s9 =	sadd.s32 s8, s23  }
0xd: {  	s31 =	sshrl.u32 s15, $0x3;
	[dreg:$0x6] =	wrdreg s9;
	s9 =	sadd.s32 $0x8000, s5  }
0xe: {  	s25 =	sadd.s32 s8, s24;
	s14 =	sadd.s32 s3, s13;
	s26 =	sadd.s32 s3, s9  }
0xf: {  	s15 =	sadd.s32 s8, s31;
	[dreg:$0x7] =	wrdreg s25;
	s12 =	sshrl.u32 s26, $0x3  }
0x10: {  	s30 =	sshrl.u32 s14, $0x3;
	[dreg:$0xa] =	wrdreg s15;
	s12 =	sadd.s32 s8, s12  }
0x11: {  	s21 =	sshrl.u32 s20, $0x3;
	[dreg:$0x8] =	wrdreg s12;
	s12 =	sadd.s32 s8, s30  }
0x12: {  	s24 =	smul.u32 $0x50000, s16;
	[dreg:$0x9] =	wrdreg s12;
	s12 =	sadd.s32 $0xE000, s5  }
0x13: {  	s22 =	smul.u32 $0x29000, s0;
	s5 =	sadd.s32 $0x12000, s5;
	s17 =	sadd.s32 s3, s12  }
0x14: {  	s0 =	sshll.u32 s0, $0x4;
	s3 =	sadd.s32 s3, s5;
	s14 =	sshrl.u32 s17, $0x3  }
0x15: {  	s0 =	sor.u32 s16, s0;
	s3 =	sshrl.u32 s3, $0x3;
	s14 =	sadd.s32 s8, s14  }
0x16: {  	s0 =	smul.u32 $0x2900, s0;
	s3 =	sadd.s32 s8, s3;
	[dreg:$0xb] =	wrdreg s14  }
0x17: {  	s23 =	smul.u32 $0x2900, s16;
	s14 =	sadd.s32 s8, s21;
	[dreg:$0xd] =	wrdreg s3  }
0x18: {  	s16 =	sadd.s32 $0x3C00, s4;
	s0 =	sshrl.u32 s0, $0x3;
	[dreg:$0xc] =	wrdreg s14  }
0x19: {  	s26 =	sadd.s32 s16, s0;
	s30 =	sadd.s32 s1, s0;
	s14 =	rddreg [dreg:$0x2]  }
0x1a: {  	s0 =	sor.u32 $0x10, s0;
	_ =	strace $0x80000050;
	[dreg:$0xe] =	wrdreg s26  }
0x1b: {  	s31 =	sadd.s32 s16, s0;
	[dreg:$0xf] =	wrdreg s30  }
0x1c: {  	s0 =	sadd.s32 s1, s0;
	[dreg:$0x10] =	wrdreg s31  }
0x1d: {  	s15 =	sadd.s32 $0xE000, s4;
	s4 =	smax.u32 s6, $0x1;
	[dreg:$0x11] =	wrdreg s0  }
0x1e: {  	s28 =	simm.s32 $0x2;
	[dreg:$0x12] =	wrdreg s4;
	s6 =	sadd.s32 s7, s14  }
0x1f: {  	s29 =	simm.s32 $0x0;
	s7 =	sadd.s32 s10, s14;
	[dreg:$0x13] =	wrdreg s6  }
0x20: {  	s25 =	sshrl.u32 s24, $0x2;
	s10 =	sadd.s32 s11, s14;
	[dreg:$0x14] =	wrdreg s7  }
0x21: {  	s8 =	sadd.s32 s23, s22;
	s11 =	sadd.s32 s9, s14;
	[dreg:$0x15] =	wrdreg s10  }
0x22: {  	s21 =	sadd.s32 $0x180, s8;
	s20 =	sadd.s32 s13, s14;
	[dreg:$0x16] =	wrdreg s11  }
0x23: {  	s17 =	sadd.s32 s25, s14;
	s22 =	sadd.s32 s18, s14;
	[dreg:$0x17] =	wrdreg s20  }
0x24: {  	s23 =	sadd.s32 s12, s14;
	s24 =	sshrl.u32 s21, $0x3;
	[dreg:$0x18] =	wrdreg s22  }
0x25: {  	s25 =	sadd.s32 s19, s14;
	s26 =	sadd.s32 s5, s14;
	[dreg:$0x19] =	wrdreg s23  }
0x26: {  	s4 =	sadd.s32 $0x100, s8;
	s19 =	simm.s32 $0x8200;
	[dreg:$0x1a] =	wrdreg s25  }
0x27: {  	s21 =	simm.s32 $0x100;
	[dreg:$0x1b] =	wrdreg s26;
	s0 =	sadd.s32 s24, s1  }
0x28: {  	s3 =	sadd.s32 s24, s16;
	s30 =	sadd.s32 $0x2000, s17;
	s31 =	sadd.s32 $0x4000, s17  }
0x29: {  	s7 =	sadd.s32 $0x6000, s17;
	s8 =	sadd.s32 $0x8000, s17;
	s9 =	sadd.s32 $0xA000, s17  }
0x2a: {  	s10 =	sadd.s32 $0xC000, s17;
	s11 =	sadd.s32 $0xE000, s17;
	s12 =	sadd.s32 $0x10000, s17  }
0x2b: {  	s18 =	sadd.s32 $0x12000, s17;
	s20 =	simm.s32 $0x3;
	s22 =	simm.s32 $0x80  }
0x2c: {  	s23 =	simm.s32 $0x200;
	s24 =	simm.s32 $0x180;
	[dreg:$0x1c] =	wrdreg s30  }
0x2d: {  	v0 =	vimm.f32 $0.0e+00;
	s25 =	simm.s32 $0x4200;
	s26 =	simm.s32 $0x1;
	[dreg:$0x1d] =	wrdreg s31  }
.LBB2_1:
0x2e: {  	s13 =	sand.u32 $0x7E00, s2  }
0x2f: {  	s31 =	sand.u32 $0x70, s2;
	s13 =	sshrl.u32 s13, $0x2  }
0x30: {  	s30 =	simm.s32 $0x40;
	s13 =	sor.u32 s31, s13;
	s31 =	simm.s32 $0x0  }
.LBB2_2:
0x31: {  	p0 =	sne.s32 s30, $0x7FC0  }
0x32: {  	[tilespmem:s13+$0x8200] =	vst v0;
	s31 =	sadd.s32 $0x10, s31;
	s13 =	smov.u32 s30;
	s30 =	sadd.s32 $0x40, s30  }
.Ltmp0:
0x33: {  	(pc) =	sbr.rel @p0 .LBB2_2-.Ltmp0, $4  }
0x34: {  	_ = 	snop  }
0x35: {  	s13 =	sand.u32 $0x7E00, s13  }
0x36: {  	s5 =	sand.u32 $0x70, s31;
	s13 =	sshrl.u32 s13, $0x2  }
0x37: {  	s13 =	sor.u32 s5, s13  }
0x38: {  	[tilespmem:s13+$0x8200] =	vst v0  }
0x39: {  	[spmem:s17] =	stream.linear.scatter [tilespmem:s19], [sflag:$0x3], $0x2000, $0x38;
	[tilespmem:$0x1E200] =	vst v63  }
0x3a: {  	_ =	swait.ge [sflag:s20], $0x2000  }
0x3b: {  	[sflag:s20] =	ssyncset.done $0x0  }
0x3c: {  	s5 =	rddreg [dreg:$0x1c];
	[sflag:s20] =	ssyncadd.s32 $0xFFFFE000  }
0x3d: {  	[spmem:s5] =	stream.linear.scatter [tilespmem:s19], [sflag:$0x3], $0x2000, $0x38;
	[tilespmem:$0x1E200] =	vst v63  }
0x3e: {  	_ =	swait.ge [sflag:s20], $0x2000  }
0x3f: {  	[sflag:s20] =	ssyncset.done $0x0  }
0x40: {  	s6 =	rddreg [dreg:$0x1d];
	[sflag:s20] =	ssyncadd.s32 $0xFFFFE000  }
0x41: {  	[spmem:s6] =	stream.linear.scatter [tilespmem:s19], [sflag:$0x3], $0x2000, $0x38;
	[tilespmem:$0x1E200] =	vst v63  }
0x42: {  	_ =	swait.ge [sflag:s20], $0x2000  }
0x43: {  	[sflag:s20] =	ssyncset.done $0x0  }
0x44: {  	[sflag:s20] =	ssyncadd.s32 $0xFFFFE000  }
0x45: {  	[spmem:s7] =	stream.linear.scatter [tilespmem:s19], [sflag:$0x3], $0x2000, $0x38;
	[tilespmem:$0x1E200] =	vst v63  }
0x46: {  	_ =	swait.ge [sflag:s20], $0x2000  }
0x47: {  	[sflag:s20] =	ssyncset.done $0x0  }
0x48: {  	[sflag:s20] =	ssyncadd.s32 $0xFFFFE000  }
0x49: {  	[spmem:s8] =	stream.linear.scatter [tilespmem:s19], [sflag:$0x3], $0x2000, $0x38;
	[tilespmem:$0x1E200] =	vst v63  }
0x4a: {  	_ =	swait.ge [sflag:s20], $0x2000  }
0x4b: {  	[sflag:s20] =	ssyncset.done $0x0  }
0x4c: {  	[sflag:s20] =	ssyncadd.s32 $0xFFFFE000  }
0x4d: {  	[spmem:s9] =	stream.linear.scatter [tilespmem:s19], [sflag:$0x3], $0x2000, $0x38;
	[tilespmem:$0x1E200] =	vst v63  }
0x4e: {  	_ =	swait.ge [sflag:s20], $0x2000  }
0x4f: {  	[sflag:s20] =	ssyncset.done $0x0  }
0x50: {  	[sflag:s20] =	ssyncadd.s32 $0xFFFFE000  }
0x51: {  	[spmem:s10] =	stream.linear.scatter [tilespmem:s19], [sflag:$0x3], $0x2000, $0x38;
	[tilespmem:$0x1E200] =	vst v63  }
0x52: {  	_ =	swait.ge [sflag:s20], $0x2000  }
0x53: {  	[sflag:s20] =	ssyncset.done $0x0  }
0x54: {  	[sflag:s20] =	ssyncadd.s32 $0xFFFFE000  }
0x55: {  	[spmem:s11] =	stream.linear.scatter [tilespmem:s19], [sflag:$0x3], $0x2000, $0x38;
	[tilespmem:$0x1E200] =	vst v63  }
0x56: {  	_ =	swait.ge [sflag:s20], $0x2000  }
0x57: {  	[sflag:s20] =	ssyncset.done $0x0  }
0x58: {  	[sflag:s20] =	ssyncadd.s32 $0xFFFFE000  }
0x59: {  	[spmem:s12] =	stream.linear.scatter [tilespmem:s19], [sflag:$0x3], $0x2000, $0x38;
	[tilespmem:$0x1E200] =	vst v63  }
0x5a: {  	_ =	swait.ge [sflag:s20], $0x2000  }
0x5b: {  	[sflag:s20] =	ssyncset.done $0x0  }
0x5c: {  	[sflag:s20] =	ssyncadd.s32 $0xFFFFE000  }
0x5d: {  	[spmem:s18] =	stream.linear.scatter [tilespmem:s19], [sflag:$0x3], $0x2000, $0x38;
	[tilespmem:$0x1E200] =	vst v63  }
0x5e: {  	_ =	swait.ge [sflag:s20], $0x2000  }
0x5f: {  	[sflag:s20] =	ssyncset.done $0x0  }
0x60: {  	[sflag:s20] =	ssyncadd.s32 $0xFFFFE000  }
0x61: {  	[bflag:$0x0] =	sbarrier.arrive $0xFFFF  }
0x62: {  	s5 =	simm.s32 $0x0;
	s6 =	rddreg [dreg:$0xe]  }
0x63: {  	[tilespmem:s5], [sflag:$0x3] =	stream.linear.gather [hbm4b:s6+s5], $0x80, $0x38;
	[tilespmem:$0x1E200] =	vst v63  }
0x64: {  	_ =	swait.ge [sflag:s20], $0x80  }
0x65: {  	[sflag:s20] =	ssyncset.done $0x0  }
0x66: {  	s13 =	rddreg [dreg:$0xf];
	[sflag:s20] =	ssyncadd.s32 $0xFFFFFF80  }
0x67: {  	[tilespmem:s21], [sflag:$0x3] =	stream.linear.gather [hbm4b:s13+s5], $0x80, $0x38;
	[tilespmem:$0x1E200] =	vst v63  }
0x68: {  	_ =	swait.ge [sflag:s20], $0x80  }
0x69: {  	[sflag:s20] =	ssyncset.done $0x0  }
0x6a: {  	[sflag:s20] =	ssyncadd.s32 $0xFFFFFF80  }
0x6b: {  	[tilespmem:s23], [sflag:$0x1] =	stream.indirect.gather [hbm4b:s15+s22], $0x80, s5, s22, $0xb8;
	[tilespmem:$0x1E200] =	vst v63  }
0x6c: {  	s13 =	rddreg [dreg:$0x10]  }
0x6d: {  	[tilespmem:s22], [sflag:$0x3] =	stream.linear.gather [hbm4b:s13+s5], $0x80, $0x38;
	[tilespmem:$0x1E200] =	vst v63  }
0x6e: {  	_ =	swait.ge [sflag:s20], $0x80  }
0x6f: {  	[sflag:s20] =	ssyncset.done $0x0  }
0x70: {  	s13 =	rddreg [dreg:$0x11];
	[sflag:s20] =	ssyncadd.s32 $0xFFFFFF80  }
0x71: {  	[tilespmem:s24], [sflag:$0x3] =	stream.linear.gather [hbm4b:s13+s5], $0x80, $0x38;
	[tilespmem:$0x1E200] =	vst v63  }
0x72: {  	_ =	swait.ge [sflag:s20], $0x80  }
0x73: {  	[sflag:s20] =	ssyncset.done $0x0  }
0x74: {  	[sflag:s20] =	ssyncadd.s32 $0xFFFFFF80  }
0x75: {  	[tilespmem:s25], [sflag:$0x2] =	stream.indirect.gather [hbm4b:s15+s22], $0x80, s22, s22, $0xb8;
	[tilespmem:$0x1E200] =	vst v63  }
0x76: {  	_ =	swait.ge [sflag:s26], $0x4000  }
0x77: {  	[sflag:s26] =	ssyncset.done $0x0  }
0x78: {  	[sflag:s26] =	ssyncadd.s32 $0xFFFFC000  }
0x79: {  	[spmem:s14] =	stream.indirect.scatter.add.f32 [tilespmem:s23], [sflag:$0x3], $0x80, s21, s22, $0xb8;
	[tilespmem:$0x1E200] =	vst v63  }
0x7a: {  	_ =	swait.ge [sflag:s20], $0x4000  }
0x7b: {  	s5 =	sshrl.u32 s4, $0x3;
	[sflag:s20] =	ssyncset.done $0x0  }
0x7c: {  	s6 =	sadd.s32 s16, s5;
	[sflag:s20] =	ssyncadd.s32 $0xFFFFC000  }
0x7d: {  	[tilespmem:s2], [sflag:$0x3] =	stream.linear.gather [hbm4b:s6+s2], $0x80, $0x38;
	[tilespmem:$0x1E200] =	vst v63  }
0x7e: {  	_ =	swait.ge [sflag:s20], $0x80  }
0x7f: {  	[sflag:s20] =	ssyncset.done $0x0  }
0x80: {  	s5 =	sadd.s32 s1, s5;
	[sflag:s20] =	ssyncadd.s32 $0xFFFFFF80  }
0x81: {  	[tilespmem:s21], [sflag:$0x3] =	stream.linear.gather [hbm4b:s5+s2], $0x80, $0x38;
	[tilespmem:$0x1E200] =	vst v63  }
0x82: {  	_ =	swait.ge [sflag:s20], $0x80  }
0x83: {  	[sflag:s20] =	ssyncset.done $0x0  }
0x84: {  	[sflag:s20] =	ssyncadd.s32 $0xFFFFFF80  }
0x85: {  	[tilespmem:s23], [sflag:$0x1] =	stream.indirect.gather [hbm4b:s15+s22], $0x80, s2, s22, $0xb8;
	[tilespmem:$0x1E200] =	vst v63  }
0x86: {  	_ =	swait.ge [sflag:s28], $0x4000  }
0x87: {  	[sflag:s28] =	ssyncset.done $0x0  }
0x88: {  	[sflag:s28] =	ssyncadd.s32 $0xFFFFC000  }
0x89: {  	[spmem:s14] =	stream.indirect.scatter.add.f32 [tilespmem:s25], [sflag:$0x3], $0x80, s24, s22, $0xb8;
	[tilespmem:$0x1E200] =	vst v63  }
0x8a: {  	_ =	swait.ge [sflag:s20], $0x4000  }
0x8b: {  	[sflag:s20] =	ssyncset.done $0x0  }
0x8c: {  	s6 =	sadd.s32 $0x0, s3;
	[sflag:s20] =	ssyncadd.s32 $0xFFFFC000  }
0x8d: {  	[tilespmem:s22], [sflag:$0x3] =	stream.linear.gather [hbm4b:s6+s2], $0x80, $0x38;
	[tilespmem:$0x1E200] =	vst v63  }
0x8e: {  	_ =	swait.ge [sflag:s20], $0x80  }
0x8f: {  	[sflag:s20] =	ssyncset.done $0x0  }
0x90: {  	s13 =	sadd.s32 $0x0, s0;
	[sflag:s20] =	ssyncadd.s32 $0xFFFFFF80  }
0x91: {  	[tilespmem:s24], [sflag:$0x3] =	stream.linear.gather [hbm4b:s13+s2], $0x80, $0x38;
	[tilespmem:$0x1E200] =	vst v63  }
0x92: {  	_ =	swait.ge [sflag:s20], $0x80  }
0x93: {  	[sflag:s20] =	ssyncset.done $0x0  }
0x94: {  	s30 =	simm.s32 $0x20;
	s31 =	sadd.s32 $0x100, s4;
	[sflag:s20] =	ssyncadd.s32 $0xFFFFFF80  }
.LBB2_4:
0x95: {  	[tilespmem:s25], [sflag:$0x2] =	stream.indirect.gather [hbm4b:s15+s22], $0x80, s22, s22, $0xb8;
	[tilespmem:$0x1E200] =	vst v63  }
0x96: {  	s5 =	smov.u32 s30  }
0x97: {  	p0 =	sne.s32 s30, $0x4E0;
	s30 =	sadd.s32 $0x20, s30;
	_ =	swait.ge [sflag:s26], $0x4000  }
0x98: {  	[sflag:s26] =	ssyncset.done $0x0  }
0x99: {  	[sflag:s26] =	ssyncadd.s32 $0xFFFFC000  }
0x9a: {  	[spmem:s14] =	stream.indirect.scatter.add.f32 [tilespmem:s23], [sflag:$0x3], $0x80, s21, s22, $0xb8;
	[tilespmem:$0x1E200] =	vst v63  }
0x9b: {  	_ =	swait.ge [sflag:s20], $0x4000  }
0x9c: {  	s13 =	sshrl.u32 s31, $0x3;
	[sflag:s20] =	ssyncset.done $0x0  }
0x9d: {  	s6 =	sadd.s32 s16, s13;
	[sflag:s20] =	ssyncadd.s32 $0xFFFFC000  }
0x9e: {  	[tilespmem:s2], [sflag:$0x3] =	stream.linear.gather [hbm4b:s6+s2], $0x80, $0x38;
	[tilespmem:$0x1E200] =	vst v63  }
0x9f: {  	_ =	swait.ge [sflag:s20], $0x80  }
0xa0: {  	[sflag:s20] =	ssyncset.done $0x0  }
0xa1: {  	s6 =	sadd.s32 s1, s13;
	[sflag:s20] =	ssyncadd.s32 $0xFFFFFF80  }
0xa2: {  	[tilespmem:s21], [sflag:$0x3] =	stream.linear.gather [hbm4b:s6+s2], $0x80, $0x38;
	[tilespmem:$0x1E200] =	vst v63  }
0xa3: {  	_ =	swait.ge [sflag:s20], $0x80  }
0xa4: {  	[sflag:s20] =	ssyncset.done $0x0  }
0xa5: {  	[sflag:s20] =	ssyncadd.s32 $0xFFFFFF80  }
0xa6: {  	[tilespmem:s23], [sflag:$0x1] =	stream.indirect.gather [hbm4b:s15+s22], $0x80, s2, s22, $0xb8;
	[tilespmem:$0x1E200] =	vst v63  }
0xa7: {  	_ =	swait.ge [sflag:s28], $0x4000  }
0xa8: {  	[sflag:s28] =	ssyncset.done $0x0  }
0xa9: {  	[sflag:s28] =	ssyncadd.s32 $0xFFFFC000  }
0xaa: {  	[spmem:s14] =	stream.indirect.scatter.add.f32 [tilespmem:s25], [sflag:$0x3], $0x80, s24, s22, $0xb8;
	[tilespmem:$0x1E200] =	vst v63  }
0xab: {  	_ =	swait.ge [sflag:s20], $0x4000  }
0xac: {  	[sflag:s20] =	ssyncset.done $0x0  }
0xad: {  	s6 =	sadd.s32 s5, s3;
	[sflag:s20] =	ssyncadd.s32 $0xFFFFC000  }
0xae: {  	[tilespmem:s22], [sflag:$0x3] =	stream.linear.gather [hbm4b:s6+s2], $0x80, $0x38;
	[tilespmem:$0x1E200] =	vst v63  }
0xaf: {  	_ =	swait.ge [sflag:s20], $0x80  }
0xb0: {  	[sflag:s20] =	ssyncset.done $0x0  }
.Ltmp1:
0xb1: {  	s5 =	sadd.s32 s5, s0;
	[sflag:s20] =	ssyncadd.s32 $0xFFFFFF80;
	(pc) =	sbr.rel @p0 .LBB2_4-.Ltmp1, $4  }
0xb2: {  	[tilespmem:s24], [sflag:$0x3] =	stream.linear.gather [hbm4b:s5+s2], $0x80, $0x38;
	[tilespmem:$0x1E200] =	vst v63  }
0xb3: {  	_ =	swait.ge [sflag:s20], $0x80  }
0xb4: {  	[sflag:s20] =	ssyncset.done $0x0  }
0xb5: {  	s31 =	sadd.s32 $0x100, s31;
	[sflag:s20] =	ssyncadd.s32 $0xFFFFFF80  }
0xb6: {  	[tilespmem:s25], [sflag:$0x2] =	stream.indirect.gather [hbm4b:s15+s22], $0x80, s22, s22, $0xb8;
	[tilespmem:$0x1E200] =	vst v63  }
0xb7: {  	_ =	swait.ge [sflag:s26], $0x4000  }
0xb8: {  	[sflag:s26] =	ssyncset.done $0x0  }
0xb9: {  	[sflag:s26] =	ssyncadd.s32 $0xFFFFC000  }
0xba: {  	[spmem:s14] =	stream.indirect.scatter.add.f32 [tilespmem:s23], [sflag:$0x3], $0x80, s21, s22, $0xb8;
	[tilespmem:$0x1E200] =	vst v63  }
0xbb: {  	_ =	swait.ge [sflag:s20], $0x4000  }
0xbc: {  	[sflag:s20] =	ssyncset.done $0x0  }
0xbd: {  	[sflag:s20] =	ssyncadd.s32 $0xFFFFC000  }
0xbe: {  	_ =	swait.ge [sflag:s28], $0x4000  }
0xbf: {  	[sflag:s28] =	ssyncset.done $0x0  }
0xc0: {  	[sflag:s28] =	ssyncadd.s32 $0xFFFFC000  }
0xc1: {  	[spmem:s14] =	stream.indirect.scatter.add.f32 [tilespmem:s25], [sflag:$0x3], $0x80, s24, s22, $0xb8;
	[tilespmem:$0x1E200] =	vst v63  }
0xc2: {  	_ =	swait.ge [sflag:s20], $0x4000  }
0xc3: {  	[sflag:s20] =	ssyncset.done $0x0  }
0xc4: {  	[sflag:s20] =	ssyncadd.s32 $0xFFFFC000  }
0xc5: {  	[bflag:$0x0] =	sbarrier.arrive $0xFFFF  }
0xc6: {  	[tilespmem:s19], [sflag:$0x3] =	stream.linear.gather [spmem:s17], $0x2000, $0x38;
	[tilespmem:$0x1E200] =	vst v63  }
0xc7: {  	_ =	swait.ge [sflag:s20], $0x2000  }
0xc8: {  	[sflag:s20] =	ssyncset.done $0x0  }
0xc9: {  	s5 =	rddreg [dreg:$0x4];
	[sflag:s20] =	ssyncadd.s32 $0xFFFFE000  }
0xca: {  	[hbm4b:s5+s2] =	stream.linear.scatter [tilespmem:s19], [sflag:$0x3], $0x2000, $0x38;
	[tilespmem:$0x1E200] =	vst v63  }
0xcb: {  	_ =	swait.ge [sflag:s20], $0x2000  }
0xcc: {  	[sflag:s20] =	ssyncset.done $0x0  }
0xcd: {  	s13 =	rddreg [dreg:$0x13];
	[sflag:s20] =	ssyncadd.s32 $0xFFFFE000  }
0xce: {  	[tilespmem:s19], [sflag:$0x3] =	stream.linear.gather [spmem:s13], $0x2000, $0x38;
	[tilespmem:$0x1E200] =	vst v63  }
0xcf: {  	_ =	swait.ge [sflag:s20], $0x2000  }
0xd0: {  	[sflag:s20] =	ssyncset.done $0x0  }
0xd1: {  	s30 =	rddreg [dreg:$0x5];
	[sflag:s20] =	ssyncadd.s32 $0xFFFFE000  }
0xd2: {  	[hbm4b:s30+s2] =	stream.linear.scatter [tilespmem:s19], [sflag:$0x3], $0x2000, $0x38;
	[tilespmem:$0x1E200] =	vst v63  }
0xd3: {  	_ =	swait.ge [sflag:s20], $0x2000  }
0xd4: {  	[sflag:s20] =	ssyncset.done $0x0  }
0xd5: {  	s31 =	rddreg [dreg:$0x14];
	[sflag:s20] =	ssyncadd.s32 $0xFFFFE000  }
0xd6: {  	[tilespmem:s19], [sflag:$0x3] =	stream.linear.gather [spmem:s31], $0x2000, $0x38;
	[tilespmem:$0x1E200] =	vst v63  }
0xd7: {  	_ =	swait.ge [sflag:s20], $0x2000  }
0xd8: {  	[sflag:s20] =	ssyncset.done $0x0  }
0xd9: {  	s6 =	rddreg [dreg:$0x6];
	[sflag:s20] =	ssyncadd.s32 $0xFFFFE000  }
0xda: {  	[hbm4b:s6+s2] =	stream.linear.scatter [tilespmem:s19], [sflag:$0x3], $0x2000, $0x38;
	[tilespmem:$0x1E200] =	vst v63  }
0xdb: {  	_ =	swait.ge [sflag:s20], $0x2000  }
0xdc: {  	[sflag:s20] =	ssyncset.done $0x0  }
0xdd: {  	s13 =	rddreg [dreg:$0x15];
	[sflag:s20] =	ssyncadd.s32 $0xFFFFE000  }
0xde: {  	[tilespmem:s19], [sflag:$0x3] =	stream.linear.gather [spmem:s13], $0x2000, $0x38;
	[tilespmem:$0x1E200] =	vst v63  }
0xdf: {  	_ =	swait.ge [sflag:s20], $0x2000  }
0xe0: {  	[sflag:s20] =	ssyncset.done $0x0  }
0xe1: {  	s30 =	rddreg [dreg:$0x7];
	[sflag:s20] =	ssyncadd.s32 $0xFFFFE000  }
0xe2: {  	[hbm4b:s30+s2] =	stream.linear.scatter [tilespmem:s19], [sflag:$0x3], $0x2000, $0x38;
	[tilespmem:$0x1E200] =	vst v63  }
0xe3: {  	_ =	swait.ge [sflag:s20], $0x2000  }
0xe4: {  	[sflag:s20] =	ssyncset.done $0x0  }
0xe5: {  	s31 =	rddreg [dreg:$0x16];
	[sflag:s20] =	ssyncadd.s32 $0xFFFFE000  }
0xe6: {  	[tilespmem:s19], [sflag:$0x3] =	stream.linear.gather [spmem:s31], $0x2000, $0x38;
	[tilespmem:$0x1E200] =	vst v63  }
0xe7: {  	_ =	swait.ge [sflag:s20], $0x2000  }
0xe8: {  	[sflag:s20] =	ssyncset.done $0x0  }
0xe9: {  	s6 =	rddreg [dreg:$0x8];
	[sflag:s20] =	ssyncadd.s32 $0xFFFFE000  }
0xea: {  	[hbm4b:s6+s2] =	stream.linear.scatter [tilespmem:s19], [sflag:$0x3], $0x2000, $0x38;
	[tilespmem:$0x1E200] =	vst v63  }
0xeb: {  	_ =	swait.ge [sflag:s20], $0x2000  }
0xec: {  	[sflag:s20] =	ssyncset.done $0x0  }
0xed: {  	s13 =	rddreg [dreg:$0x17];
	[sflag:s20] =	ssyncadd.s32 $0xFFFFE000  }
0xee: {  	[tilespmem:s19], [sflag:$0x3] =	stream.linear.gather [spmem:s13], $0x2000, $0x38;
	[tilespmem:$0x1E200] =	vst v63  }
0xef: {  	_ =	swait.ge [sflag:s20], $0x2000  }
0xf0: {  	[sflag:s20] =	ssyncset.done $0x0  }
0xf1: {  	s30 =	rddreg [dreg:$0x9];
	[sflag:s20] =	ssyncadd.s32 $0xFFFFE000  }
0xf2: {  	[hbm4b:s30+s2] =	stream.linear.scatter [tilespmem:s19], [sflag:$0x3], $0x2000, $0x38;
	[tilespmem:$0x1E200] =	vst v63  }
0xf3: {  	_ =	swait.ge [sflag:s20], $0x2000  }
0xf4: {  	[sflag:s20] =	ssyncset.done $0x0  }
0xf5: {  	s31 =	rddreg [dreg:$0x18];
	[sflag:s20] =	ssyncadd.s32 $0xFFFFE000  }
0xf6: {  	[tilespmem:s19], [sflag:$0x3] =	stream.linear.gather [spmem:s31], $0x2000, $0x38;
	[tilespmem:$0x1E200] =	vst v63  }
0xf7: {  	_ =	swait.ge [sflag:s20], $0x2000  }
0xf8: {  	[sflag:s20] =	ssyncset.done $0x0  }
0xf9: {  	s6 =	rddreg [dreg:$0xa];
	[sflag:s20] =	ssyncadd.s32 $0xFFFFE000  }
0xfa: {  	[hbm4b:s6+s2] =	stream.linear.scatter [tilespmem:s19], [sflag:$0x3], $0x2000, $0x38;
	[tilespmem:$0x1E200] =	vst v63  }
0xfb: {  	_ =	swait.ge [sflag:s20], $0x2000  }
0xfc: {  	[sflag:s20] =	ssyncset.done $0x0  }
0xfd: {  	s13 =	rddreg [dreg:$0x19];
	[sflag:s20] =	ssyncadd.s32 $0xFFFFE000  }
0xfe: {  	[tilespmem:s19], [sflag:$0x3] =	stream.linear.gather [spmem:s13], $0x2000, $0x38;
	[tilespmem:$0x1E200] =	vst v63  }
0xff: {  	_ =	swait.ge [sflag:s20], $0x2000  }
0x100: {  	[sflag:s20] =	ssyncset.done $0x0  }
0x101: {  	s30 =	rddreg [dreg:$0xb];
	[sflag:s20] =	ssyncadd.s32 $0xFFFFE000  }
0x102: {  	[hbm4b:s30+s2] =	stream.linear.scatter [tilespmem:s19], [sflag:$0x3], $0x2000, $0x38;
	[tilespmem:$0x1E200] =	vst v63  }
0x103: {  	_ =	swait.ge [sflag:s20], $0x2000  }
0x104: {  	[sflag:s20] =	ssyncset.done $0x0  }
0x105: {  	s31 =	rddreg [dreg:$0x1a];
	[sflag:s20] =	ssyncadd.s32 $0xFFFFE000  }
0x106: {  	[tilespmem:s19], [sflag:$0x3] =	stream.linear.gather [spmem:s31], $0x2000, $0x38;
	[tilespmem:$0x1E200] =	vst v63  }
0x107: {  	_ =	swait.ge [sflag:s20], $0x2000  }
0x108: {  	[sflag:s20] =	ssyncset.done $0x0  }
0x109: {  	s6 =	rddreg [dreg:$0xc];
	[sflag:s20] =	ssyncadd.s32 $0xFFFFE000  }
0x10a: {  	[hbm4b:s6+s2] =	stream.linear.scatter [tilespmem:s19], [sflag:$0x3], $0x2000, $0x38;
	[tilespmem:$0x1E200] =	vst v63  }
0x10b: {  	_ =	swait.ge [sflag:s20], $0x2000  }
0x10c: {  	[sflag:s20] =	ssyncset.done $0x0  }
0x10d: {  	s13 =	rddreg [dreg:$0x1b];
	[sflag:s20] =	ssyncadd.s32 $0xFFFFE000  }
0x10e: {  	[tilespmem:s19], [sflag:$0x3] =	stream.linear.gather [spmem:s13], $0x2000, $0x38;
	[tilespmem:$0x1E200] =	vst v63  }
0x10f: {  	_ =	swait.ge [sflag:s20], $0x2000  }
0x110: {  	[sflag:s20] =	ssyncset.done $0x0  }
0x111: {  	s30 =	rddreg [dreg:$0xd];
	[sflag:s20] =	ssyncadd.s32 $0xFFFFE000  }
0x112: {  	[hbm4b:s30+s2] =	stream.linear.scatter [tilespmem:s19], [sflag:$0x3], $0x2000, $0x38;
	[tilespmem:$0x1E200] =	vst v63  }
0x113: {  	_ =	swait.ge [sflag:s20], $0x2000  }
0x114: {  	s29 =	sadd.s32 $0x1, s29;
	s31 =	rddreg [dreg:$0x12]  }
0x115: {  	p0 =	sne.s32 s29, s31  }
.Ltmp2:
0x116: {  	_ = 	snop;
	(pc) =	sbr.rel @p0 .LBB2_1-.Ltmp2, $3  }
0x117: {  	_ =	sdelay $0x1  }
0x118: {  	[sflag:s20] =	ssyncset.done $0x0  }
0x119: {  	[sflag:s20] =	ssyncadd.s32 $0xFFFFE000  }
0x11a: {  	_ =	sfence.sel $0x180000  }
0x11b: {  	[bflag:$0x0] =	sbarrier.arrive $0xFFFF  }
0x11c: {  	_ =	strace $0x90000050  }
0x11d: {  	s0 =	stileid.u32;
	[bflag:$0x2] =	sbarrier.arrive $0xFFFF  }
0x11e: {  	p0 =	sne.s32 s0, $0x0;
	s0 =	rddreg [dreg:$0x3]  }
0x11f: {  	s0 =	sadd.s32 @!p0 $0x100000, s0  }
0x120: {  	[sflag:s0] =	ssyncadd.tile.s32 @!p0 $0x1;
	_ =	shalt  }
.Lfunc_end2:
_tile_overlayer_lowered:
.L_overlay_start_2:
0x121: {  	(tag) =	ssettag $0x2  }
0x122: {  	s0 =	rddreg [dreg:$0x0];
	s2 =	stileid.u32  }
0x123: {  	s1 =	rddreg [dreg:$0x1];
	p0 =	sne.s32 s2, $0x0  }
0x124: {  	s3 =	rddreg [dreg:$0x2];
	[bflag:$0x3] =	sbarrier.arrive $0xFFFF;
	s2 =	simm.s32 @!p0 $0x1C03  }
0x125: {  	[timem:s3], [sflag:s2] =	dma.local @!p0 [hbm:s0], s1  }
0x126: {  	s0 =	simm.s32 @!p0 $0x3  }
0x127: {  	_ =	swait.ge @!p0 [sflag:s0], s1  }
0x128: {  	s1 =	ssub.s32 @!p0 $0x0, s1;
	[sflag:s0] =	ssyncset.done @!p0 $0x0  }
0x129: {  	[sflag:s0] =	ssyncadd.s32 @!p0 s1  }
0x12a: {  	[bflag:$0x3] =	sbarrier.arrive $0xFFFF  }
0x12b: {  	_ =	shalt  }

</sc_bundles>
